<compile_context>
chip_gen: v7x
topology: tpu7x:2x2x1
jax: 0.10.2.dev20260603
libtpu: 0.0.44.dev20260713+nightly
codegen_flags: <defaults>
</compile_context>

<pallas_src>
import functools

import jax
import jax.numpy as jnp
from jax import lax
from jax.experimental import pallas as pl
from jax.experimental.pallas import tpu as pltpu
from jax.experimental.pallas import tpu_sc as plsc

B = 16384
D = 128
L = 16
NC = 2
NS = 16
NW = NC * NS
B_W = B // NW
C = 128
NCH = B_W // C
G = C // L


def _mf_body(user_h, item_h, uew_h, iew_h, ubw_h, ibw_h, out_h,
             uidx, iidx, ue, ie, ub, ib, outc, sems, semb, semi):
    cid = lax.axis_index("c")
    sid = lax.axis_index("s")
    wid = sid * NC + cid
    base = wid * B_W

    def start(c, buf):
        return (pltpu.async_copy(uew_h.at[uidx.at[c]], ue.at[buf], sems[buf]),
                pltpu.async_copy(iew_h.at[iidx.at[c]], ie.at[buf], sems[buf]))

    h0u = pltpu.async_copy(user_h.at[wid, 0], uidx.at[0], semi)
    h0i = pltpu.async_copy(item_h.at[wid, 0], iidx.at[0], semi)
    h0u.wait()
    h0i.wait()
    pending = {0: start(0, 0)}
    hru = pltpu.async_copy(user_h.at[wid, pl.ds(1, NCH - 1)],
                           uidx.at[pl.ds(1, NCH - 1)], semi)
    hri = pltpu.async_copy(item_h.at[wid, pl.ds(1, NCH - 1)],
                           iidx.at[pl.ds(1, NCH - 1)], semi)
    hru.wait()
    hri.wait()
    pending[1] = start(1, 1)

    bias_handles = []
    for c in range(NCH):
        bias_handles.append(pltpu.async_copy(ubw_h.at[uidx.at[c]], ub.at[c], semb))
        bias_handles.append(pltpu.async_copy(ibw_h.at[iidx.at[c]], ib.at[c], semb))

    lane = lax.iota(jnp.int32, L)
    rows = [lane + (g * L) for g in range(G)]

    for c in range(NCH):
        buf = c % 2
        if c + 1 < NCH and c + 1 not in pending:
            pending[c + 1] = start(c + 1, 1 - buf)
        for h in pending.pop(c):
            h.wait()

        uec = ue.at[buf]
        iec = ie.at[buf]

        def fbody(f, accs):
            cols = jnp.bitwise_and(lane + f, D - 1)
            out = []
            for g in range(G):
                uv = plsc.load_gather(uec, [rows[g], cols])
                iv = plsc.load_gather(iec, [rows[g], cols])
                out.append(accs[g] + uv * iv)
            return tuple(out)

        accs = lax.fori_loop(
            0, D, fbody, tuple(jnp.zeros((L,), jnp.float32) for _ in range(G)),
            unroll=2,
        )
        if c == 0:
            for h in bias_handles:
                h.wait()
        for g in range(G):
            res = accs[g] + ub[c, pl.ds(g * L, L)] + ib[c, pl.ds(g * L, L)]
            outc[pl.ds(g * L, L)] = res

        off = pl.multiple_of(base + c * C, C)
        pltpu.sync_copy(outc, out_h.at[pl.ds(off, C)])


_mf = functools.partial(
    pl.kernel,
    out_type=jax.ShapeDtypeStruct((B,), jnp.float32),
    mesh=plsc.VectorSubcoreMesh(core_axis_name="c", subcore_axis_name="s"),
    compiler_params=pltpu.CompilerParams(needs_layout_passes=False),
    scratch_types=[
        pltpu.VMEM((NCH, C), jnp.int32),
        pltpu.VMEM((NCH, C), jnp.int32),
        pltpu.VMEM((2, C, D), jnp.float32),
        pltpu.VMEM((2, C, D), jnp.float32),
        pltpu.VMEM((NCH, C), jnp.float32),
        pltpu.VMEM((NCH, C), jnp.float32),
        pltpu.VMEM((C,), jnp.float32),
        [pltpu.SemaphoreType.DMA, pltpu.SemaphoreType.DMA],
        pltpu.SemaphoreType.DMA,
        pltpu.SemaphoreType.DMA,
    ],
)(_mf_body)


@jax.jit
def kernel(user, item, user_embed_w, item_embed_w, user_bias_w, item_bias_w):
    user_r = user.astype(jnp.int32).reshape(NW, NCH, C)
    item_r = item.astype(jnp.int32).reshape(NW, NCH, C)
    ub_flat = user_bias_w.reshape(-1)
    ib_flat = item_bias_w.reshape(-1)
    return _mf(user_r, item_r, user_embed_w, item_embed_w, ub_flat, ib_flat)

# --- scband reference (transcript-rebuilt; emitter-appended) ---
"""Pipeline reference for scband-mf-21199958573476 (READ-ONLY COPY).

The authoritative reference and input builder live on the scoring server;
editing this copy changes nothing except your own understanding.
"""

import jax, jax.numpy as jnp
import numpy as np

N_USERS = 100000
N_ITEMS = 100000
N_FACTORS = 128
BATCH = 16384


def setup_inputs(seed: int = 0) -> dict:
    key = jax.random.key(seed)
    k_u, k_i, k_we, k_ie, k_ub, k_ib = jax.random.split(key, 6)
    user = jax.random.randint(k_u, (BATCH,), 0, N_USERS + 1, dtype=jnp.int64 if jax.config.jax_enable_x64 else jnp.int32)
    item = jax.random.randint(k_i, (BATCH,), 0, N_ITEMS + 1, dtype=jnp.int64 if jax.config.jax_enable_x64 else jnp.int32)
    user_embed_w = jax.random.uniform(k_we, (N_USERS + 1, N_FACTORS), minval=-0.01, maxval=0.01, dtype=jnp.float32)
    item_embed_w = jax.random.uniform(k_ie, (N_ITEMS + 1, N_FACTORS), minval=-0.01, maxval=0.01, dtype=jnp.float32)
    user_bias_w = jax.random.uniform(k_ub, (N_USERS + 1, 1), minval=-0.01, maxval=0.01, dtype=jnp.float32)
    item_bias_w = jax.random.uniform(k_ib, (N_ITEMS + 1, 1), minval=-0.01, maxval=0.01, dtype=jnp.float32)
    return {
        "user": user,
        "item": item,
        "user_embed_w": user_embed_w,
        "item_embed_w": item_embed_w,
        "user_bias_w": user_bias_w,
        "item_bias_w": item_bias_w,
    }


def reference(user, item, user_embed_w, item_embed_w, user_bias_w, item_bias_w):
    user_embed = jnp.take(user_embed_w, user, axis=0)
    item_embed = jnp.take(item_embed_w, item, axis=0)
    user_bias = jnp.take(user_bias_w, user, axis=0)
    item_bias = jnp.take(item_bias_w, item, axis=0)
    return jnp.sum(user_embed * item_embed, axis=1) + jnp.squeeze(user_bias) + jnp.squeeze(item_bias)

if __name__ == "__main__":
    import jax
    _d = setup_inputs()
    print(jax.jit(kernel)(*tuple(_d.values())))

</pallas_src>

<mosaic_0001>
#map = affine_map<(d0, d1) -> (0, 0, 0)>
#map1 = affine_map<(d0, d1) -> (0, 0)>
#map2 = affine_map<(d0, d1) -> (0)>
module attributes {stable_mosaic.version = 14 : i64} {
  func.func @_mf_body(%arg0: i32, %arg1: i32, %arg2: memref<32x4x128xi32, #tpu.memory_space<hbm>>, %arg3: memref<32x4x128xi32, #tpu.memory_space<hbm>>, %arg4: memref<100001x128xf32, #tpu.memory_space<hbm>>, %arg5: memref<100001x128xf32, #tpu.memory_space<hbm>>, %arg6: memref<100001xf32, #tpu.memory_space<hbm>>, %arg7: memref<100001xf32, #tpu.memory_space<hbm>>, %arg8: memref<16384xf32, #tpu.memory_space<hbm>>, %arg9: memref<4x128xi32, #tpu.memory_space<vmem>>, %arg10: memref<4x128xi32, #tpu.memory_space<vmem>>, %arg11: memref<2x128x128xf32, #tpu.memory_space<vmem>>, %arg12: memref<2x128x128xf32, #tpu.memory_space<vmem>>, %arg13: memref<4x128xf32, #tpu.memory_space<vmem>>, %arg14: memref<4x128xf32, #tpu.memory_space<vmem>>, %arg15: memref<128xf32, #tpu.memory_space<vmem>>, %arg16: memref<!tpu.dma_semaphore, #tpu.memory_space<semaphore_mem>>, %arg17: memref<!tpu.dma_semaphore, #tpu.memory_space<semaphore_mem>>, %arg18: memref<!tpu.dma_semaphore, #tpu.memory_space<semaphore_mem>>, %arg19: memref<!tpu.dma_semaphore, #tpu.memory_space<semaphore_mem>>) attributes {dimension_semantics = [#tpu.dimension_semantics<core_parallel>, #tpu.dimension_semantics<subcore_parallel>], iteration_bounds = array<i64: 2, 16>, scalar_prefetch = 0 : i64, scratch_operands = 11 : i64, tpu.core_type = #tpu.core_type<sc_vector_subcore>, window_params = [{transform_indices = #map}, {transform_indices = #map}, {transform_indices = #map1}, {transform_indices = #map1}, {transform_indices = #map2}, {transform_indices = #map2}, {transform_indices = #map2}]} {
    %mul3A = arith.constant 2 : i32
    %mul3A_0 = arith.muli %arg1, %mul3A : i32
    %add3A = arith.addi %mul3A_0, %arg0 : i32
    %mul3A_1 = arith.constant 512 : i32
    %mul3A_2 = arith.muli %add3A, %mul3A_1 : i32
    %dma_start3A = arith.constant 0 : i32
    %dma_start3A_3 = arith.constant 0 : i32
    %dma_start3A_4 = arith.constant 0 : i32
    %dma_start3A_5 = tpu.memref_slice %arg9[%dma_start3A_3, %dma_start3A_4] : memref<4x128xi32, #tpu.memory_space<vmem>> -> memref<1x128xi32, #tpu.memory_space<vmem>>
    %dma_start3A_6 = tpu.memref_squeeze %dma_start3A_5 : memref<1x128xi32, #tpu.memory_space<vmem>> -> memref<128xi32, #tpu.memory_space<vmem>>
    %dma_start3A_7 = arith.constant 0 : i32
    %dma_start3A_8 = tpu.memref_slice %arg2[%add3A, %dma_start3A, %dma_start3A_7] : memref<32x4x128xi32, #tpu.memory_space<hbm>> -> memref<1x1x128xi32, #tpu.memory_space<hbm>>
    %dma_start3A_9 = tpu.memref_squeeze %dma_start3A_8 : memref<1x1x128xi32, #tpu.memory_space<hbm>> -> memref<128xi32, #tpu.memory_space<hbm>>
    %dma_start3A_10 = arith.constant 0 : i32
    %dma_start3A_11 = tpu.memref_slice %arg9[%dma_start3A_3, %dma_start3A_10] : memref<4x128xi32, #tpu.memory_space<vmem>> -> memref<1x128xi32, #tpu.memory_space<vmem>>
    %dma_start3A_12 = tpu.memref_squeeze %dma_start3A_11 : memref<1x128xi32, #tpu.memory_space<vmem>> -> memref<128xi32, #tpu.memory_space<vmem>>
    %dma_start3A_13 = arith.constant 0 : i32
    %dma_start3A_14 = tpu.memref_slice %arg2[%add3A, %dma_start3A, %dma_start3A_13] : memref<32x4x128xi32, #tpu.memory_space<hbm>> -> memref<1x1x128xi32, #tpu.memory_space<hbm>>
    %dma_start3A_15 = tpu.memref_squeeze %dma_start3A_14 : memref<1x1x128xi32, #tpu.memory_space<hbm>> -> memref<128xi32, #tpu.memory_space<hbm>>
    tpu.enqueue_dma source(%dma_start3A_15 : memref<128xi32, #tpu.memory_space<hbm>>) target(%dma_start3A_12 : memref<128xi32, #tpu.memory_space<vmem>>) target_semaphore(%arg19 : memref<!tpu.dma_semaphore, #tpu.memory_space<semaphore_mem>>)
    %dma_start3A_16 = arith.constant 0 : i32
    %dma_start3A_17 = arith.constant 0 : i32
    %dma_start3A_18 = arith.constant 0 : i32
    %dma_start3A_19 = tpu.memref_slice %arg10[%dma_start3A_17, %dma_start3A_18] : memref<4x128xi32, #tpu.memory_space<vmem>> -> memref<1x128xi32, #tpu.memory_space<vmem>>
    %dma_start3A_20 = tpu.memref_squeeze %dma_start3A_19 : memref<1x128xi32, #tpu.memory_space<vmem>> -> memref<128xi32, #tpu.memory_space<vmem>>
    %dma_start3A_21 = arith.constant 0 : i32
    %dma_start3A_22 = tpu.memref_slice %arg3[%add3A, %dma_start3A_16, %dma_start3A_21] : memref<32x4x128xi32, #tpu.memory_space<hbm>> -> memref<1x1x128xi32, #tpu.memory_space<hbm>>
    %dma_start3A_23 = tpu.memref_squeeze %dma_start3A_22 : memref<1x1x128xi32, #tpu.memory_space<hbm>> -> memref<128xi32, #tpu.memory_space<hbm>>
    %dma_start3A_24 = arith.constant 0 : i32
    %dma_start3A_25 = tpu.memref_slice %arg10[%dma_start3A_17, %dma_start3A_24] : memref<4x128xi32, #tpu.memory_space<vmem>> -> memref<1x128xi32, #tpu.memory_space<vmem>>
    %dma_start3A_26 = tpu.memref_squeeze %dma_start3A_25 : memref<1x128xi32, #tpu.memory_space<vmem>> -> memref<128xi32, #tpu.memory_space<vmem>>
    %dma_start3A_27 = arith.constant 0 : i32
    %dma_start3A_28 = tpu.memref_slice %arg3[%add3A, %dma_start3A_16, %dma_start3A_27] : memref<32x4x128xi32, #tpu.memory_space<hbm>> -> memref<1x1x128xi32, #tpu.memory_space<hbm>>
    %dma_start3A_29 = tpu.memref_squeeze %dma_start3A_28 : memref<1x1x128xi32, #tpu.memory_space<hbm>> -> memref<128xi32, #tpu.memory_space<hbm>>
    tpu.enqueue_dma source(%dma_start3A_29 : memref<128xi32, #tpu.memory_space<hbm>>) target(%dma_start3A_26 : memref<128xi32, #tpu.memory_space<vmem>>) target_semaphore(%arg19 : memref<!tpu.dma_semaphore, #tpu.memory_space<semaphore_mem>>)
    %dma_wait3A = arith.constant 0 : i32
    %dma_wait3A_30 = arith.constant 0 : i32
    %dma_wait3A_31 = arith.constant 0 : i32
    %dma_wait3A_32 = tpu.memref_slice %arg9[%dma_wait3A_30, %dma_wait3A_31] : memref<4x128xi32, #tpu.memory_space<vmem>> -> memref<1x128xi32, #tpu.memory_space<vmem>>
    %dma_wait3A_33 = tpu.memref_squeeze %dma_wait3A_32 : memref<1x128xi32, #tpu.memory_space<vmem>> -> memref<128xi32, #tpu.memory_space<vmem>>
    %dma_wait3A_34 = arith.constant 0 : i32
    %dma_wait3A_35 = tpu.memref_slice %arg2[%add3A, %dma_wait3A, %dma_wait3A_34] : memref<32x4x128xi32, #tpu.memory_space<hbm>> -> memref<1x1x128xi32, #tpu.memory_space<hbm>>
    %dma_wait3A_36 = tpu.memref_squeeze %dma_wait3A_35 : memref<1x1x128xi32, #tpu.memory_space<hbm>> -> memref<128xi32, #tpu.memory_space<hbm>>
    %dma_wait3A_37 = arith.constant 0 : i32
    %dma_wait3A_38 = tpu.memref_slice %arg9[%dma_wait3A_30, %dma_wait3A_37] : memref<4x128xi32, #tpu.memory_space<vmem>> -> memref<1x128xi32, #tpu.memory_space<vmem>>
    %dma_wait3A_39 = tpu.memref_squeeze %dma_wait3A_38 : memref<1x128xi32, #tpu.memory_space<vmem>> -> memref<128xi32, #tpu.memory_space<vmem>>
    %dma_wait3A_40 = arith.constant 0 : i32
    %dma_wait3A_41 = tpu.memref_slice %arg2[%add3A, %dma_wait3A, %dma_wait3A_40] : memref<32x4x128xi32, #tpu.memory_space<hbm>> -> memref<1x1x128xi32, #tpu.memory_space<hbm>>
    %dma_wait3A_42 = tpu.memref_squeeze %dma_wait3A_41 : memref<1x1x128xi32, #tpu.memory_space<hbm>> -> memref<128xi32, #tpu.memory_space<hbm>>
    tpu.wait_dma2 semaphore(%arg19 : memref<!tpu.dma_semaphore, #tpu.memory_space<semaphore_mem>>) src(%dma_wait3A_42 : memref<128xi32, #tpu.memory_space<hbm>>) dst(%dma_wait3A_39 : memref<128xi32, #tpu.memory_space<vmem>>)
    %dma_wait3A_43 = arith.constant 0 : i32
    %dma_wait3A_44 = arith.constant 0 : i32
    %dma_wait3A_45 = arith.constant 0 : i32
    %dma_wait3A_46 = tpu.memref_slice %arg10[%dma_wait3A_44, %dma_wait3A_45] : memref<4x128xi32, #tpu.memory_space<vmem>> -> memref<1x128xi32, #tpu.memory_space<vmem>>
    %dma_wait3A_47 = tpu.memref_squeeze %dma_wait3A_46 : memref<1x128xi32, #tpu.memory_space<vmem>> -> memref<128xi32, #tpu.memory_space<vmem>>
    %dma_wait3A_48 = arith.constant 0 : i32
    %dma_wait3A_49 = tpu.memref_slice %arg3[%add3A, %dma_wait3A_43, %dma_wait3A_48] : memref<32x4x128xi32, #tpu.memory_space<hbm>> -> memref<1x1x128xi32, #tpu.memory_space<hbm>>
    %dma_wait3A_50 = tpu.memref_squeeze %dma_wait3A_49 : memref<1x1x128xi32, #tpu.memory_space<hbm>> -> memref<128xi32, #tpu.memory_space<hbm>>
    %dma_wait3A_51 = arith.constant 0 : i32
    %dma_wait3A_52 = tpu.memref_slice %arg10[%dma_wait3A_44, %dma_wait3A_51] : memref<4x128xi32, #tpu.memory_space<vmem>> -> memref<1x128xi32, #tpu.memory_space<vmem>>
    %dma_wait3A_53 = tpu.memref_squeeze %dma_wait3A_52 : memref<1x128xi32, #tpu.memory_space<vmem>> -> memref<128xi32, #tpu.memory_space<vmem>>
    %dma_wait3A_54 = arith.constant 0 : i32
    %dma_wait3A_55 = tpu.memref_slice %arg3[%add3A, %dma_wait3A_43, %dma_wait3A_54] : memref<32x4x128xi32, #tpu.memory_space<hbm>> -> memref<1x1x128xi32, #tpu.memory_space<hbm>>
    %dma_wait3A_56 = tpu.memref_squeeze %dma_wait3A_55 : memref<1x1x128xi32, #tpu.memory_space<hbm>> -> memref<128xi32, #tpu.memory_space<hbm>>
    tpu.wait_dma2 semaphore(%arg19 : memref<!tpu.dma_semaphore, #tpu.memory_space<semaphore_mem>>) src(%dma_wait3A_56 : memref<128xi32, #tpu.memory_space<hbm>>) dst(%dma_wait3A_53 : memref<128xi32, #tpu.memory_space<vmem>>)
    %dma_start3A_57 = arith.constant 0 : i32
    %dma_start3A_58 = arith.constant 0 : i32
    %dma_start3A_59 = arith.constant 0 : i32
    %dma_start3A_60 = arith.constant 0 : i32
    %dma_start3A_61 = tpu.memref_slice %arg11[%dma_start3A_58, %dma_start3A_59, %dma_start3A_60] : memref<2x128x128xf32, #tpu.memory_space<vmem>> -> memref<1x128x128xf32, #tpu.memory_space<vmem>>
    %dma_start3A_62 = tpu.memref_squeeze %dma_start3A_61 : memref<1x128x128xf32, #tpu.memory_space<vmem>> -> memref<128x128xf32, #tpu.memory_space<vmem>>
    %dma_start3A_63 = arith.constant 0 : i32
    %dma_start3A_64 = tpu.memref_slice %arg9[%dma_start3A_57, %dma_start3A_63] : memref<4x128xi32, #tpu.memory_space<vmem>> -> memref<1x128xi32, #tpu.memory_space<vmem>>
    %dma_start3A_65 = tpu.memref_squeeze %dma_start3A_64 : memref<1x128xi32, #tpu.memory_space<vmem>> -> memref<128xi32, #tpu.memory_space<vmem>>
    %dma_start3A_66 = arith.constant 0 : i32
    %dma_start3A_67 = arith.constant 0 : i32
    %dma_start3A_68 = tpu.memref_slice %arg4[%dma_start3A_66, %dma_start3A_67] : memref<100001x128xf32, #tpu.memory_space<hbm>> -> memref<100001x128xf32, #tpu.memory_space<hbm>>
    tpu.enqueue_indirect_dma source(%dma_start3A_68 : memref<100001x128xf32, #tpu.memory_space<hbm>>) target(%dma_start3A_62 : memref<128x128xf32, #tpu.memory_space<vmem>>) offsets(%dma_start3A_65 : memref<128xi32, #tpu.memory_space<vmem>>) semaphore(%arg16 : memref<!tpu.dma_semaphore, #tpu.memory_space<semaphore_mem>>)
    %dma_start3A_69 = arith.constant 0 : i32
    %dma_start3A_70 = arith.constant 0 : i32
    %dma_start3A_71 = arith.constant 0 : i32
    %dma_start3A_72 = arith.constant 0 : i32
    %dma_start3A_73 = tpu.memref_slice %arg12[%dma_start3A_70, %dma_start3A_71, %dma_start3A_72] : memref<2x128x128xf32, #tpu.memory_space<vmem>> -> memref<1x128x128xf32, #tpu.memory_space<vmem>>
    %dma_start3A_74 = tpu.memref_squeeze %dma_start3A_73 : memref<1x128x128xf32, #tpu.memory_space<vmem>> -> memref<128x128xf32, #tpu.memory_space<vmem>>
    %dma_start3A_75 = arith.constant 0 : i32
    %dma_start3A_76 = tpu.memref_slice %arg10[%dma_start3A_69, %dma_start3A_75] : memref<4x128xi32, #tpu.memory_space<vmem>> -> memref<1x128xi32, #tpu.memory_space<vmem>>
    %dma_start3A_77 = tpu.memref_squeeze %dma_start3A_76 : memref<1x128xi32, #tpu.memory_space<vmem>> -> memref<128xi32, #tpu.memory_space<vmem>>
    %dma_start3A_78 = arith.constant 0 : i32
    %dma_start3A_79 = arith.constant 0 : i32
    %dma_start3A_80 = tpu.memref_slice %arg5[%dma_start3A_78, %dma_start3A_79] : memref<100001x128xf32, #tpu.memory_space<hbm>> -> memref<100001x128xf32, #tpu.memory_space<hbm>>
    tpu.enqueue_indirect_dma source(%dma_start3A_80 : memref<100001x128xf32, #tpu.memory_space<hbm>>) target(%dma_start3A_74 : memref<128x128xf32, #tpu.memory_space<vmem>>) offsets(%dma_start3A_77 : memref<128xi32, #tpu.memory_space<vmem>>) semaphore(%arg16 : memref<!tpu.dma_semaphore, #tpu.memory_space<semaphore_mem>>)
    %dma_start3A_81 = arith.constant 1 : i32
    %dma_start3A_82 = arith.constant 0 : i32
    %dma_start3A_83 = tpu.memref_slice %arg9[%dma_start3A_81, %dma_start3A_82] : memref<4x128xi32, #tpu.memory_space<vmem>> -> memref<3x128xi32, #tpu.memory_space<vmem>>
    %dma_start3A_84 = arith.constant 1 : i32
    %dma_start3A_85 = arith.constant 0 : i32
    %dma_start3A_86 = tpu.memref_slice %arg2[%add3A, %dma_start3A_84, %dma_start3A_85] : memref<32x4x128xi32, #tpu.memory_space<hbm>> -> memref<1x3x128xi32, #tpu.memory_space<hbm>>
    %dma_start3A_87 = tpu.memref_squeeze %dma_start3A_86 : memref<1x3x128xi32, #tpu.memory_space<hbm>> -> memref<3x128xi32, #tpu.memory_space<hbm>>
    %dma_start3A_88 = arith.constant 1 : i32
    %dma_start3A_89 = arith.constant 0 : i32
    %dma_start3A_90 = tpu.memref_slice %arg9[%dma_start3A_88, %dma_start3A_89] : memref<4x128xi32, #tpu.memory_space<vmem>> -> memref<3x128xi32, #tpu.memory_space<vmem>>
    %dma_start3A_91 = arith.constant 1 : i32
    %dma_start3A_92 = arith.constant 0 : i32
    %dma_start3A_93 = tpu.memref_slice %arg2[%add3A, %dma_start3A_91, %dma_start3A_92] : memref<32x4x128xi32, #tpu.memory_space<hbm>> -> memref<1x3x128xi32, #tpu.memory_space<hbm>>
    %dma_start3A_94 = tpu.memref_squeeze %dma_start3A_93 : memref<1x3x128xi32, #tpu.memory_space<hbm>> -> memref<3x128xi32, #tpu.memory_space<hbm>>
    tpu.enqueue_dma source(%dma_start3A_94 : memref<3x128xi32, #tpu.memory_space<hbm>>) target(%dma_start3A_90 : memref<3x128xi32, #tpu.memory_space<vmem>>) target_semaphore(%arg19 : memref<!tpu.dma_semaphore, #tpu.memory_space<semaphore_mem>>)
    %dma_start3A_95 = arith.constant 1 : i32
    %dma_start3A_96 = arith.constant 0 : i32
    %dma_start3A_97 = tpu.memref_slice %arg10[%dma_start3A_95, %dma_start3A_96] : memref<4x128xi32, #tpu.memory_space<vmem>> -> memref<3x128xi32, #tpu.memory_space<vmem>>
    %dma_start3A_98 = arith.constant 1 : i32
    %dma_start3A_99 = arith.constant 0 : i32
    %dma_start3A_100 = tpu.memref_slice %arg3[%add3A, %dma_start3A_98, %dma_start3A_99] : memref<32x4x128xi32, #tpu.memory_space<hbm>> -> memref<1x3x128xi32, #tpu.memory_space<hbm>>
    %dma_start3A_101 = tpu.memref_squeeze %dma_start3A_100 : memref<1x3x128xi32, #tpu.memory_space<hbm>> -> memref<3x128xi32, #tpu.memory_space<hbm>>
    %dma_start3A_102 = arith.constant 1 : i32
    %dma_start3A_103 = arith.constant 0 : i32
    %dma_start3A_104 = tpu.memref_slice %arg10[%dma_start3A_102, %dma_start3A_103] : memref<4x128xi32, #tpu.memory_space<vmem>> -> memref<3x128xi32, #tpu.memory_space<vmem>>
    %dma_start3A_105 = arith.constant 1 : i32
    %dma_start3A_106 = arith.constant 0 : i32
    %dma_start3A_107 = tpu.memref_slice %arg3[%add3A, %dma_start3A_105, %dma_start3A_106] : memref<32x4x128xi32, #tpu.memory_space<hbm>> -> memref<1x3x128xi32, #tpu.memory_space<hbm>>
    %dma_start3A_108 = tpu.memref_squeeze %dma_start3A_107 : memref<1x3x128xi32, #tpu.memory_space<hbm>> -> memref<3x128xi32, #tpu.memory_space<hbm>>
    tpu.enqueue_dma source(%dma_start3A_108 : memref<3x128xi32, #tpu.memory_space<hbm>>) target(%dma_start3A_104 : memref<3x128xi32, #tpu.memory_space<vmem>>) target_semaphore(%arg19 : memref<!tpu.dma_semaphore, #tpu.memory_space<semaphore_mem>>)
    %dma_wait3A_109 = arith.constant 1 : i32
    %dma_wait3A_110 = arith.constant 0 : i32
    %dma_wait3A_111 = tpu.memref_slice %arg9[%dma_wait3A_109, %dma_wait3A_110] : memref<4x128xi32, #tpu.memory_space<vmem>> -> memref<3x128xi32, #tpu.memory_space<vmem>>
    %dma_wait3A_112 = arith.constant 1 : i32
    %dma_wait3A_113 = arith.constant 0 : i32
    %dma_wait3A_114 = tpu.memref_slice %arg2[%add3A, %dma_wait3A_112, %dma_wait3A_113] : memref<32x4x128xi32, #tpu.memory_space<hbm>> -> memref<1x3x128xi32, #tpu.memory_space<hbm>>
    %dma_wait3A_115 = tpu.memref_squeeze %dma_wait3A_114 : memref<1x3x128xi32, #tpu.memory_space<hbm>> -> memref<3x128xi32, #tpu.memory_space<hbm>>
    %dma_wait3A_116 = arith.constant 1 : i32
    %dma_wait3A_117 = arith.constant 0 : i32
    %dma_wait3A_118 = tpu.memref_slice %arg9[%dma_wait3A_116, %dma_wait3A_117] : memref<4x128xi32, #tpu.memory_space<vmem>> -> memref<3x128xi32, #tpu.memory_space<vmem>>
    %dma_wait3A_119 = arith.constant 1 : i32
    %dma_wait3A_120 = arith.constant 0 : i32
    %dma_wait3A_121 = tpu.memref_slice %arg2[%add3A, %dma_wait3A_119, %dma_wait3A_120] : memref<32x4x128xi32, #tpu.memory_space<hbm>> -> memref<1x3x128xi32, #tpu.memory_space<hbm>>
    %dma_wait3A_122 = tpu.memref_squeeze %dma_wait3A_121 : memref<1x3x128xi32, #tpu.memory_space<hbm>> -> memref<3x128xi32, #tpu.memory_space<hbm>>
    tpu.wait_dma2 semaphore(%arg19 : memref<!tpu.dma_semaphore, #tpu.memory_space<semaphore_mem>>) src(%dma_wait3A_122 : memref<3x128xi32, #tpu.memory_space<hbm>>) dst(%dma_wait3A_118 : memref<3x128xi32, #tpu.memory_space<vmem>>)
    %dma_wait3A_123 = arith.constant 1 : i32
    %dma_wait3A_124 = arith.constant 0 : i32
    %dma_wait3A_125 = tpu.memref_slice %arg10[%dma_wait3A_123, %dma_wait3A_124] : memref<4x128xi32, #tpu.memory_space<vmem>> -> memref<3x128xi32, #tpu.memory_space<vmem>>
    %dma_wait3A_126 = arith.constant 1 : i32
    %dma_wait3A_127 = arith.constant 0 : i32
    %dma_wait3A_128 = tpu.memref_slice %arg3[%add3A, %dma_wait3A_126, %dma_wait3A_127] : memref<32x4x128xi32, #tpu.memory_space<hbm>> -> memref<1x3x128xi32, #tpu.memory_space<hbm>>
    %dma_wait3A_129 = tpu.memref_squeeze %dma_wait3A_128 : memref<1x3x128xi32, #tpu.memory_space<hbm>> -> memref<3x128xi32, #tpu.memory_space<hbm>>
    %dma_wait3A_130 = arith.constant 1 : i32
    %dma_wait3A_131 = arith.constant 0 : i32
    %dma_wait3A_132 = tpu.memref_slice %arg10[%dma_wait3A_130, %dma_wait3A_131] : memref<4x128xi32, #tpu.memory_space<vmem>> -> memref<3x128xi32, #tpu.memory_space<vmem>>
    %dma_wait3A_133 = arith.constant 1 : i32
    %dma_wait3A_134 = arith.constant 0 : i32
    %dma_wait3A_135 = tpu.memref_slice %arg3[%add3A, %dma_wait3A_133, %dma_wait3A_134] : memref<32x4x128xi32, #tpu.memory_space<hbm>> -> memref<1x3x128xi32, #tpu.memory_space<hbm>>
    %dma_wait3A_136 = tpu.memref_squeeze %dma_wait3A_135 : memref<1x3x128xi32, #tpu.memory_space<hbm>> -> memref<3x128xi32, #tpu.memory_space<hbm>>
    tpu.wait_dma2 semaphore(%arg19 : memref<!tpu.dma_semaphore, #tpu.memory_space<semaphore_mem>>) src(%dma_wait3A_136 : memref<3x128xi32, #tpu.memory_space<hbm>>) dst(%dma_wait3A_132 : memref<3x128xi32, #tpu.memory_space<vmem>>)
    %dma_start3A_137 = arith.constant 1 : i32
    %dma_start3A_138 = arith.constant 1 : i32
    %dma_start3A_139 = arith.constant 0 : i32
    %dma_start3A_140 = arith.constant 0 : i32
    %dma_start3A_141 = tpu.memref_slice %arg11[%dma_start3A_138, %dma_start3A_139, %dma_start3A_140] : memref<2x128x128xf32, #tpu.memory_space<vmem>> -> memref<1x128x128xf32, #tpu.memory_space<vmem>>
    %dma_start3A_142 = tpu.memref_squeeze %dma_start3A_141 : memref<1x128x128xf32, #tpu.memory_space<vmem>> -> memref<128x128xf32, #tpu.memory_space<vmem>>
    %dma_start3A_143 = arith.constant 0 : i32
    %dma_start3A_144 = tpu.memref_slice %arg9[%dma_start3A_137, %dma_start3A_143] : memref<4x128xi32, #tpu.memory_space<vmem>> -> memref<1x128xi32, #tpu.memory_space<vmem>>
    %dma_start3A_145 = tpu.memref_squeeze %dma_start3A_144 : memref<1x128xi32, #tpu.memory_space<vmem>> -> memref<128xi32, #tpu.memory_space<vmem>>
    %dma_start3A_146 = arith.constant 0 : i32
    %dma_start3A_147 = arith.constant 0 : i32
    %dma_start3A_148 = tpu.memref_slice %arg4[%dma_start3A_146, %dma_start3A_147] : memref<100001x128xf32, #tpu.memory_space<hbm>> -> memref<100001x128xf32, #tpu.memory_space<hbm>>
    tpu.enqueue_indirect_dma source(%dma_start3A_148 : memref<100001x128xf32, #tpu.memory_space<hbm>>) target(%dma_start3A_142 : memref<128x128xf32, #tpu.memory_space<vmem>>) offsets(%dma_start3A_145 : memref<128xi32, #tpu.memory_space<vmem>>) semaphore(%arg17 : memref<!tpu.dma_semaphore, #tpu.memory_space<semaphore_mem>>)
    %dma_start3A_149 = arith.constant 1 : i32
    %dma_start3A_150 = arith.constant 1 : i32
    %dma_start3A_151 = arith.constant 0 : i32
    %dma_start3A_152 = arith.constant 0 : i32
    %dma_start3A_153 = tpu.memref_slice %arg12[%dma_start3A_150, %dma_start3A_151, %dma_start3A_152] : memref<2x128x128xf32, #tpu.memory_space<vmem>> -> memref<1x128x128xf32, #tpu.memory_space<vmem>>
    %dma_start3A_154 = tpu.memref_squeeze %dma_start3A_153 : memref<1x128x128xf32, #tpu.memory_space<vmem>> -> memref<128x128xf32, #tpu.memory_space<vmem>>
    %dma_start3A_155 = arith.constant 0 : i32
    %dma_start3A_156 = tpu.memref_slice %arg10[%dma_start3A_149, %dma_start3A_155] : memref<4x128xi32, #tpu.memory_space<vmem>> -> memref<1x128xi32, #tpu.memory_space<vmem>>
    %dma_start3A_157 = tpu.memref_squeeze %dma_start3A_156 : memref<1x128xi32, #tpu.memory_space<vmem>> -> memref<128xi32, #tpu.memory_space<vmem>>
    %dma_start3A_158 = arith.constant 0 : i32
    %dma_start3A_159 = arith.constant 0 : i32
    %dma_start3A_160 = tpu.memref_slice %arg5[%dma_start3A_158, %dma_start3A_159] : memref<100001x128xf32, #tpu.memory_space<hbm>> -> memref<100001x128xf32, #tpu.memory_space<hbm>>
    tpu.enqueue_indirect_dma source(%dma_start3A_160 : memref<100001x128xf32, #tpu.memory_space<hbm>>) target(%dma_start3A_154 : memref<128x128xf32, #tpu.memory_space<vmem>>) offsets(%dma_start3A_157 : memref<128xi32, #tpu.memory_space<vmem>>) semaphore(%arg17 : memref<!tpu.dma_semaphore, #tpu.memory_space<semaphore_mem>>)
    %dma_start3A_161 = arith.constant 0 : i32
    %dma_start3A_162 = arith.constant 0 : i32
    %dma_start3A_163 = arith.constant 0 : i32
    %dma_start3A_164 = tpu.memref_slice %arg13[%dma_start3A_162, %dma_start3A_163] : memref<4x128xf32, #tpu.memory_space<vmem>> -> memref<1x128xf32, #tpu.memory_space<vmem>>
    %dma_start3A_165 = tpu.memref_squeeze %dma_start3A_164 : memref<1x128xf32, #tpu.memory_space<vmem>> -> memref<128xf32, #tpu.memory_space<vmem>>
    %dma_start3A_166 = arith.constant 0 : i32
    %dma_start3A_167 = tpu.memref_slice %arg9[%dma_start3A_161, %dma_start3A_166] : memref<4x128xi32, #tpu.memory_space<vmem>> -> memref<1x128xi32, #tpu.memory_space<vmem>>
    %dma_start3A_168 = tpu.memref_squeeze %dma_start3A_167 : memref<1x128xi32, #tpu.memory_space<vmem>> -> memref<128xi32, #tpu.memory_space<vmem>>
    %dma_start3A_169 = arith.constant 0 : i32
    %dma_start3A_170 = tpu.memref_slice %arg6[%dma_start3A_169] : memref<100001xf32, #tpu.memory_space<hbm>> -> memref<100001xf32, #tpu.memory_space<hbm>>
    tpu.enqueue_indirect_dma source(%dma_start3A_170 : memref<100001xf32, #tpu.memory_space<hbm>>) target(%dma_start3A_165 : memref<128xf32, #tpu.memory_space<vmem>>) offsets(%dma_start3A_168 : memref<128xi32, #tpu.memory_space<vmem>>) semaphore(%arg18 : memref<!tpu.dma_semaphore, #tpu.memory_space<semaphore_mem>>)
    %dma_start3A_171 = arith.constant 0 : i32
    %dma_start3A_172 = arith.constant 0 : i32
    %dma_start3A_173 = arith.constant 0 : i32
    %dma_start3A_174 = tpu.memref_slice %arg14[%dma_start3A_172, %dma_start3A_173] : memref<4x128xf32, #tpu.memory_space<vmem>> -> memref<1x128xf32, #tpu.memory_space<vmem>>
    %dma_start3A_175 = tpu.memref_squeeze %dma_start3A_174 : memref<1x128xf32, #tpu.memory_space<vmem>> -> memref<128xf32, #tpu.memory_space<vmem>>
    %dma_start3A_176 = arith.constant 0 : i32
    %dma_start3A_177 = tpu.memref_slice %arg10[%dma_start3A_171, %dma_start3A_176] : memref<4x128xi32, #tpu.memory_space<vmem>> -> memref<1x128xi32, #tpu.memory_space<vmem>>
    %dma_start3A_178 = tpu.memref_squeeze %dma_start3A_177 : memref<1x128xi32, #tpu.memory_space<vmem>> -> memref<128xi32, #tpu.memory_space<vmem>>
    %dma_start3A_179 = arith.constant 0 : i32
    %dma_start3A_180 = tpu.memref_slice %arg7[%dma_start3A_179] : memref<100001xf32, #tpu.memory_space<hbm>> -> memref<100001xf32, #tpu.memory_space<hbm>>
    tpu.enqueue_indirect_dma source(%dma_start3A_180 : memref<100001xf32, #tpu.memory_space<hbm>>) target(%dma_start3A_175 : memref<128xf32, #tpu.memory_space<vmem>>) offsets(%dma_start3A_178 : memref<128xi32, #tpu.memory_space<vmem>>) semaphore(%arg18 : memref<!tpu.dma_semaphore, #tpu.memory_space<semaphore_mem>>)
    %dma_start3A_181 = arith.constant 1 : i32
    %dma_start3A_182 = arith.constant 1 : i32
    %dma_start3A_183 = arith.constant 0 : i32
    %dma_start3A_184 = tpu.memref_slice %arg13[%dma_start3A_182, %dma_start3A_183] : memref<4x128xf32, #tpu.memory_space<vmem>> -> memref<1x128xf32, #tpu.memory_space<vmem>>
    %dma_start3A_185 = tpu.memref_squeeze %dma_start3A_184 : memref<1x128xf32, #tpu.memory_space<vmem>> -> memref<128xf32, #tpu.memory_space<vmem>>
    %dma_start3A_186 = arith.constant 0 : i32
    %dma_start3A_187 = tpu.memref_slice %arg9[%dma_start3A_181, %dma_start3A_186] : memref<4x128xi32, #tpu.memory_space<vmem>> -> memref<1x128xi32, #tpu.memory_space<vmem>>
    %dma_start3A_188 = tpu.memref_squeeze %dma_start3A_187 : memref<1x128xi32, #tpu.memory_space<vmem>> -> memref<128xi32, #tpu.memory_space<vmem>>
    %dma_start3A_189 = arith.constant 0 : i32
    %dma_start3A_190 = tpu.memref_slice %arg6[%dma_start3A_189] : memref<100001xf32, #tpu.memory_space<hbm>> -> memref<100001xf32, #tpu.memory_space<hbm>>
    tpu.enqueue_indirect_dma source(%dma_start3A_190 : memref<100001xf32, #tpu.memory_space<hbm>>) target(%dma_start3A_185 : memref<128xf32, #tpu.memory_space<vmem>>) offsets(%dma_start3A_188 : memref<128xi32, #tpu.memory_space<vmem>>) semaphore(%arg18 : memref<!tpu.dma_semaphore, #tpu.memory_space<semaphore_mem>>)
    %dma_start3A_191 = arith.constant 1 : i32
    %dma_start3A_192 = arith.constant 1 : i32
    %dma_start3A_193 = arith.constant 0 : i32
    %dma_start3A_194 = tpu.memref_slice %arg14[%dma_start3A_192, %dma_start3A_193] : memref<4x128xf32, #tpu.memory_space<vmem>> -> memref<1x128xf32, #tpu.memory_space<vmem>>
    %dma_start3A_195 = tpu.memref_squeeze %dma_start3A_194 : memref<1x128xf32, #tpu.memory_space<vmem>> -> memref<128xf32, #tpu.memory_space<vmem>>
    %dma_start3A_196 = arith.constant 0 : i32
    %dma_start3A_197 = tpu.memref_slice %arg10[%dma_start3A_191, %dma_start3A_196] : memref<4x128xi32, #tpu.memory_space<vmem>> -> memref<1x128xi32, #tpu.memory_space<vmem>>
    %dma_start3A_198 = tpu.memref_squeeze %dma_start3A_197 : memref<1x128xi32, #tpu.memory_space<vmem>> -> memref<128xi32, #tpu.memory_space<vmem>>
    %dma_start3A_199 = arith.constant 0 : i32
    %dma_start3A_200 = tpu.memref_slice %arg7[%dma_start3A_199] : memref<100001xf32, #tpu.memory_space<hbm>> -> memref<100001xf32, #tpu.memory_space<hbm>>
    tpu.enqueue_indirect_dma source(%dma_start3A_200 : memref<100001xf32, #tpu.memory_space<hbm>>) target(%dma_start3A_195 : memref<128xf32, #tpu.memory_space<vmem>>) offsets(%dma_start3A_198 : memref<128xi32, #tpu.memory_space<vmem>>) semaphore(%arg18 : memref<!tpu.dma_semaphore, #tpu.memory_space<semaphore_mem>>)
    %dma_start3A_201 = arith.constant 2 : i32
    %dma_start3A_202 = arith.constant 2 : i32
    %dma_start3A_203 = arith.constant 0 : i32
    %dma_start3A_204 = tpu.memref_slice %arg13[%dma_start3A_202, %dma_start3A_203] : memref<4x128xf32, #tpu.memory_space<vmem>> -> memref<1x128xf32, #tpu.memory_space<vmem>>
    %dma_start3A_205 = tpu.memref_squeeze %dma_start3A_204 : memref<1x128xf32, #tpu.memory_space<vmem>> -> memref<128xf32, #tpu.memory_space<vmem>>
    %dma_start3A_206 = arith.constant 0 : i32
    %dma_start3A_207 = tpu.memref_slice %arg9[%dma_start3A_201, %dma_start3A_206] : memref<4x128xi32, #tpu.memory_space<vmem>> -> memref<1x128xi32, #tpu.memory_space<vmem>>
    %dma_start3A_208 = tpu.memref_squeeze %dma_start3A_207 : memref<1x128xi32, #tpu.memory_space<vmem>> -> memref<128xi32, #tpu.memory_space<vmem>>
    %dma_start3A_209 = arith.constant 0 : i32
    %dma_start3A_210 = tpu.memref_slice %arg6[%dma_start3A_209] : memref<100001xf32, #tpu.memory_space<hbm>> -> memref<100001xf32, #tpu.memory_space<hbm>>
    tpu.enqueue_indirect_dma source(%dma_start3A_210 : memref<100001xf32, #tpu.memory_space<hbm>>) target(%dma_start3A_205 : memref<128xf32, #tpu.memory_space<vmem>>) offsets(%dma_start3A_208 : memref<128xi32, #tpu.memory_space<vmem>>) semaphore(%arg18 : memref<!tpu.dma_semaphore, #tpu.memory_space<semaphore_mem>>)
    %dma_start3A_211 = arith.constant 2 : i32
    %dma_start3A_212 = arith.constant 2 : i32
    %dma_start3A_213 = arith.constant 0 : i32
    %dma_start3A_214 = tpu.memref_slice %arg14[%dma_start3A_212, %dma_start3A_213] : memref<4x128xf32, #tpu.memory_space<vmem>> -> memref<1x128xf32, #tpu.memory_space<vmem>>
    %dma_start3A_215 = tpu.memref_squeeze %dma_start3A_214 : memref<1x128xf32, #tpu.memory_space<vmem>> -> memref<128xf32, #tpu.memory_space<vmem>>
    %dma_start3A_216 = arith.constant 0 : i32
    %dma_start3A_217 = tpu.memref_slice %arg10[%dma_start3A_211, %dma_start3A_216] : memref<4x128xi32, #tpu.memory_space<vmem>> -> memref<1x128xi32, #tpu.memory_space<vmem>>
    %dma_start3A_218 = tpu.memref_squeeze %dma_start3A_217 : memref<1x128xi32, #tpu.memory_space<vmem>> -> memref<128xi32, #tpu.memory_space<vmem>>
    %dma_start3A_219 = arith.constant 0 : i32
    %dma_start3A_220 = tpu.memref_slice %arg7[%dma_start3A_219] : memref<100001xf32, #tpu.memory_space<hbm>> -> memref<100001xf32, #tpu.memory_space<hbm>>
    tpu.enqueue_indirect_dma source(%dma_start3A_220 : memref<100001xf32, #tpu.memory_space<hbm>>) target(%dma_start3A_215 : memref<128xf32, #tpu.memory_space<vmem>>) offsets(%dma_start3A_218 : memref<128xi32, #tpu.memory_space<vmem>>) semaphore(%arg18 : memref<!tpu.dma_semaphore, #tpu.memory_space<semaphore_mem>>)
    %dma_start3A_221 = arith.constant 3 : i32
    %dma_start3A_222 = arith.constant 3 : i32
    %dma_start3A_223 = arith.constant 0 : i32
    %dma_start3A_224 = tpu.memref_slice %arg13[%dma_start3A_222, %dma_start3A_223] : memref<4x128xf32, #tpu.memory_space<vmem>> -> memref<1x128xf32, #tpu.memory_space<vmem>>
    %dma_start3A_225 = tpu.memref_squeeze %dma_start3A_224 : memref<1x128xf32, #tpu.memory_space<vmem>> -> memref<128xf32, #tpu.memory_space<vmem>>
    %dma_start3A_226 = arith.constant 0 : i32
    %dma_start3A_227 = tpu.memref_slice %arg9[%dma_start3A_221, %dma_start3A_226] : memref<4x128xi32, #tpu.memory_space<vmem>> -> memref<1x128xi32, #tpu.memory_space<vmem>>
    %dma_start3A_228 = tpu.memref_squeeze %dma_start3A_227 : memref<1x128xi32, #tpu.memory_space<vmem>> -> memref<128xi32, #tpu.memory_space<vmem>>
    %dma_start3A_229 = arith.constant 0 : i32
    %dma_start3A_230 = tpu.memref_slice %arg6[%dma_start3A_229] : memref<100001xf32, #tpu.memory_space<hbm>> -> memref<100001xf32, #tpu.memory_space<hbm>>
    tpu.enqueue_indirect_dma source(%dma_start3A_230 : memref<100001xf32, #tpu.memory_space<hbm>>) target(%dma_start3A_225 : memref<128xf32, #tpu.memory_space<vmem>>) offsets(%dma_start3A_228 : memref<128xi32, #tpu.memory_space<vmem>>) semaphore(%arg18 : memref<!tpu.dma_semaphore, #tpu.memory_space<semaphore_mem>>)
    %dma_start3A_231 = arith.constant 3 : i32
    %dma_start3A_232 = arith.constant 3 : i32
    %dma_start3A_233 = arith.constant 0 : i32
    %dma_start3A_234 = tpu.memref_slice %arg14[%dma_start3A_232, %dma_start3A_233] : memref<4x128xf32, #tpu.memory_space<vmem>> -> memref<1x128xf32, #tpu.memory_space<vmem>>
    %dma_start3A_235 = tpu.memref_squeeze %dma_start3A_234 : memref<1x128xf32, #tpu.memory_space<vmem>> -> memref<128xf32, #tpu.memory_space<vmem>>
    %dma_start3A_236 = arith.constant 0 : i32
    %dma_start3A_237 = tpu.memref_slice %arg10[%dma_start3A_231, %dma_start3A_236] : memref<4x128xi32, #tpu.memory_space<vmem>> -> memref<1x128xi32, #tpu.memory_space<vmem>>
    %dma_start3A_238 = tpu.memref_squeeze %dma_start3A_237 : memref<1x128xi32, #tpu.memory_space<vmem>> -> memref<128xi32, #tpu.memory_space<vmem>>
    %dma_start3A_239 = arith.constant 0 : i32
    %dma_start3A_240 = tpu.memref_slice %arg7[%dma_start3A_239] : memref<100001xf32, #tpu.memory_space<hbm>> -> memref<100001xf32, #tpu.memory_space<hbm>>
    tpu.enqueue_indirect_dma source(%dma_start3A_240 : memref<100001xf32, #tpu.memory_space<hbm>>) target(%dma_start3A_235 : memref<128xf32, #tpu.memory_space<vmem>>) offsets(%dma_start3A_238 : memref<128xi32, #tpu.memory_space<vmem>>) semaphore(%arg18 : memref<!tpu.dma_semaphore, #tpu.memory_space<semaphore_mem>>)
    %iota3A = tpu.iota {dimensions = array<i32: 0>} : vector<16xi32>
    %add3A_241 = arith.constant 0 : i32
    %add3A_242 = vector.broadcast %add3A_241 : i32 to vector<16xi32>
    %add3A_243 = arith.addi %iota3A, %add3A_242 : vector<16xi32>
    %add3A_244 = arith.constant 16 : i32
    %add3A_245 = vector.broadcast %add3A_244 : i32 to vector<16xi32>
    %add3A_246 = arith.addi %iota3A, %add3A_245 : vector<16xi32>
    %add3A_247 = arith.constant 32 : i32
    %add3A_248 = vector.broadcast %add3A_247 : i32 to vector<16xi32>
    %add3A_249 = arith.addi %iota3A, %add3A_248 : vector<16xi32>
    %add3A_250 = arith.constant 48 : i32
    %add3A_251 = vector.broadcast %add3A_250 : i32 to vector<16xi32>
    %add3A_252 = arith.addi %iota3A, %add3A_251 : vector<16xi32>
    %add3A_253 = arith.constant 64 : i32
    %add3A_254 = vector.broadcast %add3A_253 : i32 to vector<16xi32>
    %add3A_255 = arith.addi %iota3A, %add3A_254 : vector<16xi32>
    %add3A_256 = arith.constant 80 : i32
    %add3A_257 = vector.broadcast %add3A_256 : i32 to vector<16xi32>
    %add3A_258 = arith.addi %iota3A, %add3A_257 : vector<16xi32>
    %add3A_259 = arith.constant 96 : i32
    %add3A_260 = vector.broadcast %add3A_259 : i32 to vector<16xi32>
    %add3A_261 = arith.addi %iota3A, %add3A_260 : vector<16xi32>
    %add3A_262 = arith.constant 112 : i32
    %add3A_263 = vector.broadcast %add3A_262 : i32 to vector<16xi32>
    %add3A_264 = arith.addi %iota3A, %add3A_263 : vector<16xi32>
    %dma_wait3A_265 = arith.constant 0 : i32
    %dma_wait3A_266 = arith.constant 0 : i32
    %dma_wait3A_267 = arith.constant 0 : i32
    %dma_wait3A_268 = arith.constant 0 : i32
    %dma_wait3A_269 = tpu.memref_slice %arg11[%dma_wait3A_266, %dma_wait3A_267, %dma_wait3A_268] : memref<2x128x128xf32, #tpu.memory_space<vmem>> -> memref<1x128x128xf32, #tpu.memory_space<vmem>>
    %dma_wait3A_270 = tpu.memref_squeeze %dma_wait3A_269 : memref<1x128x128xf32, #tpu.memory_space<vmem>> -> memref<128x128xf32, #tpu.memory_space<vmem>>
    %dma_wait3A_271 = arith.constant 0 : i32
    %dma_wait3A_272 = tpu.memref_slice %arg9[%dma_wait3A_265, %dma_wait3A_271] : memref<4x128xi32, #tpu.memory_space<vmem>> -> memref<1x128xi32, #tpu.memory_space<vmem>>
    %dma_wait3A_273 = tpu.memref_squeeze %dma_wait3A_272 : memref<1x128xi32, #tpu.memory_space<vmem>> -> memref<128xi32, #tpu.memory_space<vmem>>
    %dma_wait3A_274 = arith.constant 0 : i32
    %dma_wait3A_275 = arith.constant 0 : i32
    %dma_wait3A_276 = tpu.memref_slice %arg4[%dma_wait3A_274, %dma_wait3A_275] : memref<100001x128xf32, #tpu.memory_space<hbm>> -> memref<100001x128xf32, #tpu.memory_space<hbm>>
    tpu.wait_indirect_dma semaphore(%arg16 : memref<!tpu.dma_semaphore, #tpu.memory_space<semaphore_mem>>) src(%dma_wait3A_276 : memref<100001x128xf32, #tpu.memory_space<hbm>>) dst(%dma_wait3A_270 : memref<128x128xf32, #tpu.memory_space<vmem>>)
    %dma_wait3A_277 = arith.constant 0 : i32
    %dma_wait3A_278 = arith.constant 0 : i32
    %dma_wait3A_279 = arith.constant 0 : i32
    %dma_wait3A_280 = arith.constant 0 : i32
    %dma_wait3A_281 = tpu.memref_slice %arg12[%dma_wait3A_278, %dma_wait3A_279, %dma_wait3A_280] : memref<2x128x128xf32, #tpu.memory_space<vmem>> -> memref<1x128x128xf32, #tpu.memory_space<vmem>>
    %dma_wait3A_282 = tpu.memref_squeeze %dma_wait3A_281 : memref<1x128x128xf32, #tpu.memory_space<vmem>> -> memref<128x128xf32, #tpu.memory_space<vmem>>
    %dma_wait3A_283 = arith.constant 0 : i32
    %dma_wait3A_284 = tpu.memref_slice %arg10[%dma_wait3A_277, %dma_wait3A_283] : memref<4x128xi32, #tpu.memory_space<vmem>> -> memref<1x128xi32, #tpu.memory_space<vmem>>
    %dma_wait3A_285 = tpu.memref_squeeze %dma_wait3A_284 : memref<1x128xi32, #tpu.memory_space<vmem>> -> memref<128xi32, #tpu.memory_space<vmem>>
    %dma_wait3A_286 = arith.constant 0 : i32
    %dma_wait3A_287 = arith.constant 0 : i32
    %dma_wait3A_288 = tpu.memref_slice %arg5[%dma_wait3A_286, %dma_wait3A_287] : memref<100001x128xf32, #tpu.memory_space<hbm>> -> memref<100001x128xf32, #tpu.memory_space<hbm>>
    tpu.wait_indirect_dma semaphore(%arg16 : memref<!tpu.dma_semaphore, #tpu.memory_space<semaphore_mem>>) src(%dma_wait3A_288 : memref<100001x128xf32, #tpu.memory_space<hbm>>) dst(%dma_wait3A_282 : memref<128x128xf32, #tpu.memory_space<vmem>>)
    %broadcast_in_dim3A = arith.constant 0.000000e+00 : f32
    %broadcast_in_dim3A_289 = vector.broadcast %broadcast_in_dim3A : f32 to vector<16xf32>
    %broadcast_in_dim3A_290 = arith.constant 0.000000e+00 : f32
    %broadcast_in_dim3A_291 = vector.broadcast %broadcast_in_dim3A_290 : f32 to vector<16xf32>
    %broadcast_in_dim3A_292 = arith.constant 0.000000e+00 : f32
    %broadcast_in_dim3A_293 = vector.broadcast %broadcast_in_dim3A_292 : f32 to vector<16xf32>
    %broadcast_in_dim3A_294 = arith.constant 0.000000e+00 : f32
    %broadcast_in_dim3A_295 = vector.broadcast %broadcast_in_dim3A_294 : f32 to vector<16xf32>
    %broadcast_in_dim3A_296 = arith.constant 0.000000e+00 : f32
    %broadcast_in_dim3A_297 = vector.broadcast %broadcast_in_dim3A_296 : f32 to vector<16xf32>
    %broadcast_in_dim3A_298 = arith.constant 0.000000e+00 : f32
    %broadcast_in_dim3A_299 = vector.broadcast %broadcast_in_dim3A_298 : f32 to vector<16xf32>
    %broadcast_in_dim3A_300 = arith.constant 0.000000e+00 : f32
    %broadcast_in_dim3A_301 = vector.broadcast %broadcast_in_dim3A_300 : f32 to vector<16xf32>
    %broadcast_in_dim3A_302 = arith.constant 0.000000e+00 : f32
    %broadcast_in_dim3A_303 = vector.broadcast %broadcast_in_dim3A_302 : f32 to vector<16xf32>
    %scan3A = arith.constant 0 : i32
    %scan3A_304 = arith.constant 0 : i32
    %scan3A_305 = arith.constant 0 : i32
    %scan3A_306 = arith.constant 128 : i32
    %scan3A_307 = arith.addi %scan3A_305, %scan3A_306 : i32
    %scan3A_308 = arith.constant 2 : i32
    %scan3A_309:8 = scf.for %scan3A_976 = %scan3A_305 to %scan3A_307 step %scan3A_308 iter_args(%scan3A_977 = %broadcast_in_dim3A_289, %scan3A_978 = %broadcast_in_dim3A_291, %scan3A_979 = %broadcast_in_dim3A_293, %scan3A_980 = %broadcast_in_dim3A_295, %scan3A_981 = %broadcast_in_dim3A_297, %scan3A_982 = %broadcast_in_dim3A_299, %scan3A_983 = %broadcast_in_dim3A_301, %scan3A_984 = %broadcast_in_dim3A_303) -> (vector<16xf32>, vector<16xf32>, vector<16xf32>, vector<16xf32>, vector<16xf32>, vector<16xf32>, vector<16xf32>, vector<16xf32>)  : i32 {
      %add3A_985 = vector.broadcast %scan3A_976 : i32 to vector<16xi32>
      %add3A_986 = arith.addi %iota3A, %add3A_985 : vector<16xi32>
      %and3A = arith.constant 127 : i32
      %and3A_987 = vector.broadcast %and3A : i32 to vector<16xi32>
      %and3A_988 = arith.andi %add3A_986, %and3A_987 : vector<16xi32>
      %gather3A = arith.constant 0 : i32
      %gather3A_989 = arith.constant 0 : i32
      %gather3A_990 = tpu.memref_slice %arg11[%scan3A, %gather3A, %gather3A_989] : memref<2x128x128xf32, #tpu.memory_space<vmem>> -> memref<1x128x128xf32, #tpu.memory_space<vmem>>
      %gather3A_991 = tpu.memref_squeeze %gather3A_990 : memref<1x128x128xf32, #tpu.memory_space<vmem>> -> memref<128x128xf32, #tpu.memory_space<vmem>>
      %gather3A_992 = tpu.vector_load_idx %gather3A_991[%add3A_243, %and3A_988] : memref<128x128xf32, #tpu.memory_space<vmem>>[vector<16xi32>, vector<16xi32>], vector<16xf32>,
      %gather3A_993 = arith.constant 0 : i32
      %gather3A_994 = arith.constant 0 : i32
      %gather3A_995 = tpu.memref_slice %arg12[%scan3A_304, %gather3A_993, %gather3A_994] : memref<2x128x128xf32, #tpu.memory_space<vmem>> -> memref<1x128x128xf32, #tpu.memory_space<vmem>>
      %gather3A_996 = tpu.memref_squeeze %gather3A_995 : memref<1x128x128xf32, #tpu.memory_space<vmem>> -> memref<128x128xf32, #tpu.memory_space<vmem>>
      %gather3A_997 = tpu.vector_load_idx %gather3A_996[%add3A_243, %and3A_988] : memref<128x128xf32, #tpu.memory_space<vmem>>[vector<16xi32>, vector<16xi32>], vector<16xf32>,
      %mul3A_998 = arith.mulf %gather3A_992, %gather3A_997 : vector<16xf32>
      %add3A_999 = arith.addf %scan3A_977, %mul3A_998 : vector<16xf32>
      %gather3A_1000 = arith.constant 0 : i32
      %gather3A_1001 = arith.constant 0 : i32
      %gather3A_1002 = tpu.memref_slice %arg11[%scan3A, %gather3A_1000, %gather3A_1001] : memref<2x128x128xf32, #tpu.memory_space<vmem>> -> memref<1x128x128xf32, #tpu.memory_space<vmem>>
      %gather3A_1003 = tpu.memref_squeeze %gather3A_1002 : memref<1x128x128xf32, #tpu.memory_space<vmem>> -> memref<128x128xf32, #tpu.memory_space<vmem>>
      %gather3A_1004 = tpu.vector_load_idx %gather3A_1003[%add3A_246, %and3A_988] : memref<128x128xf32, #tpu.memory_space<vmem>>[vector<16xi32>, vector<16xi32>], vector<16xf32>,
      %gather3A_1005 = arith.constant 0 : i32
      %gather3A_1006 = arith.constant 0 : i32
      %gather3A_1007 = tpu.memref_slice %arg12[%scan3A_304, %gather3A_1005, %gather3A_1006] : memref<2x128x128xf32, #tpu.memory_space<vmem>> -> memref<1x128x128xf32, #tpu.memory_space<vmem>>
      %gather3A_1008 = tpu.memref_squeeze %gather3A_1007 : memref<1x128x128xf32, #tpu.memory_space<vmem>> -> memref<128x128xf32, #tpu.memory_space<vmem>>
      %gather3A_1009 = tpu.vector_load_idx %gather3A_1008[%add3A_246, %and3A_988] : memref<128x128xf32, #tpu.memory_space<vmem>>[vector<16xi32>, vector<16xi32>], vector<16xf32>,
      %mul3A_1010 = arith.mulf %gather3A_1004, %gather3A_1009 : vector<16xf32>
      %add3A_1011 = arith.addf %scan3A_978, %mul3A_1010 : vector<16xf32>
      %gather3A_1012 = arith.constant 0 : i32
      %gather3A_1013 = arith.constant 0 : i32
      %gather3A_1014 = tpu.memref_slice %arg11[%scan3A, %gather3A_1012, %gather3A_1013] : memref<2x128x128xf32, #tpu.memory_space<vmem>> -> memref<1x128x128xf32, #tpu.memory_space<vmem>>
      %gather3A_1015 = tpu.memref_squeeze %gather3A_1014 : memref<1x128x128xf32, #tpu.memory_space<vmem>> -> memref<128x128xf32, #tpu.memory_space<vmem>>
      %gather3A_1016 = tpu.vector_load_idx %gather3A_1015[%add3A_249, %and3A_988] : memref<128x128xf32, #tpu.memory_space<vmem>>[vector<16xi32>, vector<16xi32>], vector<16xf32>,
      %gather3A_1017 = arith.constant 0 : i32
      %gather3A_1018 = arith.constant 0 : i32
      %gather3A_1019 = tpu.memref_slice %arg12[%scan3A_304, %gather3A_1017, %gather3A_1018] : memref<2x128x128xf32, #tpu.memory_space<vmem>> -> memref<1x128x128xf32, #tpu.memory_space<vmem>>
      %gather3A_1020 = tpu.memref_squeeze %gather3A_1019 : memref<1x128x128xf32, #tpu.memory_space<vmem>> -> memref<128x128xf32, #tpu.memory_space<vmem>>
      %gather3A_1021 = tpu.vector_load_idx %gather3A_1020[%add3A_249, %and3A_988] : memref<128x128xf32, #tpu.memory_space<vmem>>[vector<16xi32>, vector<16xi32>], vector<16xf32>,
      %mul3A_1022 = arith.mulf %gather3A_1016, %gather3A_1021 : vector<16xf32>
      %add3A_1023 = arith.addf %scan3A_979, %mul3A_1022 : vector<16xf32>
      %gather3A_1024 = arith.constant 0 : i32
      %gather3A_1025 = arith.constant 0 : i32
      %gather3A_1026 = tpu.memref_slice %arg11[%scan3A, %gather3A_1024, %gather3A_1025] : memref<2x128x128xf32, #tpu.memory_space<vmem>> -> memref<1x128x128xf32, #tpu.memory_space<vmem>>
      %gather3A_1027 = tpu.memref_squeeze %gather3A_1026 : memref<1x128x128xf32, #tpu.memory_space<vmem>> -> memref<128x128xf32, #tpu.memory_space<vmem>>
      %gather3A_1028 = tpu.vector_load_idx %gather3A_1027[%add3A_252, %and3A_988] : memref<128x128xf32, #tpu.memory_space<vmem>>[vector<16xi32>, vector<16xi32>], vector<16xf32>,
      %gather3A_1029 = arith.constant 0 : i32
      %gather3A_1030 = arith.constant 0 : i32
      %gather3A_1031 = tpu.memref_slice %arg12[%scan3A_304, %gather3A_1029, %gather3A_1030] : memref<2x128x128xf32, #tpu.memory_space<vmem>> -> memref<1x128x128xf32, #tpu.memory_space<vmem>>
      %gather3A_1032 = tpu.memref_squeeze %gather3A_1031 : memref<1x128x128xf32, #tpu.memory_space<vmem>> -> memref<128x128xf32, #tpu.memory_space<vmem>>
      %gather3A_1033 = tpu.vector_load_idx %gather3A_1032[%add3A_252, %and3A_988] : memref<128x128xf32, #tpu.memory_space<vmem>>[vector<16xi32>, vector<16xi32>], vector<16xf32>,
      %mul3A_1034 = arith.mulf %gather3A_1028, %gather3A_1033 : vector<16xf32>
      %add3A_1035 = arith.addf %scan3A_980, %mul3A_1034 : vector<16xf32>
      %gather3A_1036 = arith.constant 0 : i32
      %gather3A_1037 = arith.constant 0 : i32
      %gather3A_1038 = tpu.memref_slice %arg11[%scan3A, %gather3A_1036, %gather3A_1037] : memref<2x128x128xf32, #tpu.memory_space<vmem>> -> memref<1x128x128xf32, #tpu.memory_space<vmem>>
      %gather3A_1039 = tpu.memref_squeeze %gather3A_1038 : memref<1x128x128xf32, #tpu.memory_space<vmem>> -> memref<128x128xf32, #tpu.memory_space<vmem>>
      %gather3A_1040 = tpu.vector_load_idx %gather3A_1039[%add3A_255, %and3A_988] : memref<128x128xf32, #tpu.memory_space<vmem>>[vector<16xi32>, vector<16xi32>], vector<16xf32>,
      %gather3A_1041 = arith.constant 0 : i32
      %gather3A_1042 = arith.constant 0 : i32
      %gather3A_1043 = tpu.memref_slice %arg12[%scan3A_304, %gather3A_1041, %gather3A_1042] : memref<2x128x128xf32, #tpu.memory_space<vmem>> -> memref<1x128x128xf32, #tpu.memory_space<vmem>>
      %gather3A_1044 = tpu.memref_squeeze %gather3A_1043 : memref<1x128x128xf32, #tpu.memory_space<vmem>> -> memref<128x128xf32, #tpu.memory_space<vmem>>
      %gather3A_1045 = tpu.vector_load_idx %gather3A_1044[%add3A_255, %and3A_988] : memref<128x128xf32, #tpu.memory_space<vmem>>[vector<16xi32>, vector<16xi32>], vector<16xf32>,
      %mul3A_1046 = arith.mulf %gather3A_1040, %gather3A_1045 : vector<16xf32>
      %add3A_1047 = arith.addf %scan3A_981, %mul3A_1046 : vector<16xf32>
      %gather3A_1048 = arith.constant 0 : i32
      %gather3A_1049 = arith.constant 0 : i32
      %gather3A_1050 = tpu.memref_slice %arg11[%scan3A, %gather3A_1048, %gather3A_1049] : memref<2x128x128xf32, #tpu.memory_space<vmem>> -> memref<1x128x128xf32, #tpu.memory_space<vmem>>
      %gather3A_1051 = tpu.memref_squeeze %gather3A_1050 : memref<1x128x128xf32, #tpu.memory_space<vmem>> -> memref<128x128xf32, #tpu.memory_space<vmem>>
      %gather3A_1052 = tpu.vector_load_idx %gather3A_1051[%add3A_258, %and3A_988] : memref<128x128xf32, #tpu.memory_space<vmem>>[vector<16xi32>, vector<16xi32>], vector<16xf32>,
      %gather3A_1053 = arith.constant 0 : i32
      %gather3A_1054 = arith.constant 0 : i32
      %gather3A_1055 = tpu.memref_slice %arg12[%scan3A_304, %gather3A_1053, %gather3A_1054] : memref<2x128x128xf32, #tpu.memory_space<vmem>> -> memref<1x128x128xf32, #tpu.memory_space<vmem>>
      %gather3A_1056 = tpu.memref_squeeze %gather3A_1055 : memref<1x128x128xf32, #tpu.memory_space<vmem>> -> memref<128x128xf32, #tpu.memory_space<vmem>>
      %gather3A_1057 = tpu.vector_load_idx %gather3A_1056[%add3A_258, %and3A_988] : memref<128x128xf32, #tpu.memory_space<vmem>>[vector<16xi32>, vector<16xi32>], vector<16xf32>,
      %mul3A_1058 = arith.mulf %gather3A_1052, %gather3A_1057 : vector<16xf32>
      %add3A_1059 = arith.addf %scan3A_982, %mul3A_1058 : vector<16xf32>
      %gather3A_1060 = arith.constant 0 : i32
      %gather3A_1061 = arith.constant 0 : i32
      %gather3A_1062 = tpu.memref_slice %arg11[%scan3A, %gather3A_1060, %gather3A_1061] : memref<2x128x128xf32, #tpu.memory_space<vmem>> -> memref<1x128x128xf32, #tpu.memory_space<vmem>>
      %gather3A_1063 = tpu.memref_squeeze %gather3A_1062 : memref<1x128x128xf32, #tpu.memory_space<vmem>> -> memref<128x128xf32, #tpu.memory_space<vmem>>
      %gather3A_1064 = tpu.vector_load_idx %gather3A_1063[%add3A_261, %and3A_988] : memref<128x128xf32, #tpu.memory_space<vmem>>[vector<16xi32>, vector<16xi32>], vector<16xf32>,
      %gather3A_1065 = arith.constant 0 : i32
      %gather3A_1066 = arith.constant 0 : i32
      %gather3A_1067 = tpu.memref_slice %arg12[%scan3A_304, %gather3A_1065, %gather3A_1066] : memref<2x128x128xf32, #tpu.memory_space<vmem>> -> memref<1x128x128xf32, #tpu.memory_space<vmem>>
      %gather3A_1068 = tpu.memref_squeeze %gather3A_1067 : memref<1x128x128xf32, #tpu.memory_space<vmem>> -> memref<128x128xf32, #tpu.memory_space<vmem>>
      %gather3A_1069 = tpu.vector_load_idx %gather3A_1068[%add3A_261, %and3A_988] : memref<128x128xf32, #tpu.memory_space<vmem>>[vector<16xi32>, vector<16xi32>], vector<16xf32>,
      %mul3A_1070 = arith.mulf %gather3A_1064, %gather3A_1069 : vector<16xf32>
      %add3A_1071 = arith.addf %scan3A_983, %mul3A_1070 : vector<16xf32>
      %gather3A_1072 = arith.constant 0 : i32
      %gather3A_1073 = arith.constant 0 : i32
      %gather3A_1074 = tpu.memref_slice %arg11[%scan3A, %gather3A_1072, %gather3A_1073] : memref<2x128x128xf32, #tpu.memory_space<vmem>> -> memref<1x128x128xf32, #tpu.memory_space<vmem>>
      %gather3A_1075 = tpu.memref_squeeze %gather3A_1074 : memref<1x128x128xf32, #tpu.memory_space<vmem>> -> memref<128x128xf32, #tpu.memory_space<vmem>>
      %gather3A_1076 = tpu.vector_load_idx %gather3A_1075[%add3A_264, %and3A_988] : memref<128x128xf32, #tpu.memory_space<vmem>>[vector<16xi32>, vector<16xi32>], vector<16xf32>,
      %gather3A_1077 = arith.constant 0 : i32
      %gather3A_1078 = arith.constant 0 : i32
      %gather3A_1079 = tpu.memref_slice %arg12[%scan3A_304, %gather3A_1077, %gather3A_1078] : memref<2x128x128xf32, #tpu.memory_space<vmem>> -> memref<1x128x128xf32, #tpu.memory_space<vmem>>
      %gather3A_1080 = tpu.memref_squeeze %gather3A_1079 : memref<1x128x128xf32, #tpu.memory_space<vmem>> -> memref<128x128xf32, #tpu.memory_space<vmem>>
      %gather3A_1081 = tpu.vector_load_idx %gather3A_1080[%add3A_264, %and3A_988] : memref<128x128xf32, #tpu.memory_space<vmem>>[vector<16xi32>, vector<16xi32>], vector<16xf32>,
      %mul3A_1082 = arith.mulf %gather3A_1076, %gather3A_1081 : vector<16xf32>
      %add3A_1083 = arith.addf %scan3A_984, %mul3A_1082 : vector<16xf32>
      %scan3A_1084 = arith.constant 1 : i32
      %scan3A_1085 = arith.addi %scan3A_976, %scan3A_1084 : i32
      %add3A_1086 = vector.broadcast %scan3A_1085 : i32 to vector<16xi32>
      %add3A_1087 = arith.addi %iota3A, %add3A_1086 : vector<16xi32>
      %and3A_1088 = arith.constant 127 : i32
      %and3A_1089 = vector.broadcast %and3A_1088 : i32 to vector<16xi32>
      %and3A_1090 = arith.andi %add3A_1087, %and3A_1089 : vector<16xi32>
      %gather3A_1091 = arith.constant 0 : i32
      %gather3A_1092 = arith.constant 0 : i32
      %gather3A_1093 = tpu.memref_slice %arg11[%scan3A, %gather3A_1091, %gather3A_1092] : memref<2x128x128xf32, #tpu.memory_space<vmem>> -> memref<1x128x128xf32, #tpu.memory_space<vmem>>
      %gather3A_1094 = tpu.memref_squeeze %gather3A_1093 : memref<1x128x128xf32, #tpu.memory_space<vmem>> -> memref<128x128xf32, #tpu.memory_space<vmem>>
      %gather3A_1095 = tpu.vector_load_idx %gather3A_1094[%add3A_243, %and3A_1090] : memref<128x128xf32, #tpu.memory_space<vmem>>[vector<16xi32>, vector<16xi32>], vector<16xf32>,
      %gather3A_1096 = arith.constant 0 : i32
      %gather3A_1097 = arith.constant 0 : i32
      %gather3A_1098 = tpu.memref_slice %arg12[%scan3A_304, %gather3A_1096, %gather3A_1097] : memref<2x128x128xf32, #tpu.memory_space<vmem>> -> memref<1x128x128xf32, #tpu.memory_space<vmem>>
      %gather3A_1099 = tpu.memref_squeeze %gather3A_1098 : memref<1x128x128xf32, #tpu.memory_space<vmem>> -> memref<128x128xf32, #tpu.memory_space<vmem>>
      %gather3A_1100 = tpu.vector_load_idx %gather3A_1099[%add3A_243, %and3A_1090] : memref<128x128xf32, #tpu.memory_space<vmem>>[vector<16xi32>, vector<16xi32>], vector<16xf32>,
      %mul3A_1101 = arith.mulf %gather3A_1095, %gather3A_1100 : vector<16xf32>
      %add3A_1102 = arith.addf %add3A_999, %mul3A_1101 : vector<16xf32>
      %gather3A_1103 = arith.constant 0 : i32
      %gather3A_1104 = arith.constant 0 : i32
      %gather3A_1105 = tpu.memref_slice %arg11[%scan3A, %gather3A_1103, %gather3A_1104] : memref<2x128x128xf32, #tpu.memory_space<vmem>> -> memref<1x128x128xf32, #tpu.memory_space<vmem>>
      %gather3A_1106 = tpu.memref_squeeze %gather3A_1105 : memref<1x128x128xf32, #tpu.memory_space<vmem>> -> memref<128x128xf32, #tpu.memory_space<vmem>>
      %gather3A_1107 = tpu.vector_load_idx %gather3A_1106[%add3A_246, %and3A_1090] : memref<128x128xf32, #tpu.memory_space<vmem>>[vector<16xi32>, vector<16xi32>], vector<16xf32>,
      %gather3A_1108 = arith.constant 0 : i32
      %gather3A_1109 = arith.constant 0 : i32
      %gather3A_1110 = tpu.memref_slice %arg12[%scan3A_304, %gather3A_1108, %gather3A_1109] : memref<2x128x128xf32, #tpu.memory_space<vmem>> -> memref<1x128x128xf32, #tpu.memory_space<vmem>>
      %gather3A_1111 = tpu.memref_squeeze %gather3A_1110 : memref<1x128x128xf32, #tpu.memory_space<vmem>> -> memref<128x128xf32, #tpu.memory_space<vmem>>
      %gather3A_1112 = tpu.vector_load_idx %gather3A_1111[%add3A_246, %and3A_1090] : memref<128x128xf32, #tpu.memory_space<vmem>>[vector<16xi32>, vector<16xi32>], vector<16xf32>,
      %mul3A_1113 = arith.mulf %gather3A_1107, %gather3A_1112 : vector<16xf32>
      %add3A_1114 = arith.addf %add3A_1011, %mul3A_1113 : vector<16xf32>
      %gather3A_1115 = arith.constant 0 : i32
      %gather3A_1116 = arith.constant 0 : i32
      %gather3A_1117 = tpu.memref_slice %arg11[%scan3A, %gather3A_1115, %gather3A_1116] : memref<2x128x128xf32, #tpu.memory_space<vmem>> -> memref<1x128x128xf32, #tpu.memory_space<vmem>>
      %gather3A_1118 = tpu.memref_squeeze %gather3A_1117 : memref<1x128x128xf32, #tpu.memory_space<vmem>> -> memref<128x128xf32, #tpu.memory_space<vmem>>
      %gather3A_1119 = tpu.vector_load_idx %gather3A_1118[%add3A_249, %and3A_1090] : memref<128x128xf32, #tpu.memory_space<vmem>>[vector<16xi32>, vector<16xi32>], vector<16xf32>,
      %gather3A_1120 = arith.constant 0 : i32
      %gather3A_1121 = arith.constant 0 : i32
      %gather3A_1122 = tpu.memref_slice %arg12[%scan3A_304, %gather3A_1120, %gather3A_1121] : memref<2x128x128xf32, #tpu.memory_space<vmem>> -> memref<1x128x128xf32, #tpu.memory_space<vmem>>
      %gather3A_1123 = tpu.memref_squeeze %gather3A_1122 : memref<1x128x128xf32, #tpu.memory_space<vmem>> -> memref<128x128xf32, #tpu.memory_space<vmem>>
      %gather3A_1124 = tpu.vector_load_idx %gather3A_1123[%add3A_249, %and3A_1090] : memref<128x128xf32, #tpu.memory_space<vmem>>[vector<16xi32>, vector<16xi32>], vector<16xf32>,
      %mul3A_1125 = arith.mulf %gather3A_1119, %gather3A_1124 : vector<16xf32>
      %add3A_1126 = arith.addf %add3A_1023, %mul3A_1125 : vector<16xf32>
      %gather3A_1127 = arith.constant 0 : i32
      %gather3A_1128 = arith.constant 0 : i32
      %gather3A_1129 = tpu.memref_slice %arg11[%scan3A, %gather3A_1127, %gather3A_1128] : memref<2x128x128xf32, #tpu.memory_space<vmem>> -> memref<1x128x128xf32, #tpu.memory_space<vmem>>
      %gather3A_1130 = tpu.memref_squeeze %gather3A_1129 : memref<1x128x128xf32, #tpu.memory_space<vmem>> -> memref<128x128xf32, #tpu.memory_space<vmem>>
      %gather3A_1131 = tpu.vector_load_idx %gather3A_1130[%add3A_252, %and3A_1090] : memref<128x128xf32, #tpu.memory_space<vmem>>[vector<16xi32>, vector<16xi32>], vector<16xf32>,
      %gather3A_1132 = arith.constant 0 : i32
      %gather3A_1133 = arith.constant 0 : i32
      %gather3A_1134 = tpu.memref_slice %arg12[%scan3A_304, %gather3A_1132, %gather3A_1133] : memref<2x128x128xf32, #tpu.memory_space<vmem>> -> memref<1x128x128xf32, #tpu.memory_space<vmem>>
      %gather3A_1135 = tpu.memref_squeeze %gather3A_1134 : memref<1x128x128xf32, #tpu.memory_space<vmem>> -> memref<128x128xf32, #tpu.memory_space<vmem>>
      %gather3A_1136 = tpu.vector_load_idx %gather3A_1135[%add3A_252, %and3A_1090] : memref<128x128xf32, #tpu.memory_space<vmem>>[vector<16xi32>, vector<16xi32>], vector<16xf32>,
      %mul3A_1137 = arith.mulf %gather3A_1131, %gather3A_1136 : vector<16xf32>
      %add3A_1138 = arith.addf %add3A_1035, %mul3A_1137 : vector<16xf32>
      %gather3A_1139 = arith.constant 0 : i32
      %gather3A_1140 = arith.constant 0 : i32
      %gather3A_1141 = tpu.memref_slice %arg11[%scan3A, %gather3A_1139, %gather3A_1140] : memref<2x128x128xf32, #tpu.memory_space<vmem>> -> memref<1x128x128xf32, #tpu.memory_space<vmem>>
      %gather3A_1142 = tpu.memref_squeeze %gather3A_1141 : memref<1x128x128xf32, #tpu.memory_space<vmem>> -> memref<128x128xf32, #tpu.memory_space<vmem>>
      %gather3A_1143 = tpu.vector_load_idx %gather3A_1142[%add3A_255, %and3A_1090] : memref<128x128xf32, #tpu.memory_space<vmem>>[vector<16xi32>, vector<16xi32>], vector<16xf32>,
      %gather3A_1144 = arith.constant 0 : i32
      %gather3A_1145 = arith.constant 0 : i32
      %gather3A_1146 = tpu.memref_slice %arg12[%scan3A_304, %gather3A_1144, %gather3A_1145] : memref<2x128x128xf32, #tpu.memory_space<vmem>> -> memref<1x128x128xf32, #tpu.memory_space<vmem>>
      %gather3A_1147 = tpu.memref_squeeze %gather3A_1146 : memref<1x128x128xf32, #tpu.memory_space<vmem>> -> memref<128x128xf32, #tpu.memory_space<vmem>>
      %gather3A_1148 = tpu.vector_load_idx %gather3A_1147[%add3A_255, %and3A_1090] : memref<128x128xf32, #tpu.memory_space<vmem>>[vector<16xi32>, vector<16xi32>], vector<16xf32>,
      %mul3A_1149 = arith.mulf %gather3A_1143, %gather3A_1148 : vector<16xf32>
      %add3A_1150 = arith.addf %add3A_1047, %mul3A_1149 : vector<16xf32>
      %gather3A_1151 = arith.constant 0 : i32
      %gather3A_1152 = arith.constant 0 : i32
      %gather3A_1153 = tpu.memref_slice %arg11[%scan3A, %gather3A_1151, %gather3A_1152] : memref<2x128x128xf32, #tpu.memory_space<vmem>> -> memref<1x128x128xf32, #tpu.memory_space<vmem>>
      %gather3A_1154 = tpu.memref_squeeze %gather3A_1153 : memref<1x128x128xf32, #tpu.memory_space<vmem>> -> memref<128x128xf32, #tpu.memory_space<vmem>>
      %gather3A_1155 = tpu.vector_load_idx %gather3A_1154[%add3A_258, %and3A_1090] : memref<128x128xf32, #tpu.memory_space<vmem>>[vector<16xi32>, vector<16xi32>], vector<16xf32>,
      %gather3A_1156 = arith.constant 0 : i32
      %gather3A_1157 = arith.constant 0 : i32
      %gather3A_1158 = tpu.memref_slice %arg12[%scan3A_304, %gather3A_1156, %gather3A_1157] : memref<2x128x128xf32, #tpu.memory_space<vmem>> -> memref<1x128x128xf32, #tpu.memory_space<vmem>>
      %gather3A_1159 = tpu.memref_squeeze %gather3A_1158 : memref<1x128x128xf32, #tpu.memory_space<vmem>> -> memref<128x128xf32, #tpu.memory_space<vmem>>
      %gather3A_1160 = tpu.vector_load_idx %gather3A_1159[%add3A_258, %and3A_1090] : memref<128x128xf32, #tpu.memory_space<vmem>>[vector<16xi32>, vector<16xi32>], vector<16xf32>,
      %mul3A_1161 = arith.mulf %gather3A_1155, %gather3A_1160 : vector<16xf32>
      %add3A_1162 = arith.addf %add3A_1059, %mul3A_1161 : vector<16xf32>
      %gather3A_1163 = arith.constant 0 : i32
      %gather3A_1164 = arith.constant 0 : i32
      %gather3A_1165 = tpu.memref_slice %arg11[%scan3A, %gather3A_1163, %gather3A_1164] : memref<2x128x128xf32, #tpu.memory_space<vmem>> -> memref<1x128x128xf32, #tpu.memory_space<vmem>>
      %gather3A_1166 = tpu.memref_squeeze %gather3A_1165 : memref<1x128x128xf32, #tpu.memory_space<vmem>> -> memref<128x128xf32, #tpu.memory_space<vmem>>
      %gather3A_1167 = tpu.vector_load_idx %gather3A_1166[%add3A_261, %and3A_1090] : memref<128x128xf32, #tpu.memory_space<vmem>>[vector<16xi32>, vector<16xi32>], vector<16xf32>,
      %gather3A_1168 = arith.constant 0 : i32
      %gather3A_1169 = arith.constant 0 : i32
      %gather3A_1170 = tpu.memref_slice %arg12[%scan3A_304, %gather3A_1168, %gather3A_1169] : memref<2x128x128xf32, #tpu.memory_space<vmem>> -> memref<1x128x128xf32, #tpu.memory_space<vmem>>
      %gather3A_1171 = tpu.memref_squeeze %gather3A_1170 : memref<1x128x128xf32, #tpu.memory_space<vmem>> -> memref<128x128xf32, #tpu.memory_space<vmem>>
      %gather3A_1172 = tpu.vector_load_idx %gather3A_1171[%add3A_261, %and3A_1090] : memref<128x128xf32, #tpu.memory_space<vmem>>[vector<16xi32>, vector<16xi32>], vector<16xf32>,
      %mul3A_1173 = arith.mulf %gather3A_1167, %gather3A_1172 : vector<16xf32>
      %add3A_1174 = arith.addf %add3A_1071, %mul3A_1173 : vector<16xf32>
      %gather3A_1175 = arith.constant 0 : i32
      %gather3A_1176 = arith.constant 0 : i32
      %gather3A_1177 = tpu.memref_slice %arg11[%scan3A, %gather3A_1175, %gather3A_1176] : memref<2x128x128xf32, #tpu.memory_space<vmem>> -> memref<1x128x128xf32, #tpu.memory_space<vmem>>
      %gather3A_1178 = tpu.memref_squeeze %gather3A_1177 : memref<1x128x128xf32, #tpu.memory_space<vmem>> -> memref<128x128xf32, #tpu.memory_space<vmem>>
      %gather3A_1179 = tpu.vector_load_idx %gather3A_1178[%add3A_264, %and3A_1090] : memref<128x128xf32, #tpu.memory_space<vmem>>[vector<16xi32>, vector<16xi32>], vector<16xf32>,
      %gather3A_1180 = arith.constant 0 : i32
      %gather3A_1181 = arith.constant 0 : i32
      %gather3A_1182 = tpu.memref_slice %arg12[%scan3A_304, %gather3A_1180, %gather3A_1181] : memref<2x128x128xf32, #tpu.memory_space<vmem>> -> memref<1x128x128xf32, #tpu.memory_space<vmem>>
      %gather3A_1183 = tpu.memref_squeeze %gather3A_1182 : memref<1x128x128xf32, #tpu.memory_space<vmem>> -> memref<128x128xf32, #tpu.memory_space<vmem>>
      %gather3A_1184 = tpu.vector_load_idx %gather3A_1183[%add3A_264, %and3A_1090] : memref<128x128xf32, #tpu.memory_space<vmem>>[vector<16xi32>, vector<16xi32>], vector<16xf32>,
      %mul3A_1185 = arith.mulf %gather3A_1179, %gather3A_1184 : vector<16xf32>
      %add3A_1186 = arith.addf %add3A_1083, %mul3A_1185 : vector<16xf32>
      scf.yield %add3A_1102, %add3A_1114, %add3A_1126, %add3A_1138, %add3A_1150, %add3A_1162, %add3A_1174, %add3A_1186 : vector<16xf32>, vector<16xf32>, vector<16xf32>, vector<16xf32>, vector<16xf32>, vector<16xf32>, vector<16xf32>, vector<16xf32>
    }
    %scan3A_310 = arith.constant 128 : i32
    %dma_wait3A_311 = arith.constant 0 : i32
    %dma_wait3A_312 = arith.constant 0 : i32
    %dma_wait3A_313 = arith.constant 0 : i32
    %dma_wait3A_314 = tpu.memref_slice %arg13[%dma_wait3A_312, %dma_wait3A_313] : memref<4x128xf32, #tpu.memory_space<vmem>> -> memref<1x128xf32, #tpu.memory_space<vmem>>
    %dma_wait3A_315 = tpu.memref_squeeze %dma_wait3A_314 : memref<1x128xf32, #tpu.memory_space<vmem>> -> memref<128xf32, #tpu.memory_space<vmem>>
    %dma_wait3A_316 = arith.constant 0 : i32
    %dma_wait3A_317 = tpu.memref_slice %arg9[%dma_wait3A_311, %dma_wait3A_316] : memref<4x128xi32, #tpu.memory_space<vmem>> -> memref<1x128xi32, #tpu.memory_space<vmem>>
    %dma_wait3A_318 = tpu.memref_squeeze %dma_wait3A_317 : memref<1x128xi32, #tpu.memory_space<vmem>> -> memref<128xi32, #tpu.memory_space<vmem>>
    %dma_wait3A_319 = arith.constant 0 : i32
    %dma_wait3A_320 = tpu.memref_slice %arg6[%dma_wait3A_319] : memref<100001xf32, #tpu.memory_space<hbm>> -> memref<100001xf32, #tpu.memory_space<hbm>>
    tpu.wait_indirect_dma semaphore(%arg18 : memref<!tpu.dma_semaphore, #tpu.memory_space<semaphore_mem>>) src(%dma_wait3A_320 : memref<100001xf32, #tpu.memory_space<hbm>>) dst(%dma_wait3A_315 : memref<128xf32, #tpu.memory_space<vmem>>)
    %dma_wait3A_321 = arith.constant 0 : i32
    %dma_wait3A_322 = arith.constant 0 : i32
    %dma_wait3A_323 = arith.constant 0 : i32
    %dma_wait3A_324 = tpu.memref_slice %arg14[%dma_wait3A_322, %dma_wait3A_323] : memref<4x128xf32, #tpu.memory_space<vmem>> -> memref<1x128xf32, #tpu.memory_space<vmem>>
    %dma_wait3A_325 = tpu.memref_squeeze %dma_wait3A_324 : memref<1x128xf32, #tpu.memory_space<vmem>> -> memref<128xf32, #tpu.memory_space<vmem>>
    %dma_wait3A_326 = arith.constant 0 : i32
    %dma_wait3A_327 = tpu.memref_slice %arg10[%dma_wait3A_321, %dma_wait3A_326] : memref<4x128xi32, #tpu.memory_space<vmem>> -> memref<1x128xi32, #tpu.memory_space<vmem>>
    %dma_wait3A_328 = tpu.memref_squeeze %dma_wait3A_327 : memref<1x128xi32, #tpu.memory_space<vmem>> -> memref<128xi32, #tpu.memory_space<vmem>>
    %dma_wait3A_329 = arith.constant 0 : i32
    %dma_wait3A_330 = tpu.memref_slice %arg7[%dma_wait3A_329] : memref<100001xf32, #tpu.memory_space<hbm>> -> memref<100001xf32, #tpu.memory_space<hbm>>
    tpu.wait_indirect_dma semaphore(%arg18 : memref<!tpu.dma_semaphore, #tpu.memory_space<semaphore_mem>>) src(%dma_wait3A_330 : memref<100001xf32, #tpu.memory_space<hbm>>) dst(%dma_wait3A_325 : memref<128xf32, #tpu.memory_space<vmem>>)
    %dma_wait3A_331 = arith.constant 1 : i32
    %dma_wait3A_332 = arith.constant 1 : i32
    %dma_wait3A_333 = arith.constant 0 : i32
    %dma_wait3A_334 = tpu.memref_slice %arg13[%dma_wait3A_332, %dma_wait3A_333] : memref<4x128xf32, #tpu.memory_space<vmem>> -> memref<1x128xf32, #tpu.memory_space<vmem>>
    %dma_wait3A_335 = tpu.memref_squeeze %dma_wait3A_334 : memref<1x128xf32, #tpu.memory_space<vmem>> -> memref<128xf32, #tpu.memory_space<vmem>>
    %dma_wait3A_336 = arith.constant 0 : i32
    %dma_wait3A_337 = tpu.memref_slice %arg9[%dma_wait3A_331, %dma_wait3A_336] : memref<4x128xi32, #tpu.memory_space<vmem>> -> memref<1x128xi32, #tpu.memory_space<vmem>>
    %dma_wait3A_338 = tpu.memref_squeeze %dma_wait3A_337 : memref<1x128xi32, #tpu.memory_space<vmem>> -> memref<128xi32, #tpu.memory_space<vmem>>
    %dma_wait3A_339 = arith.constant 0 : i32
    %dma_wait3A_340 = tpu.memref_slice %arg6[%dma_wait3A_339] : memref<100001xf32, #tpu.memory_space<hbm>> -> memref<100001xf32, #tpu.memory_space<hbm>>
    tpu.wait_indirect_dma semaphore(%arg18 : memref<!tpu.dma_semaphore, #tpu.memory_space<semaphore_mem>>) src(%dma_wait3A_340 : memref<100001xf32, #tpu.memory_space<hbm>>) dst(%dma_wait3A_335 : memref<128xf32, #tpu.memory_space<vmem>>)
    %dma_wait3A_341 = arith.constant 1 : i32
    %dma_wait3A_342 = arith.constant 1 : i32
    %dma_wait3A_343 = arith.constant 0 : i32
    %dma_wait3A_344 = tpu.memref_slice %arg14[%dma_wait3A_342, %dma_wait3A_343] : memref<4x128xf32, #tpu.memory_space<vmem>> -> memref<1x128xf32, #tpu.memory_space<vmem>>
    %dma_wait3A_345 = tpu.memref_squeeze %dma_wait3A_344 : memref<1x128xf32, #tpu.memory_space<vmem>> -> memref<128xf32, #tpu.memory_space<vmem>>
    %dma_wait3A_346 = arith.constant 0 : i32
    %dma_wait3A_347 = tpu.memref_slice %arg10[%dma_wait3A_341, %dma_wait3A_346] : memref<4x128xi32, #tpu.memory_space<vmem>> -> memref<1x128xi32, #tpu.memory_space<vmem>>
    %dma_wait3A_348 = tpu.memref_squeeze %dma_wait3A_347 : memref<1x128xi32, #tpu.memory_space<vmem>> -> memref<128xi32, #tpu.memory_space<vmem>>
    %dma_wait3A_349 = arith.constant 0 : i32
    %dma_wait3A_350 = tpu.memref_slice %arg7[%dma_wait3A_349] : memref<100001xf32, #tpu.memory_space<hbm>> -> memref<100001xf32, #tpu.memory_space<hbm>>
    tpu.wait_indirect_dma semaphore(%arg18 : memref<!tpu.dma_semaphore, #tpu.memory_space<semaphore_mem>>) src(%dma_wait3A_350 : memref<100001xf32, #tpu.memory_space<hbm>>) dst(%dma_wait3A_345 : memref<128xf32, #tpu.memory_space<vmem>>)
    %dma_wait3A_351 = arith.constant 2 : i32
    %dma_wait3A_352 = arith.constant 2 : i32
    %dma_wait3A_353 = arith.constant 0 : i32
    %dma_wait3A_354 = tpu.memref_slice %arg13[%dma_wait3A_352, %dma_wait3A_353] : memref<4x128xf32, #tpu.memory_space<vmem>> -> memref<1x128xf32, #tpu.memory_space<vmem>>
    %dma_wait3A_355 = tpu.memref_squeeze %dma_wait3A_354 : memref<1x128xf32, #tpu.memory_space<vmem>> -> memref<128xf32, #tpu.memory_space<vmem>>
    %dma_wait3A_356 = arith.constant 0 : i32
    %dma_wait3A_357 = tpu.memref_slice %arg9[%dma_wait3A_351, %dma_wait3A_356] : memref<4x128xi32, #tpu.memory_space<vmem>> -> memref<1x128xi32, #tpu.memory_space<vmem>>
    %dma_wait3A_358 = tpu.memref_squeeze %dma_wait3A_357 : memref<1x128xi32, #tpu.memory_space<vmem>> -> memref<128xi32, #tpu.memory_space<vmem>>
    %dma_wait3A_359 = arith.constant 0 : i32
    %dma_wait3A_360 = tpu.memref_slice %arg6[%dma_wait3A_359] : memref<100001xf32, #tpu.memory_space<hbm>> -> memref<100001xf32, #tpu.memory_space<hbm>>
    tpu.wait_indirect_dma semaphore(%arg18 : memref<!tpu.dma_semaphore, #tpu.memory_space<semaphore_mem>>) src(%dma_wait3A_360 : memref<100001xf32, #tpu.memory_space<hbm>>) dst(%dma_wait3A_355 : memref<128xf32, #tpu.memory_space<vmem>>)
    %dma_wait3A_361 = arith.constant 2 : i32
    %dma_wait3A_362 = arith.constant 2 : i32
    %dma_wait3A_363 = arith.constant 0 : i32
    %dma_wait3A_364 = tpu.memref_slice %arg14[%dma_wait3A_362, %dma_wait3A_363] : memref<4x128xf32, #tpu.memory_space<vmem>> -> memref<1x128xf32, #tpu.memory_space<vmem>>
    %dma_wait3A_365 = tpu.memref_squeeze %dma_wait3A_364 : memref<1x128xf32, #tpu.memory_space<vmem>> -> memref<128xf32, #tpu.memory_space<vmem>>
    %dma_wait3A_366 = arith.constant 0 : i32
    %dma_wait3A_367 = tpu.memref_slice %arg10[%dma_wait3A_361, %dma_wait3A_366] : memref<4x128xi32, #tpu.memory_space<vmem>> -> memref<1x128xi32, #tpu.memory_space<vmem>>
    %dma_wait3A_368 = tpu.memref_squeeze %dma_wait3A_367 : memref<1x128xi32, #tpu.memory_space<vmem>> -> memref<128xi32, #tpu.memory_space<vmem>>
    %dma_wait3A_369 = arith.constant 0 : i32
    %dma_wait3A_370 = tpu.memref_slice %arg7[%dma_wait3A_369] : memref<100001xf32, #tpu.memory_space<hbm>> -> memref<100001xf32, #tpu.memory_space<hbm>>
    tpu.wait_indirect_dma semaphore(%arg18 : memref<!tpu.dma_semaphore, #tpu.memory_space<semaphore_mem>>) src(%dma_wait3A_370 : memref<100001xf32, #tpu.memory_space<hbm>>) dst(%dma_wait3A_365 : memref<128xf32, #tpu.memory_space<vmem>>)
    %dma_wait3A_371 = arith.constant 3 : i32
    %dma_wait3A_372 = arith.constant 3 : i32
    %dma_wait3A_373 = arith.constant 0 : i32
    %dma_wait3A_374 = tpu.memref_slice %arg13[%dma_wait3A_372, %dma_wait3A_373] : memref<4x128xf32, #tpu.memory_space<vmem>> -> memref<1x128xf32, #tpu.memory_space<vmem>>
    %dma_wait3A_375 = tpu.memref_squeeze %dma_wait3A_374 : memref<1x128xf32, #tpu.memory_space<vmem>> -> memref<128xf32, #tpu.memory_space<vmem>>
    %dma_wait3A_376 = arith.constant 0 : i32
    %dma_wait3A_377 = tpu.memref_slice %arg9[%dma_wait3A_371, %dma_wait3A_376] : memref<4x128xi32, #tpu.memory_space<vmem>> -> memref<1x128xi32, #tpu.memory_space<vmem>>
    %dma_wait3A_378 = tpu.memref_squeeze %dma_wait3A_377 : memref<1x128xi32, #tpu.memory_space<vmem>> -> memref<128xi32, #tpu.memory_space<vmem>>
    %dma_wait3A_379 = arith.constant 0 : i32
    %dma_wait3A_380 = tpu.memref_slice %arg6[%dma_wait3A_379] : memref<100001xf32, #tpu.memory_space<hbm>> -> memref<100001xf32, #tpu.memory_space<hbm>>
    tpu.wait_indirect_dma semaphore(%arg18 : memref<!tpu.dma_semaphore, #tpu.memory_space<semaphore_mem>>) src(%dma_wait3A_380 : memref<100001xf32, #tpu.memory_space<hbm>>) dst(%dma_wait3A_375 : memref<128xf32, #tpu.memory_space<vmem>>)
    %dma_wait3A_381 = arith.constant 3 : i32
    %dma_wait3A_382 = arith.constant 3 : i32
    %dma_wait3A_383 = arith.constant 0 : i32
    %dma_wait3A_384 = tpu.memref_slice %arg14[%dma_wait3A_382, %dma_wait3A_383] : memref<4x128xf32, #tpu.memory_space<vmem>> -> memref<1x128xf32, #tpu.memory_space<vmem>>
    %dma_wait3A_385 = tpu.memref_squeeze %dma_wait3A_384 : memref<1x128xf32, #tpu.memory_space<vmem>> -> memref<128xf32, #tpu.memory_space<vmem>>
    %dma_wait3A_386 = arith.constant 0 : i32
    %dma_wait3A_387 = tpu.memref_slice %arg10[%dma_wait3A_381, %dma_wait3A_386] : memref<4x128xi32, #tpu.memory_space<vmem>> -> memref<1x128xi32, #tpu.memory_space<vmem>>
    %dma_wait3A_388 = tpu.memref_squeeze %dma_wait3A_387 : memref<1x128xi32, #tpu.memory_space<vmem>> -> memref<128xi32, #tpu.memory_space<vmem>>
    %dma_wait3A_389 = arith.constant 0 : i32
    %dma_wait3A_390 = tpu.memref_slice %arg7[%dma_wait3A_389] : memref<100001xf32, #tpu.memory_space<hbm>> -> memref<100001xf32, #tpu.memory_space<hbm>>
    tpu.wait_indirect_dma semaphore(%arg18 : memref<!tpu.dma_semaphore, #tpu.memory_space<semaphore_mem>>) src(%dma_wait3A_390 : memref<100001xf32, #tpu.memory_space<hbm>>) dst(%dma_wait3A_385 : memref<128xf32, #tpu.memory_space<vmem>>)
    %get3A = arith.constant 0 : i32
    %get3A_391 = arith.index_cast %get3A : i32 to index
    %get3A_392 = arith.constant 0 : index
    %get3A_393 = tpu.vector_load %arg13[%get3A_391, %get3A_392] {strides = array<i32>} : memref<4x128xf32, #tpu.memory_space<vmem>>, vector<16xf32>,
    %add3A_394 = arith.addf %scan3A_309#0, %get3A_393 : vector<16xf32>
    %get3A_395 = arith.constant 0 : i32
    %get3A_396 = arith.index_cast %get3A_395 : i32 to index
    %get3A_397 = arith.constant 0 : index
    %get3A_398 = tpu.vector_load %arg14[%get3A_396, %get3A_397] {strides = array<i32>} : memref<4x128xf32, #tpu.memory_space<vmem>>, vector<16xf32>,
    %add3A_399 = arith.addf %add3A_394, %get3A_398 : vector<16xf32>
    %swap3A = arith.constant 0 : index
    %swap3A_400 = tpu.vector_load %arg15[%swap3A] {strides = array<i32>} : memref<128xf32, #tpu.memory_space<vmem>>, vector<16xf32>,
    tpu.vector_store %arg15[%swap3A], %add3A_399 {strides = array<i32>} : memref<128xf32, #tpu.memory_space<vmem>>, vector<16xf32>,
    %get3A_401 = arith.constant 0 : i32
    %get3A_402 = arith.index_cast %get3A_401 : i32 to index
    %get3A_403 = arith.constant 16 : index
    %get3A_404 = tpu.vector_load %arg13[%get3A_402, %get3A_403] {strides = array<i32>} : memref<4x128xf32, #tpu.memory_space<vmem>>, vector<16xf32>,
    %add3A_405 = arith.addf %scan3A_309#1, %get3A_404 : vector<16xf32>
    %get3A_406 = arith.constant 0 : i32
    %get3A_407 = arith.index_cast %get3A_406 : i32 to index
    %get3A_408 = arith.constant 16 : index
    %get3A_409 = tpu.vector_load %arg14[%get3A_407, %get3A_408] {strides = array<i32>} : memref<4x128xf32, #tpu.memory_space<vmem>>, vector<16xf32>,
    %add3A_410 = arith.addf %add3A_405, %get3A_409 : vector<16xf32>
    %swap3A_411 = arith.constant 16 : index
    %swap3A_412 = tpu.vector_load %arg15[%swap3A_411] {strides = array<i32>} : memref<128xf32, #tpu.memory_space<vmem>>, vector<16xf32>,
    tpu.vector_store %arg15[%swap3A_411], %add3A_410 {strides = array<i32>} : memref<128xf32, #tpu.memory_space<vmem>>, vector<16xf32>,
    %get3A_413 = arith.constant 0 : i32
    %get3A_414 = arith.index_cast %get3A_413 : i32 to index
    %get3A_415 = arith.constant 32 : index
    %get3A_416 = tpu.vector_load %arg13[%get3A_414, %get3A_415] {strides = array<i32>} : memref<4x128xf32, #tpu.memory_space<vmem>>, vector<16xf32>,
    %add3A_417 = arith.addf %scan3A_309#2, %get3A_416 : vector<16xf32>
    %get3A_418 = arith.constant 0 : i32
    %get3A_419 = arith.index_cast %get3A_418 : i32 to index
    %get3A_420 = arith.constant 32 : index
    %get3A_421 = tpu.vector_load %arg14[%get3A_419, %get3A_420] {strides = array<i32>} : memref<4x128xf32, #tpu.memory_space<vmem>>, vector<16xf32>,
    %add3A_422 = arith.addf %add3A_417, %get3A_421 : vector<16xf32>
    %swap3A_423 = arith.constant 32 : index
    %swap3A_424 = tpu.vector_load %arg15[%swap3A_423] {strides = array<i32>} : memref<128xf32, #tpu.memory_space<vmem>>, vector<16xf32>,
    tpu.vector_store %arg15[%swap3A_423], %add3A_422 {strides = array<i32>} : memref<128xf32, #tpu.memory_space<vmem>>, vector<16xf32>,
    %get3A_425 = arith.constant 0 : i32
    %get3A_426 = arith.index_cast %get3A_425 : i32 to index
    %get3A_427 = arith.constant 48 : index
    %get3A_428 = tpu.vector_load %arg13[%get3A_426, %get3A_427] {strides = array<i32>} : memref<4x128xf32, #tpu.memory_space<vmem>>, vector<16xf32>,
    %add3A_429 = arith.addf %scan3A_309#3, %get3A_428 : vector<16xf32>
    %get3A_430 = arith.constant 0 : i32
    %get3A_431 = arith.index_cast %get3A_430 : i32 to index
    %get3A_432 = arith.constant 48 : index
    %get3A_433 = tpu.vector_load %arg14[%get3A_431, %get3A_432] {strides = array<i32>} : memref<4x128xf32, #tpu.memory_space<vmem>>, vector<16xf32>,
    %add3A_434 = arith.addf %add3A_429, %get3A_433 : vector<16xf32>
    %swap3A_435 = arith.constant 48 : index
    %swap3A_436 = tpu.vector_load %arg15[%swap3A_435] {strides = array<i32>} : memref<128xf32, #tpu.memory_space<vmem>>, vector<16xf32>,
    tpu.vector_store %arg15[%swap3A_435], %add3A_434 {strides = array<i32>} : memref<128xf32, #tpu.memory_space<vmem>>, vector<16xf32>,
    %get3A_437 = arith.constant 0 : i32
    %get3A_438 = arith.index_cast %get3A_437 : i32 to index
    %get3A_439 = arith.constant 64 : index
    %get3A_440 = tpu.vector_load %arg13[%get3A_438, %get3A_439] {strides = array<i32>} : memref<4x128xf32, #tpu.memory_space<vmem>>, vector<16xf32>,
    %add3A_441 = arith.addf %scan3A_309#4, %get3A_440 : vector<16xf32>
    %get3A_442 = arith.constant 0 : i32
    %get3A_443 = arith.index_cast %get3A_442 : i32 to index
    %get3A_444 = arith.constant 64 : index
    %get3A_445 = tpu.vector_load %arg14[%get3A_443, %get3A_444] {strides = array<i32>} : memref<4x128xf32, #tpu.memory_space<vmem>>, vector<16xf32>,
    %add3A_446 = arith.addf %add3A_441, %get3A_445 : vector<16xf32>
    %swap3A_447 = arith.constant 64 : index
    %swap3A_448 = tpu.vector_load %arg15[%swap3A_447] {strides = array<i32>} : memref<128xf32, #tpu.memory_space<vmem>>, vector<16xf32>,
    tpu.vector_store %arg15[%swap3A_447], %add3A_446 {strides = array<i32>} : memref<128xf32, #tpu.memory_space<vmem>>, vector<16xf32>,
    %get3A_449 = arith.constant 0 : i32
    %get3A_450 = arith.index_cast %get3A_449 : i32 to index
    %get3A_451 = arith.constant 80 : index
    %get3A_452 = tpu.vector_load %arg13[%get3A_450, %get3A_451] {strides = array<i32>} : memref<4x128xf32, #tpu.memory_space<vmem>>, vector<16xf32>,
    %add3A_453 = arith.addf %scan3A_309#5, %get3A_452 : vector<16xf32>
    %get3A_454 = arith.constant 0 : i32
    %get3A_455 = arith.index_cast %get3A_454 : i32 to index
    %get3A_456 = arith.constant 80 : index
    %get3A_457 = tpu.vector_load %arg14[%get3A_455, %get3A_456] {strides = array<i32>} : memref<4x128xf32, #tpu.memory_space<vmem>>, vector<16xf32>,
    %add3A_458 = arith.addf %add3A_453, %get3A_457 : vector<16xf32>
    %swap3A_459 = arith.constant 80 : index
    %swap3A_460 = tpu.vector_load %arg15[%swap3A_459] {strides = array<i32>} : memref<128xf32, #tpu.memory_space<vmem>>, vector<16xf32>,
    tpu.vector_store %arg15[%swap3A_459], %add3A_458 {strides = array<i32>} : memref<128xf32, #tpu.memory_space<vmem>>, vector<16xf32>,
    %get3A_461 = arith.constant 0 : i32
    %get3A_462 = arith.index_cast %get3A_461 : i32 to index
    %get3A_463 = arith.constant 96 : index
    %get3A_464 = tpu.vector_load %arg13[%get3A_462, %get3A_463] {strides = array<i32>} : memref<4x128xf32, #tpu.memory_space<vmem>>, vector<16xf32>,
    %add3A_465 = arith.addf %scan3A_309#6, %get3A_464 : vector<16xf32>
    %get3A_466 = arith.constant 0 : i32
    %get3A_467 = arith.index_cast %get3A_466 : i32 to index
    %get3A_468 = arith.constant 96 : index
    %get3A_469 = tpu.vector_load %arg14[%get3A_467, %get3A_468] {strides = array<i32>} : memref<4x128xf32, #tpu.memory_space<vmem>>, vector<16xf32>,
    %add3A_470 = arith.addf %add3A_465, %get3A_469 : vector<16xf32>
    %swap3A_471 = arith.constant 96 : index
    %swap3A_472 = tpu.vector_load %arg15[%swap3A_471] {strides = array<i32>} : memref<128xf32, #tpu.memory_space<vmem>>, vector<16xf32>,
    tpu.vector_store %arg15[%swap3A_471], %add3A_470 {strides = array<i32>} : memref<128xf32, #tpu.memory_space<vmem>>, vector<16xf32>,
    %get3A_473 = arith.constant 0 : i32
    %get3A_474 = arith.index_cast %get3A_473 : i32 to index
    %get3A_475 = arith.constant 112 : index
    %get3A_476 = tpu.vector_load %arg13[%get3A_474, %get3A_475] {strides = array<i32>} : memref<4x128xf32, #tpu.memory_space<vmem>>, vector<16xf32>,
    %add3A_477 = arith.addf %scan3A_309#7, %get3A_476 : vector<16xf32>
    %get3A_478 = arith.constant 0 : i32
    %get3A_479 = arith.index_cast %get3A_478 : i32 to index
    %get3A_480 = arith.constant 112 : index
    %get3A_481 = tpu.vector_load %arg14[%get3A_479, %get3A_480] {strides = array<i32>} : memref<4x128xf32, #tpu.memory_space<vmem>>, vector<16xf32>,
    %add3A_482 = arith.addf %add3A_477, %get3A_481 : vector<16xf32>
    %swap3A_483 = arith.constant 112 : index
    %swap3A_484 = tpu.vector_load %arg15[%swap3A_483] {strides = array<i32>} : memref<128xf32, #tpu.memory_space<vmem>>, vector<16xf32>,
    tpu.vector_store %arg15[%swap3A_483], %add3A_482 {strides = array<i32>} : memref<128xf32, #tpu.memory_space<vmem>>, vector<16xf32>,
    %add3A_485 = arith.constant 0 : i32
    %add3A_486 = arith.addi %mul3A_2, %add3A_485 : i32
    %multiple_of3A = tpu.assume_multiple %add3A_486, 128 : i32
    "tpu.region"() ({
      %run_scoped3A = tpu.sem_alloc : memref<!tpu.dma_semaphore, #tpu.memory_space<semaphore_mem>>
      %dma_start3A_976 = tpu.memref_slice %arg8[%multiple_of3A] : memref<16384xf32, #tpu.memory_space<hbm>> -> memref<128xf32, #tpu.memory_space<hbm>>
      %dma_start3A_977 = tpu.memref_slice %arg8[%multiple_of3A] : memref<16384xf32, #tpu.memory_space<hbm>> -> memref<128xf32, #tpu.memory_space<hbm>>
      tpu.enqueue_dma source(%arg15 : memref<128xf32, #tpu.memory_space<vmem>>) target(%dma_start3A_977 : memref<128xf32, #tpu.memory_space<hbm>>) target_semaphore(%run_scoped3A : memref<!tpu.dma_semaphore, #tpu.memory_space<semaphore_mem>>)
      %dma_wait3A_978 = tpu.memref_slice %arg8[%multiple_of3A] : memref<16384xf32, #tpu.memory_space<hbm>> -> memref<128xf32, #tpu.memory_space<hbm>>
      %dma_wait3A_979 = tpu.memref_slice %arg8[%multiple_of3A] : memref<16384xf32, #tpu.memory_space<hbm>> -> memref<128xf32, #tpu.memory_space<hbm>>
      tpu.wait_dma2 semaphore(%run_scoped3A : memref<!tpu.dma_semaphore, #tpu.memory_space<semaphore_mem>>) src(%arg15 : memref<128xf32, #tpu.memory_space<vmem>>) dst(%dma_wait3A_979 : memref<128xf32, #tpu.memory_space<hbm>>)
      tpu.yield
    }) : () -> ()
    %dma_start3A_487 = arith.constant 2 : i32
    %dma_start3A_488 = arith.constant 0 : i32
    %dma_start3A_489 = arith.constant 0 : i32
    %dma_start3A_490 = arith.constant 0 : i32
    %dma_start3A_491 = tpu.memref_slice %arg11[%dma_start3A_488, %dma_start3A_489, %dma_start3A_490] : memref<2x128x128xf32, #tpu.memory_space<vmem>> -> memref<1x128x128xf32, #tpu.memory_space<vmem>>
    %dma_start3A_492 = tpu.memref_squeeze %dma_start3A_491 : memref<1x128x128xf32, #tpu.memory_space<vmem>> -> memref<128x128xf32, #tpu.memory_space<vmem>>
    %dma_start3A_493 = arith.constant 0 : i32
    %dma_start3A_494 = tpu.memref_slice %arg9[%dma_start3A_487, %dma_start3A_493] : memref<4x128xi32, #tpu.memory_space<vmem>> -> memref<1x128xi32, #tpu.memory_space<vmem>>
    %dma_start3A_495 = tpu.memref_squeeze %dma_start3A_494 : memref<1x128xi32, #tpu.memory_space<vmem>> -> memref<128xi32, #tpu.memory_space<vmem>>
    %dma_start3A_496 = arith.constant 0 : i32
    %dma_start3A_497 = arith.constant 0 : i32
    %dma_start3A_498 = tpu.memref_slice %arg4[%dma_start3A_496, %dma_start3A_497] : memref<100001x128xf32, #tpu.memory_space<hbm>> -> memref<100001x128xf32, #tpu.memory_space<hbm>>
    tpu.enqueue_indirect_dma source(%dma_start3A_498 : memref<100001x128xf32, #tpu.memory_space<hbm>>) target(%dma_start3A_492 : memref<128x128xf32, #tpu.memory_space<vmem>>) offsets(%dma_start3A_495 : memref<128xi32, #tpu.memory_space<vmem>>) semaphore(%arg16 : memref<!tpu.dma_semaphore, #tpu.memory_space<semaphore_mem>>)
    %dma_start3A_499 = arith.constant 2 : i32
    %dma_start3A_500 = arith.constant 0 : i32
    %dma_start3A_501 = arith.constant 0 : i32
    %dma_start3A_502 = arith.constant 0 : i32
    %dma_start3A_503 = tpu.memref_slice %arg12[%dma_start3A_500, %dma_start3A_501, %dma_start3A_502] : memref<2x128x128xf32, #tpu.memory_space<vmem>> -> memref<1x128x128xf32, #tpu.memory_space<vmem>>
    %dma_start3A_504 = tpu.memref_squeeze %dma_start3A_503 : memref<1x128x128xf32, #tpu.memory_space<vmem>> -> memref<128x128xf32, #tpu.memory_space<vmem>>
    %dma_start3A_505 = arith.constant 0 : i32
    %dma_start3A_506 = tpu.memref_slice %arg10[%dma_start3A_499, %dma_start3A_505] : memref<4x128xi32, #tpu.memory_space<vmem>> -> memref<1x128xi32, #tpu.memory_space<vmem>>
    %dma_start3A_507 = tpu.memref_squeeze %dma_start3A_506 : memref<1x128xi32, #tpu.memory_space<vmem>> -> memref<128xi32, #tpu.memory_space<vmem>>
    %dma_start3A_508 = arith.constant 0 : i32
    %dma_start3A_509 = arith.constant 0 : i32
    %dma_start3A_510 = tpu.memref_slice %arg5[%dma_start3A_508, %dma_start3A_509] : memref<100001x128xf32, #tpu.memory_space<hbm>> -> memref<100001x128xf32, #tpu.memory_space<hbm>>
    tpu.enqueue_indirect_dma source(%dma_start3A_510 : memref<100001x128xf32, #tpu.memory_space<hbm>>) target(%dma_start3A_504 : memref<128x128xf32, #tpu.memory_space<vmem>>) offsets(%dma_start3A_507 : memref<128xi32, #tpu.memory_space<vmem>>) semaphore(%arg16 : memref<!tpu.dma_semaphore, #tpu.memory_space<semaphore_mem>>)
    %dma_wait3A_511 = arith.constant 1 : i32
    %dma_wait3A_512 = arith.constant 1 : i32
    %dma_wait3A_513 = arith.constant 0 : i32
    %dma_wait3A_514 = arith.constant 0 : i32
    %dma_wait3A_515 = tpu.memref_slice %arg11[%dma_wait3A_512, %dma_wait3A_513, %dma_wait3A_514] : memref<2x128x128xf32, #tpu.memory_space<vmem>> -> memref<1x128x128xf32, #tpu.memory_space<vmem>>
    %dma_wait3A_516 = tpu.memref_squeeze %dma_wait3A_515 : memref<1x128x128xf32, #tpu.memory_space<vmem>> -> memref<128x128xf32, #tpu.memory_space<vmem>>
    %dma_wait3A_517 = arith.constant 0 : i32
    %dma_wait3A_518 = tpu.memref_slice %arg9[%dma_wait3A_511, %dma_wait3A_517] : memref<4x128xi32, #tpu.memory_space<vmem>> -> memref<1x128xi32, #tpu.memory_space<vmem>>
    %dma_wait3A_519 = tpu.memref_squeeze %dma_wait3A_518 : memref<1x128xi32, #tpu.memory_space<vmem>> -> memref<128xi32, #tpu.memory_space<vmem>>
    %dma_wait3A_520 = arith.constant 0 : i32
    %dma_wait3A_521 = arith.constant 0 : i32
    %dma_wait3A_522 = tpu.memref_slice %arg4[%dma_wait3A_520, %dma_wait3A_521] : memref<100001x128xf32, #tpu.memory_space<hbm>> -> memref<100001x128xf32, #tpu.memory_space<hbm>>
    tpu.wait_indirect_dma semaphore(%arg17 : memref<!tpu.dma_semaphore, #tpu.memory_space<semaphore_mem>>) src(%dma_wait3A_522 : memref<100001x128xf32, #tpu.memory_space<hbm>>) dst(%dma_wait3A_516 : memref<128x128xf32, #tpu.memory_space<vmem>>)
    %dma_wait3A_523 = arith.constant 1 : i32
    %dma_wait3A_524 = arith.constant 1 : i32
    %dma_wait3A_525 = arith.constant 0 : i32
    %dma_wait3A_526 = arith.constant 0 : i32
    %dma_wait3A_527 = tpu.memref_slice %arg12[%dma_wait3A_524, %dma_wait3A_525, %dma_wait3A_526] : memref<2x128x128xf32, #tpu.memory_space<vmem>> -> memref<1x128x128xf32, #tpu.memory_space<vmem>>
    %dma_wait3A_528 = tpu.memref_squeeze %dma_wait3A_527 : memref<1x128x128xf32, #tpu.memory_space<vmem>> -> memref<128x128xf32, #tpu.memory_space<vmem>>
    %dma_wait3A_529 = arith.constant 0 : i32
    %dma_wait3A_530 = tpu.memref_slice %arg10[%dma_wait3A_523, %dma_wait3A_529] : memref<4x128xi32, #tpu.memory_space<vmem>> -> memref<1x128xi32, #tpu.memory_space<vmem>>
    %dma_wait3A_531 = tpu.memref_squeeze %dma_wait3A_530 : memref<1x128xi32, #tpu.memory_space<vmem>> -> memref<128xi32, #tpu.memory_space<vmem>>
    %dma_wait3A_532 = arith.constant 0 : i32
    %dma_wait3A_533 = arith.constant 0 : i32
    %dma_wait3A_534 = tpu.memref_slice %arg5[%dma_wait3A_532, %dma_wait3A_533] : memref<100001x128xf32, #tpu.memory_space<hbm>> -> memref<100001x128xf32, #tpu.memory_space<hbm>>
    tpu.wait_indirect_dma semaphore(%arg17 : memref<!tpu.dma_semaphore, #tpu.memory_space<semaphore_mem>>) src(%dma_wait3A_534 : memref<100001x128xf32, #tpu.memory_space<hbm>>) dst(%dma_wait3A_528 : memref<128x128xf32, #tpu.memory_space<vmem>>)
    %broadcast_in_dim3A_535 = arith.constant 0.000000e+00 : f32
    %broadcast_in_dim3A_536 = vector.broadcast %broadcast_in_dim3A_535 : f32 to vector<16xf32>
    %broadcast_in_dim3A_537 = arith.constant 0.000000e+00 : f32
    %broadcast_in_dim3A_538 = vector.broadcast %broadcast_in_dim3A_537 : f32 to vector<16xf32>
    %broadcast_in_dim3A_539 = arith.constant 0.000000e+00 : f32
    %broadcast_in_dim3A_540 = vector.broadcast %broadcast_in_dim3A_539 : f32 to vector<16xf32>
    %broadcast_in_dim3A_541 = arith.constant 0.000000e+00 : f32
    %broadcast_in_dim3A_542 = vector.broadcast %broadcast_in_dim3A_541 : f32 to vector<16xf32>
    %broadcast_in_dim3A_543 = arith.constant 0.000000e+00 : f32
    %broadcast_in_dim3A_544 = vector.broadcast %broadcast_in_dim3A_543 : f32 to vector<16xf32>
    %broadcast_in_dim3A_545 = arith.constant 0.000000e+00 : f32
    %broadcast_in_dim3A_546 = vector.broadcast %broadcast_in_dim3A_545 : f32 to vector<16xf32>
    %broadcast_in_dim3A_547 = arith.constant 0.000000e+00 : f32
    %broadcast_in_dim3A_548 = vector.broadcast %broadcast_in_dim3A_547 : f32 to vector<16xf32>
    %broadcast_in_dim3A_549 = arith.constant 0.000000e+00 : f32
    %broadcast_in_dim3A_550 = vector.broadcast %broadcast_in_dim3A_549 : f32 to vector<16xf32>
    %scan3A_551 = arith.constant 1 : i32
    %scan3A_552 = arith.constant 1 : i32
    %scan3A_553 = arith.constant 0 : i32
    %scan3A_554 = arith.constant 128 : i32
    %scan3A_555 = arith.addi %scan3A_553, %scan3A_554 : i32
    %scan3A_556 = arith.constant 2 : i32
    %scan3A_557:8 = scf.for %scan3A_976 = %scan3A_553 to %scan3A_555 step %scan3A_556 iter_args(%scan3A_977 = %broadcast_in_dim3A_536, %scan3A_978 = %broadcast_in_dim3A_538, %scan3A_979 = %broadcast_in_dim3A_540, %scan3A_980 = %broadcast_in_dim3A_542, %scan3A_981 = %broadcast_in_dim3A_544, %scan3A_982 = %broadcast_in_dim3A_546, %scan3A_983 = %broadcast_in_dim3A_548, %scan3A_984 = %broadcast_in_dim3A_550) -> (vector<16xf32>, vector<16xf32>, vector<16xf32>, vector<16xf32>, vector<16xf32>, vector<16xf32>, vector<16xf32>, vector<16xf32>)  : i32 {
      %add3A_985 = vector.broadcast %scan3A_976 : i32 to vector<16xi32>
      %add3A_986 = arith.addi %iota3A, %add3A_985 : vector<16xi32>
      %and3A = arith.constant 127 : i32
      %and3A_987 = vector.broadcast %and3A : i32 to vector<16xi32>
      %and3A_988 = arith.andi %add3A_986, %and3A_987 : vector<16xi32>
      %gather3A = arith.constant 0 : i32
      %gather3A_989 = arith.constant 0 : i32
      %gather3A_990 = tpu.memref_slice %arg11[%scan3A_551, %gather3A, %gather3A_989] : memref<2x128x128xf32, #tpu.memory_space<vmem>> -> memref<1x128x128xf32, #tpu.memory_space<vmem>>
      %gather3A_991 = tpu.memref_squeeze %gather3A_990 : memref<1x128x128xf32, #tpu.memory_space<vmem>> -> memref<128x128xf32, #tpu.memory_space<vmem>>
      %gather3A_992 = tpu.vector_load_idx %gather3A_991[%add3A_243, %and3A_988] : memref<128x128xf32, #tpu.memory_space<vmem>>[vector<16xi32>, vector<16xi32>], vector<16xf32>,
      %gather3A_993 = arith.constant 0 : i32
      %gather3A_994 = arith.constant 0 : i32
      %gather3A_995 = tpu.memref_slice %arg12[%scan3A_552, %gather3A_993, %gather3A_994] : memref<2x128x128xf32, #tpu.memory_space<vmem>> -> memref<1x128x128xf32, #tpu.memory_space<vmem>>
      %gather3A_996 = tpu.memref_squeeze %gather3A_995 : memref<1x128x128xf32, #tpu.memory_space<vmem>> -> memref<128x128xf32, #tpu.memory_space<vmem>>
      %gather3A_997 = tpu.vector_load_idx %gather3A_996[%add3A_243, %and3A_988] : memref<128x128xf32, #tpu.memory_space<vmem>>[vector<16xi32>, vector<16xi32>], vector<16xf32>,
      %mul3A_998 = arith.mulf %gather3A_992, %gather3A_997 : vector<16xf32>
      %add3A_999 = arith.addf %scan3A_977, %mul3A_998 : vector<16xf32>
      %gather3A_1000 = arith.constant 0 : i32
      %gather3A_1001 = arith.constant 0 : i32
      %gather3A_1002 = tpu.memref_slice %arg11[%scan3A_551, %gather3A_1000, %gather3A_1001] : memref<2x128x128xf32, #tpu.memory_space<vmem>> -> memref<1x128x128xf32, #tpu.memory_space<vmem>>
      %gather3A_1003 = tpu.memref_squeeze %gather3A_1002 : memref<1x128x128xf32, #tpu.memory_space<vmem>> -> memref<128x128xf32, #tpu.memory_space<vmem>>
      %gather3A_1004 = tpu.vector_load_idx %gather3A_1003[%add3A_246, %and3A_988] : memref<128x128xf32, #tpu.memory_space<vmem>>[vector<16xi32>, vector<16xi32>], vector<16xf32>,
      %gather3A_1005 = arith.constant 0 : i32
      %gather3A_1006 = arith.constant 0 : i32
      %gather3A_1007 = tpu.memref_slice %arg12[%scan3A_552, %gather3A_1005, %gather3A_1006] : memref<2x128x128xf32, #tpu.memory_space<vmem>> -> memref<1x128x128xf32, #tpu.memory_space<vmem>>
      %gather3A_1008 = tpu.memref_squeeze %gather3A_1007 : memref<1x128x128xf32, #tpu.memory_space<vmem>> -> memref<128x128xf32, #tpu.memory_space<vmem>>
      %gather3A_1009 = tpu.vector_load_idx %gather3A_1008[%add3A_246, %and3A_988] : memref<128x128xf32, #tpu.memory_space<vmem>>[vector<16xi32>, vector<16xi32>], vector<16xf32>,
      %mul3A_1010 = arith.mulf %gather3A_1004, %gather3A_1009 : vector<16xf32>
      %add3A_1011 = arith.addf %scan3A_978, %mul3A_1010 : vector<16xf32>
      %gather3A_1012 = arith.constant 0 : i32
      %gather3A_1013 = arith.constant 0 : i32
      %gather3A_1014 = tpu.memref_slice %arg11[%scan3A_551, %gather3A_1012, %gather3A_1013] : memref<2x128x128xf32, #tpu.memory_space<vmem>> -> memref<1x128x128xf32, #tpu.memory_space<vmem>>
      %gather3A_1015 = tpu.memref_squeeze %gather3A_1014 : memref<1x128x128xf32, #tpu.memory_space<vmem>> -> memref<128x128xf32, #tpu.memory_space<vmem>>
      %gather3A_1016 = tpu.vector_load_idx %gather3A_1015[%add3A_249, %and3A_988] : memref<128x128xf32, #tpu.memory_space<vmem>>[vector<16xi32>, vector<16xi32>], vector<16xf32>,
      %gather3A_1017 = arith.constant 0 : i32
      %gather3A_1018 = arith.constant 0 : i32
      %gather3A_1019 = tpu.memref_slice %arg12[%scan3A_552, %gather3A_1017, %gather3A_1018] : memref<2x128x128xf32, #tpu.memory_space<vmem>> -> memref<1x128x128xf32, #tpu.memory_space<vmem>>
      %gather3A_1020 = tpu.memref_squeeze %gather3A_1019 : memref<1x128x128xf32, #tpu.memory_space<vmem>> -> memref<128x128xf32, #tpu.memory_space<vmem>>
      %gather3A_1021 = tpu.vector_load_idx %gather3A_1020[%add3A_249, %and3A_988] : memref<128x128xf32, #tpu.memory_space<vmem>>[vector<16xi32>, vector<16xi32>], vector<16xf32>,
      %mul3A_1022 = arith.mulf %gather3A_1016, %gather3A_1021 : vector<16xf32>
      %add3A_1023 = arith.addf %scan3A_979, %mul3A_1022 : vector<16xf32>
      %gather3A_1024 = arith.constant 0 : i32
      %gather3A_1025 = arith.constant 0 : i32
      %gather3A_1026 = tpu.memref_slice %arg11[%scan3A_551, %gather3A_1024, %gather3A_1025] : memref<2x128x128xf32, #tpu.memory_space<vmem>> -> memref<1x128x128xf32, #tpu.memory_space<vmem>>
      %gather3A_1027 = tpu.memref_squeeze %gather3A_1026 : memref<1x128x128xf32, #tpu.memory_space<vmem>> -> memref<128x128xf32, #tpu.memory_space<vmem>>
      %gather3A_1028 = tpu.vector_load_idx %gather3A_1027[%add3A_252, %and3A_988] : memref<128x128xf32, #tpu.memory_space<vmem>>[vector<16xi32>, vector<16xi32>], vector<16xf32>,
      %gather3A_1029 = arith.constant 0 : i32
      %gather3A_1030 = arith.constant 0 : i32
      %gather3A_1031 = tpu.memref_slice %arg12[%scan3A_552, %gather3A_1029, %gather3A_1030] : memref<2x128x128xf32, #tpu.memory_space<vmem>> -> memref<1x128x128xf32, #tpu.memory_space<vmem>>
      %gather3A_1032 = tpu.memref_squeeze %gather3A_1031 : memref<1x128x128xf32, #tpu.memory_space<vmem>> -> memref<128x128xf32, #tpu.memory_space<vmem>>
      %gather3A_1033 = tpu.vector_load_idx %gather3A_1032[%add3A_252, %and3A_988] : memref<128x128xf32, #tpu.memory_space<vmem>>[vector<16xi32>, vector<16xi32>], vector<16xf32>,
      %mul3A_1034 = arith.mulf %gather3A_1028, %gather3A_1033 : vector<16xf32>
      %add3A_1035 = arith.addf %scan3A_980, %mul3A_1034 : vector<16xf32>
      %gather3A_1036 = arith.constant 0 : i32
      %gather3A_1037 = arith.constant 0 : i32
      %gather3A_1038 = tpu.memref_slice %arg11[%scan3A_551, %gather3A_1036, %gather3A_1037] : memref<2x128x128xf32, #tpu.memory_space<vmem>> -> memref<1x128x128xf32, #tpu.memory_space<vmem>>
      %gather3A_1039 = tpu.memref_squeeze %gather3A_1038 : memref<1x128x128xf32, #tpu.memory_space<vmem>> -> memref<128x128xf32, #tpu.memory_space<vmem>>
      %gather3A_1040 = tpu.vector_load_idx %gather3A_1039[%add3A_255, %and3A_988] : memref<128x128xf32, #tpu.memory_space<vmem>>[vector<16xi32>, vector<16xi32>], vector<16xf32>,
      %gather3A_1041 = arith.constant 0 : i32
      %gather3A_1042 = arith.constant 0 : i32
      %gather3A_1043 = tpu.memref_slice %arg12[%scan3A_552, %gather3A_1041, %gather3A_1042] : memref<2x128x128xf32, #tpu.memory_space<vmem>> -> memref<1x128x128xf32, #tpu.memory_space<vmem>>
      %gather3A_1044 = tpu.memref_squeeze %gather3A_1043 : memref<1x128x128xf32, #tpu.memory_space<vmem>> -> memref<128x128xf32, #tpu.memory_space<vmem>>
      %gather3A_1045 = tpu.vector_load_idx %gather3A_1044[%add3A_255, %and3A_988] : memref<128x128xf32, #tpu.memory_space<vmem>>[vector<16xi32>, vector<16xi32>], vector<16xf32>,
      %mul3A_1046 = arith.mulf %gather3A_1040, %gather3A_1045 : vector<16xf32>
      %add3A_1047 = arith.addf %scan3A_981, %mul3A_1046 : vector<16xf32>
      %gather3A_1048 = arith.constant 0 : i32
      %gather3A_1049 = arith.constant 0 : i32
      %gather3A_1050 = tpu.memref_slice %arg11[%scan3A_551, %gather3A_1048, %gather3A_1049] : memref<2x128x128xf32, #tpu.memory_space<vmem>> -> memref<1x128x128xf32, #tpu.memory_space<vmem>>
      %gather3A_1051 = tpu.memref_squeeze %gather3A_1050 : memref<1x128x128xf32, #tpu.memory_space<vmem>> -> memref<128x128xf32, #tpu.memory_space<vmem>>
      %gather3A_1052 = tpu.vector_load_idx %gather3A_1051[%add3A_258, %and3A_988] : memref<128x128xf32, #tpu.memory_space<vmem>>[vector<16xi32>, vector<16xi32>], vector<16xf32>,
      %gather3A_1053 = arith.constant 0 : i32
      %gather3A_1054 = arith.constant 0 : i32
      %gather3A_1055 = tpu.memref_slice %arg12[%scan3A_552, %gather3A_1053, %gather3A_1054] : memref<2x128x128xf32, #tpu.memory_space<vmem>> -> memref<1x128x128xf32, #tpu.memory_space<vmem>>
      %gather3A_1056 = tpu.memref_squeeze %gather3A_1055 : memref<1x128x128xf32, #tpu.memory_space<vmem>> -> memref<128x128xf32, #tpu.memory_space<vmem>>
      %gather3A_1057 = tpu.vector_load_idx %gather3A_1056[%add3A_258, %and3A_988] : memref<128x128xf32, #tpu.memory_space<vmem>>[vector<16xi32>, vector<16xi32>], vector<16xf32>,
      %mul3A_1058 = arith.mulf %gather3A_1052, %gather3A_1057 : vector<16xf32>
      %add3A_1059 = arith.addf %scan3A_982, %mul3A_1058 : vector<16xf32>
      %gather3A_1060 = arith.constant 0 : i32
      %gather3A_1061 = arith.constant 0 : i32
      %gather3A_1062 = tpu.memref_slice %arg11[%scan3A_551, %gather3A_1060, %gather3A_1061] : memref<2x128x128xf32, #tpu.memory_space<vmem>> -> memref<1x128x128xf32, #tpu.memory_space<vmem>>
      %gather3A_1063 = tpu.memref_squeeze %gather3A_1062 : memref<1x128x128xf32, #tpu.memory_space<vmem>> -> memref<128x128xf32, #tpu.memory_space<vmem>>
      %gather3A_1064 = tpu.vector_load_idx %gather3A_1063[%add3A_261, %and3A_988] : memref<128x128xf32, #tpu.memory_space<vmem>>[vector<16xi32>, vector<16xi32>], vector<16xf32>,
      %gather3A_1065 = arith.constant 0 : i32
      %gather3A_1066 = arith.constant 0 : i32
      %gather3A_1067 = tpu.memref_slice %arg12[%scan3A_552, %gather3A_1065, %gather3A_1066] : memref<2x128x128xf32, #tpu.memory_space<vmem>> -> memref<1x128x128xf32, #tpu.memory_space<vmem>>
      %gather3A_1068 = tpu.memref_squeeze %gather3A_1067 : memref<1x128x128xf32, #tpu.memory_space<vmem>> -> memref<128x128xf32, #tpu.memory_space<vmem>>
      %gather3A_1069 = tpu.vector_load_idx %gather3A_1068[%add3A_261, %and3A_988] : memref<128x128xf32, #tpu.memory_space<vmem>>[vector<16xi32>, vector<16xi32>], vector<16xf32>,
      %mul3A_1070 = arith.mulf %gather3A_1064, %gather3A_1069 : vector<16xf32>
      %add3A_1071 = arith.addf %scan3A_983, %mul3A_1070 : vector<16xf32>
      %gather3A_1072 = arith.constant 0 : i32
      %gather3A_1073 = arith.constant 0 : i32
      %gather3A_1074 = tpu.memref_slice %arg11[%scan3A_551, %gather3A_1072, %gather3A_1073] : memref<2x128x128xf32, #tpu.memory_space<vmem>> -> memref<1x128x128xf32, #tpu.memory_space<vmem>>
      %gather3A_1075 = tpu.memref_squeeze %gather3A_1074 : memref<1x128x128xf32, #tpu.memory_space<vmem>> -> memref<128x128xf32, #tpu.memory_space<vmem>>
      %gather3A_1076 = tpu.vector_load_idx %gather3A_1075[%add3A_264, %and3A_988] : memref<128x128xf32, #tpu.memory_space<vmem>>[vector<16xi32>, vector<16xi32>], vector<16xf32>,
      %gather3A_1077 = arith.constant 0 : i32
      %gather3A_1078 = arith.constant 0 : i32
      %gather3A_1079 = tpu.memref_slice %arg12[%scan3A_552, %gather3A_1077, %gather3A_1078] : memref<2x128x128xf32, #tpu.memory_space<vmem>> -> memref<1x128x128xf32, #tpu.memory_space<vmem>>
      %gather3A_1080 = tpu.memref_squeeze %gather3A_1079 : memref<1x128x128xf32, #tpu.memory_space<vmem>> -> memref<128x128xf32, #tpu.memory_space<vmem>>
      %gather3A_1081 = tpu.vector_load_idx %gather3A_1080[%add3A_264, %and3A_988] : memref<128x128xf32, #tpu.memory_space<vmem>>[vector<16xi32>, vector<16xi32>], vector<16xf32>,
      %mul3A_1082 = arith.mulf %gather3A_1076, %gather3A_1081 : vector<16xf32>
      %add3A_1083 = arith.addf %scan3A_984, %mul3A_1082 : vector<16xf32>
      %scan3A_1084 = arith.constant 1 : i32
      %scan3A_1085 = arith.addi %scan3A_976, %scan3A_1084 : i32
      %add3A_1086 = vector.broadcast %scan3A_1085 : i32 to vector<16xi32>
      %add3A_1087 = arith.addi %iota3A, %add3A_1086 : vector<16xi32>
      %and3A_1088 = arith.constant 127 : i32
      %and3A_1089 = vector.broadcast %and3A_1088 : i32 to vector<16xi32>
      %and3A_1090 = arith.andi %add3A_1087, %and3A_1089 : vector<16xi32>
      %gather3A_1091 = arith.constant 0 : i32
      %gather3A_1092 = arith.constant 0 : i32
      %gather3A_1093 = tpu.memref_slice %arg11[%scan3A_551, %gather3A_1091, %gather3A_1092] : memref<2x128x128xf32, #tpu.memory_space<vmem>> -> memref<1x128x128xf32, #tpu.memory_space<vmem>>
      %gather3A_1094 = tpu.memref_squeeze %gather3A_1093 : memref<1x128x128xf32, #tpu.memory_space<vmem>> -> memref<128x128xf32, #tpu.memory_space<vmem>>
      %gather3A_1095 = tpu.vector_load_idx %gather3A_1094[%add3A_243, %and3A_1090] : memref<128x128xf32, #tpu.memory_space<vmem>>[vector<16xi32>, vector<16xi32>], vector<16xf32>,
      %gather3A_1096 = arith.constant 0 : i32
      %gather3A_1097 = arith.constant 0 : i32
      %gather3A_1098 = tpu.memref_slice %arg12[%scan3A_552, %gather3A_1096, %gather3A_1097] : memref<2x128x128xf32, #tpu.memory_space<vmem>> -> memref<1x128x128xf32, #tpu.memory_space<vmem>>
      %gather3A_1099 = tpu.memref_squeeze %gather3A_1098 : memref<1x128x128xf32, #tpu.memory_space<vmem>> -> memref<128x128xf32, #tpu.memory_space<vmem>>
      %gather3A_1100 = tpu.vector_load_idx %gather3A_1099[%add3A_243, %and3A_1090] : memref<128x128xf32, #tpu.memory_space<vmem>>[vector<16xi32>, vector<16xi32>], vector<16xf32>,
      %mul3A_1101 = arith.mulf %gather3A_1095, %gather3A_1100 : vector<16xf32>
      %add3A_1102 = arith.addf %add3A_999, %mul3A_1101 : vector<16xf32>
      %gather3A_1103 = arith.constant 0 : i32
      %gather3A_1104 = arith.constant 0 : i32
      %gather3A_1105 = tpu.memref_slice %arg11[%scan3A_551, %gather3A_1103, %gather3A_1104] : memref<2x128x128xf32, #tpu.memory_space<vmem>> -> memref<1x128x128xf32, #tpu.memory_space<vmem>>
      %gather3A_1106 = tpu.memref_squeeze %gather3A_1105 : memref<1x128x128xf32, #tpu.memory_space<vmem>> -> memref<128x128xf32, #tpu.memory_space<vmem>>
      %gather3A_1107 = tpu.vector_load_idx %gather3A_1106[%add3A_246, %and3A_1090] : memref<128x128xf32, #tpu.memory_space<vmem>>[vector<16xi32>, vector<16xi32>], vector<16xf32>,
      %gather3A_1108 = arith.constant 0 : i32
      %gather3A_1109 = arith.constant 0 : i32
      %gather3A_1110 = tpu.memref_slice %arg12[%scan3A_552, %gather3A_1108, %gather3A_1109] : memref<2x128x128xf32, #tpu.memory_space<vmem>> -> memref<1x128x128xf32, #tpu.memory_space<vmem>>
      %gather3A_1111 = tpu.memref_squeeze %gather3A_1110 : memref<1x128x128xf32, #tpu.memory_space<vmem>> -> memref<128x128xf32, #tpu.memory_space<vmem>>
      %gather3A_1112 = tpu.vector_load_idx %gather3A_1111[%add3A_246, %and3A_1090] : memref<128x128xf32, #tpu.memory_space<vmem>>[vector<16xi32>, vector<16xi32>], vector<16xf32>,
      %mul3A_1113 = arith.mulf %gather3A_1107, %gather3A_1112 : vector<16xf32>
      %add3A_1114 = arith.addf %add3A_1011, %mul3A_1113 : vector<16xf32>
      %gather3A_1115 = arith.constant 0 : i32
      %gather3A_1116 = arith.constant 0 : i32
      %gather3A_1117 = tpu.memref_slice %arg11[%scan3A_551, %gather3A_1115, %gather3A_1116] : memref<2x128x128xf32, #tpu.memory_space<vmem>> -> memref<1x128x128xf32, #tpu.memory_space<vmem>>
      %gather3A_1118 = tpu.memref_squeeze %gather3A_1117 : memref<1x128x128xf32, #tpu.memory_space<vmem>> -> memref<128x128xf32, #tpu.memory_space<vmem>>
      %gather3A_1119 = tpu.vector_load_idx %gather3A_1118[%add3A_249, %and3A_1090] : memref<128x128xf32, #tpu.memory_space<vmem>>[vector<16xi32>, vector<16xi32>], vector<16xf32>,
      %gather3A_1120 = arith.constant 0 : i32
      %gather3A_1121 = arith.constant 0 : i32
      %gather3A_1122 = tpu.memref_slice %arg12[%scan3A_552, %gather3A_1120, %gather3A_1121] : memref<2x128x128xf32, #tpu.memory_space<vmem>> -> memref<1x128x128xf32, #tpu.memory_space<vmem>>
      %gather3A_1123 = tpu.memref_squeeze %gather3A_1122 : memref<1x128x128xf32, #tpu.memory_space<vmem>> -> memref<128x128xf32, #tpu.memory_space<vmem>>
      %gather3A_1124 = tpu.vector_load_idx %gather3A_1123[%add3A_249, %and3A_1090] : memref<128x128xf32, #tpu.memory_space<vmem>>[vector<16xi32>, vector<16xi32>], vector<16xf32>,
      %mul3A_1125 = arith.mulf %gather3A_1119, %gather3A_1124 : vector<16xf32>
      %add3A_1126 = arith.addf %add3A_1023, %mul3A_1125 : vector<16xf32>
      %gather3A_1127 = arith.constant 0 : i32
      %gather3A_1128 = arith.constant 0 : i32
      %gather3A_1129 = tpu.memref_slice %arg11[%scan3A_551, %gather3A_1127, %gather3A_1128] : memref<2x128x128xf32, #tpu.memory_space<vmem>> -> memref<1x128x128xf32, #tpu.memory_space<vmem>>
      %gather3A_1130 = tpu.memref_squeeze %gather3A_1129 : memref<1x128x128xf32, #tpu.memory_space<vmem>> -> memref<128x128xf32, #tpu.memory_space<vmem>>
      %gather3A_1131 = tpu.vector_load_idx %gather3A_1130[%add3A_252, %and3A_1090] : memref<128x128xf32, #tpu.memory_space<vmem>>[vector<16xi32>, vector<16xi32>], vector<16xf32>,
      %gather3A_1132 = arith.constant 0 : i32
      %gather3A_1133 = arith.constant 0 : i32
      %gather3A_1134 = tpu.memref_slice %arg12[%scan3A_552, %gather3A_1132, %gather3A_1133] : memref<2x128x128xf32, #tpu.memory_space<vmem>> -> memref<1x128x128xf32, #tpu.memory_space<vmem>>
      %gather3A_1135 = tpu.memref_squeeze %gather3A_1134 : memref<1x128x128xf32, #tpu.memory_space<vmem>> -> memref<128x128xf32, #tpu.memory_space<vmem>>
      %gather3A_1136 = tpu.vector_load_idx %gather3A_1135[%add3A_252, %and3A_1090] : memref<128x128xf32, #tpu.memory_space<vmem>>[vector<16xi32>, vector<16xi32>], vector<16xf32>,
      %mul3A_1137 = arith.mulf %gather3A_1131, %gather3A_1136 : vector<16xf32>
      %add3A_1138 = arith.addf %add3A_1035, %mul3A_1137 : vector<16xf32>
      %gather3A_1139 = arith.constant 0 : i32
      %gather3A_1140 = arith.constant 0 : i32
      %gather3A_1141 = tpu.memref_slice %arg11[%scan3A_551, %gather3A_1139, %gather3A_1140] : memref<2x128x128xf32, #tpu.memory_space<vmem>> -> memref<1x128x128xf32, #tpu.memory_space<vmem>>
      %gather3A_1142 = tpu.memref_squeeze %gather3A_1141 : memref<1x128x128xf32, #tpu.memory_space<vmem>> -> memref<128x128xf32, #tpu.memory_space<vmem>>
      %gather3A_1143 = tpu.vector_load_idx %gather3A_1142[%add3A_255, %and3A_1090] : memref<128x128xf32, #tpu.memory_space<vmem>>[vector<16xi32>, vector<16xi32>], vector<16xf32>,
      %gather3A_1144 = arith.constant 0 : i32
      %gather3A_1145 = arith.constant 0 : i32
      %gather3A_1146 = tpu.memref_slice %arg12[%scan3A_552, %gather3A_1144, %gather3A_1145] : memref<2x128x128xf32, #tpu.memory_space<vmem>> -> memref<1x128x128xf32, #tpu.memory_space<vmem>>
      %gather3A_1147 = tpu.memref_squeeze %gather3A_1146 : memref<1x128x128xf32, #tpu.memory_space<vmem>> -> memref<128x128xf32, #tpu.memory_space<vmem>>
      %gather3A_1148 = tpu.vector_load_idx %gather3A_1147[%add3A_255, %and3A_1090] : memref<128x128xf32, #tpu.memory_space<vmem>>[vector<16xi32>, vector<16xi32>], vector<16xf32>,
      %mul3A_1149 = arith.mulf %gather3A_1143, %gather3A_1148 : vector<16xf32>
      %add3A_1150 = arith.addf %add3A_1047, %mul3A_1149 : vector<16xf32>
      %gather3A_1151 = arith.constant 0 : i32
      %gather3A_1152 = arith.constant 0 : i32
      %gather3A_1153 = tpu.memref_slice %arg11[%scan3A_551, %gather3A_1151, %gather3A_1152] : memref<2x128x128xf32, #tpu.memory_space<vmem>> -> memref<1x128x128xf32, #tpu.memory_space<vmem>>
      %gather3A_1154 = tpu.memref_squeeze %gather3A_1153 : memref<1x128x128xf32, #tpu.memory_space<vmem>> -> memref<128x128xf32, #tpu.memory_space<vmem>>
      %gather3A_1155 = tpu.vector_load_idx %gather3A_1154[%add3A_258, %and3A_1090] : memref<128x128xf32, #tpu.memory_space<vmem>>[vector<16xi32>, vector<16xi32>], vector<16xf32>,
      %gather3A_1156 = arith.constant 0 : i32
      %gather3A_1157 = arith.constant 0 : i32
      %gather3A_1158 = tpu.memref_slice %arg12[%scan3A_552, %gather3A_1156, %gather3A_1157] : memref<2x128x128xf32, #tpu.memory_space<vmem>> -> memref<1x128x128xf32, #tpu.memory_space<vmem>>
      %gather3A_1159 = tpu.memref_squeeze %gather3A_1158 : memref<1x128x128xf32, #tpu.memory_space<vmem>> -> memref<128x128xf32, #tpu.memory_space<vmem>>
      %gather3A_1160 = tpu.vector_load_idx %gather3A_1159[%add3A_258, %and3A_1090] : memref<128x128xf32, #tpu.memory_space<vmem>>[vector<16xi32>, vector<16xi32>], vector<16xf32>,
      %mul3A_1161 = arith.mulf %gather3A_1155, %gather3A_1160 : vector<16xf32>
      %add3A_1162 = arith.addf %add3A_1059, %mul3A_1161 : vector<16xf32>
      %gather3A_1163 = arith.constant 0 : i32
      %gather3A_1164 = arith.constant 0 : i32
      %gather3A_1165 = tpu.memref_slice %arg11[%scan3A_551, %gather3A_1163, %gather3A_1164] : memref<2x128x128xf32, #tpu.memory_space<vmem>> -> memref<1x128x128xf32, #tpu.memory_space<vmem>>
      %gather3A_1166 = tpu.memref_squeeze %gather3A_1165 : memref<1x128x128xf32, #tpu.memory_space<vmem>> -> memref<128x128xf32, #tpu.memory_space<vmem>>
      %gather3A_1167 = tpu.vector_load_idx %gather3A_1166[%add3A_261, %and3A_1090] : memref<128x128xf32, #tpu.memory_space<vmem>>[vector<16xi32>, vector<16xi32>], vector<16xf32>,
      %gather3A_1168 = arith.constant 0 : i32
      %gather3A_1169 = arith.constant 0 : i32
      %gather3A_1170 = tpu.memref_slice %arg12[%scan3A_552, %gather3A_1168, %gather3A_1169] : memref<2x128x128xf32, #tpu.memory_space<vmem>> -> memref<1x128x128xf32, #tpu.memory_space<vmem>>
      %gather3A_1171 = tpu.memref_squeeze %gather3A_1170 : memref<1x128x128xf32, #tpu.memory_space<vmem>> -> memref<128x128xf32, #tpu.memory_space<vmem>>
      %gather3A_1172 = tpu.vector_load_idx %gather3A_1171[%add3A_261, %and3A_1090] : memref<128x128xf32, #tpu.memory_space<vmem>>[vector<16xi32>, vector<16xi32>], vector<16xf32>,
      %mul3A_1173 = arith.mulf %gather3A_1167, %gather3A_1172 : vector<16xf32>
      %add3A_1174 = arith.addf %add3A_1071, %mul3A_1173 : vector<16xf32>
      %gather3A_1175 = arith.constant 0 : i32
      %gather3A_1176 = arith.constant 0 : i32
      %gather3A_1177 = tpu.memref_slice %arg11[%scan3A_551, %gather3A_1175, %gather3A_1176] : memref<2x128x128xf32, #tpu.memory_space<vmem>> -> memref<1x128x128xf32, #tpu.memory_space<vmem>>
      %gather3A_1178 = tpu.memref_squeeze %gather3A_1177 : memref<1x128x128xf32, #tpu.memory_space<vmem>> -> memref<128x128xf32, #tpu.memory_space<vmem>>
      %gather3A_1179 = tpu.vector_load_idx %gather3A_1178[%add3A_264, %and3A_1090] : memref<128x128xf32, #tpu.memory_space<vmem>>[vector<16xi32>, vector<16xi32>], vector<16xf32>,
      %gather3A_1180 = arith.constant 0 : i32
      %gather3A_1181 = arith.constant 0 : i32
      %gather3A_1182 = tpu.memref_slice %arg12[%scan3A_552, %gather3A_1180, %gather3A_1181] : memref<2x128x128xf32, #tpu.memory_space<vmem>> -> memref<1x128x128xf32, #tpu.memory_space<vmem>>
      %gather3A_1183 = tpu.memref_squeeze %gather3A_1182 : memref<1x128x128xf32, #tpu.memory_space<vmem>> -> memref<128x128xf32, #tpu.memory_space<vmem>>
      %gather3A_1184 = tpu.vector_load_idx %gather3A_1183[%add3A_264, %and3A_1090] : memref<128x128xf32, #tpu.memory_space<vmem>>[vector<16xi32>, vector<16xi32>], vector<16xf32>,
      %mul3A_1185 = arith.mulf %gather3A_1179, %gather3A_1184 : vector<16xf32>
      %add3A_1186 = arith.addf %add3A_1083, %mul3A_1185 : vector<16xf32>
      scf.yield %add3A_1102, %add3A_1114, %add3A_1126, %add3A_1138, %add3A_1150, %add3A_1162, %add3A_1174, %add3A_1186 : vector<16xf32>, vector<16xf32>, vector<16xf32>, vector<16xf32>, vector<16xf32>, vector<16xf32>, vector<16xf32>, vector<16xf32>
    }
    %scan3A_558 = arith.constant 128 : i32
    %get3A_559 = arith.constant 1 : i32
    %get3A_560 = arith.index_cast %get3A_559 : i32 to index
    %get3A_561 = arith.constant 0 : index
    %get3A_562 = tpu.vector_load %arg13[%get3A_560, %get3A_561] {strides = array<i32>} : memref<4x128xf32, #tpu.memory_space<vmem>>, vector<16xf32>,
    %add3A_563 = arith.addf %scan3A_557#0, %get3A_562 : vector<16xf32>
    %get3A_564 = arith.constant 1 : i32
    %get3A_565 = arith.index_cast %get3A_564 : i32 to index
    %get3A_566 = arith.constant 0 : index
    %get3A_567 = tpu.vector_load %arg14[%get3A_565, %get3A_566] {strides = array<i32>} : memref<4x128xf32, #tpu.memory_space<vmem>>, vector<16xf32>,
    %add3A_568 = arith.addf %add3A_563, %get3A_567 : vector<16xf32>
    %swap3A_569 = arith.constant 0 : index
    %swap3A_570 = tpu.vector_load %arg15[%swap3A_569] {strides = array<i32>} : memref<128xf32, #tpu.memory_space<vmem>>, vector<16xf32>,
    tpu.vector_store %arg15[%swap3A_569], %add3A_568 {strides = array<i32>} : memref<128xf32, #tpu.memory_space<vmem>>, vector<16xf32>,
    %get3A_571 = arith.constant 1 : i32
    %get3A_572 = arith.index_cast %get3A_571 : i32 to index
    %get3A_573 = arith.constant 16 : index
    %get3A_574 = tpu.vector_load %arg13[%get3A_572, %get3A_573] {strides = array<i32>} : memref<4x128xf32, #tpu.memory_space<vmem>>, vector<16xf32>,
    %add3A_575 = arith.addf %scan3A_557#1, %get3A_574 : vector<16xf32>
    %get3A_576 = arith.constant 1 : i32
    %get3A_577 = arith.index_cast %get3A_576 : i32 to index
    %get3A_578 = arith.constant 16 : index
    %get3A_579 = tpu.vector_load %arg14[%get3A_577, %get3A_578] {strides = array<i32>} : memref<4x128xf32, #tpu.memory_space<vmem>>, vector<16xf32>,
    %add3A_580 = arith.addf %add3A_575, %get3A_579 : vector<16xf32>
    %swap3A_581 = arith.constant 16 : index
    %swap3A_582 = tpu.vector_load %arg15[%swap3A_581] {strides = array<i32>} : memref<128xf32, #tpu.memory_space<vmem>>, vector<16xf32>,
    tpu.vector_store %arg15[%swap3A_581], %add3A_580 {strides = array<i32>} : memref<128xf32, #tpu.memory_space<vmem>>, vector<16xf32>,
    %get3A_583 = arith.constant 1 : i32
    %get3A_584 = arith.index_cast %get3A_583 : i32 to index
    %get3A_585 = arith.constant 32 : index
    %get3A_586 = tpu.vector_load %arg13[%get3A_584, %get3A_585] {strides = array<i32>} : memref<4x128xf32, #tpu.memory_space<vmem>>, vector<16xf32>,
    %add3A_587 = arith.addf %scan3A_557#2, %get3A_586 : vector<16xf32>
    %get3A_588 = arith.constant 1 : i32
    %get3A_589 = arith.index_cast %get3A_588 : i32 to index
    %get3A_590 = arith.constant 32 : index
    %get3A_591 = tpu.vector_load %arg14[%get3A_589, %get3A_590] {strides = array<i32>} : memref<4x128xf32, #tpu.memory_space<vmem>>, vector<16xf32>,
    %add3A_592 = arith.addf %add3A_587, %get3A_591 : vector<16xf32>
    %swap3A_593 = arith.constant 32 : index
    %swap3A_594 = tpu.vector_load %arg15[%swap3A_593] {strides = array<i32>} : memref<128xf32, #tpu.memory_space<vmem>>, vector<16xf32>,
    tpu.vector_store %arg15[%swap3A_593], %add3A_592 {strides = array<i32>} : memref<128xf32, #tpu.memory_space<vmem>>, vector<16xf32>,
    %get3A_595 = arith.constant 1 : i32
    %get3A_596 = arith.index_cast %get3A_595 : i32 to index
    %get3A_597 = arith.constant 48 : index
    %get3A_598 = tpu.vector_load %arg13[%get3A_596, %get3A_597] {strides = array<i32>} : memref<4x128xf32, #tpu.memory_space<vmem>>, vector<16xf32>,
    %add3A_599 = arith.addf %scan3A_557#3, %get3A_598 : vector<16xf32>
    %get3A_600 = arith.constant 1 : i32
    %get3A_601 = arith.index_cast %get3A_600 : i32 to index
    %get3A_602 = arith.constant 48 : index
    %get3A_603 = tpu.vector_load %arg14[%get3A_601, %get3A_602] {strides = array<i32>} : memref<4x128xf32, #tpu.memory_space<vmem>>, vector<16xf32>,
    %add3A_604 = arith.addf %add3A_599, %get3A_603 : vector<16xf32>
    %swap3A_605 = arith.constant 48 : index
    %swap3A_606 = tpu.vector_load %arg15[%swap3A_605] {strides = array<i32>} : memref<128xf32, #tpu.memory_space<vmem>>, vector<16xf32>,
    tpu.vector_store %arg15[%swap3A_605], %add3A_604 {strides = array<i32>} : memref<128xf32, #tpu.memory_space<vmem>>, vector<16xf32>,
    %get3A_607 = arith.constant 1 : i32
    %get3A_608 = arith.index_cast %get3A_607 : i32 to index
    %get3A_609 = arith.constant 64 : index
    %get3A_610 = tpu.vector_load %arg13[%get3A_608, %get3A_609] {strides = array<i32>} : memref<4x128xf32, #tpu.memory_space<vmem>>, vector<16xf32>,
    %add3A_611 = arith.addf %scan3A_557#4, %get3A_610 : vector<16xf32>
    %get3A_612 = arith.constant 1 : i32
    %get3A_613 = arith.index_cast %get3A_612 : i32 to index
    %get3A_614 = arith.constant 64 : index
    %get3A_615 = tpu.vector_load %arg14[%get3A_613, %get3A_614] {strides = array<i32>} : memref<4x128xf32, #tpu.memory_space<vmem>>, vector<16xf32>,
    %add3A_616 = arith.addf %add3A_611, %get3A_615 : vector<16xf32>
    %swap3A_617 = arith.constant 64 : index
    %swap3A_618 = tpu.vector_load %arg15[%swap3A_617] {strides = array<i32>} : memref<128xf32, #tpu.memory_space<vmem>>, vector<16xf32>,
    tpu.vector_store %arg15[%swap3A_617], %add3A_616 {strides = array<i32>} : memref<128xf32, #tpu.memory_space<vmem>>, vector<16xf32>,
    %get3A_619 = arith.constant 1 : i32
    %get3A_620 = arith.index_cast %get3A_619 : i32 to index
    %get3A_621 = arith.constant 80 : index
    %get3A_622 = tpu.vector_load %arg13[%get3A_620, %get3A_621] {strides = array<i32>} : memref<4x128xf32, #tpu.memory_space<vmem>>, vector<16xf32>,
    %add3A_623 = arith.addf %scan3A_557#5, %get3A_622 : vector<16xf32>
    %get3A_624 = arith.constant 1 : i32
    %get3A_625 = arith.index_cast %get3A_624 : i32 to index
    %get3A_626 = arith.constant 80 : index
    %get3A_627 = tpu.vector_load %arg14[%get3A_625, %get3A_626] {strides = array<i32>} : memref<4x128xf32, #tpu.memory_space<vmem>>, vector<16xf32>,
    %add3A_628 = arith.addf %add3A_623, %get3A_627 : vector<16xf32>
    %swap3A_629 = arith.constant 80 : index
    %swap3A_630 = tpu.vector_load %arg15[%swap3A_629] {strides = array<i32>} : memref<128xf32, #tpu.memory_space<vmem>>, vector<16xf32>,
    tpu.vector_store %arg15[%swap3A_629], %add3A_628 {strides = array<i32>} : memref<128xf32, #tpu.memory_space<vmem>>, vector<16xf32>,
    %get3A_631 = arith.constant 1 : i32
    %get3A_632 = arith.index_cast %get3A_631 : i32 to index
    %get3A_633 = arith.constant 96 : index
    %get3A_634 = tpu.vector_load %arg13[%get3A_632, %get3A_633] {strides = array<i32>} : memref<4x128xf32, #tpu.memory_space<vmem>>, vector<16xf32>,
    %add3A_635 = arith.addf %scan3A_557#6, %get3A_634 : vector<16xf32>
    %get3A_636 = arith.constant 1 : i32
    %get3A_637 = arith.index_cast %get3A_636 : i32 to index
    %get3A_638 = arith.constant 96 : index
    %get3A_639 = tpu.vector_load %arg14[%get3A_637, %get3A_638] {strides = array<i32>} : memref<4x128xf32, #tpu.memory_space<vmem>>, vector<16xf32>,
    %add3A_640 = arith.addf %add3A_635, %get3A_639 : vector<16xf32>
    %swap3A_641 = arith.constant 96 : index
    %swap3A_642 = tpu.vector_load %arg15[%swap3A_641] {strides = array<i32>} : memref<128xf32, #tpu.memory_space<vmem>>, vector<16xf32>,
    tpu.vector_store %arg15[%swap3A_641], %add3A_640 {strides = array<i32>} : memref<128xf32, #tpu.memory_space<vmem>>, vector<16xf32>,
    %get3A_643 = arith.constant 1 : i32
    %get3A_644 = arith.index_cast %get3A_643 : i32 to index
    %get3A_645 = arith.constant 112 : index
    %get3A_646 = tpu.vector_load %arg13[%get3A_644, %get3A_645] {strides = array<i32>} : memref<4x128xf32, #tpu.memory_space<vmem>>, vector<16xf32>,
    %add3A_647 = arith.addf %scan3A_557#7, %get3A_646 : vector<16xf32>
    %get3A_648 = arith.constant 1 : i32
    %get3A_649 = arith.index_cast %get3A_648 : i32 to index
    %get3A_650 = arith.constant 112 : index
    %get3A_651 = tpu.vector_load %arg14[%get3A_649, %get3A_650] {strides = array<i32>} : memref<4x128xf32, #tpu.memory_space<vmem>>, vector<16xf32>,
    %add3A_652 = arith.addf %add3A_647, %get3A_651 : vector<16xf32>
    %swap3A_653 = arith.constant 112 : index
    %swap3A_654 = tpu.vector_load %arg15[%swap3A_653] {strides = array<i32>} : memref<128xf32, #tpu.memory_space<vmem>>, vector<16xf32>,
    tpu.vector_store %arg15[%swap3A_653], %add3A_652 {strides = array<i32>} : memref<128xf32, #tpu.memory_space<vmem>>, vector<16xf32>,
    %add3A_655 = arith.constant 128 : i32
    %add3A_656 = arith.addi %mul3A_2, %add3A_655 : i32
    %multiple_of3A_657 = tpu.assume_multiple %add3A_656, 128 : i32
    "tpu.region"() ({
      %run_scoped3A = tpu.sem_alloc : memref<!tpu.dma_semaphore, #tpu.memory_space<semaphore_mem>>
      %dma_start3A_976 = tpu.memref_slice %arg8[%multiple_of3A_657] : memref<16384xf32, #tpu.memory_space<hbm>> -> memref<128xf32, #tpu.memory_space<hbm>>
      %dma_start3A_977 = tpu.memref_slice %arg8[%multiple_of3A_657] : memref<16384xf32, #tpu.memory_space<hbm>> -> memref<128xf32, #tpu.memory_space<hbm>>
      tpu.enqueue_dma source(%arg15 : memref<128xf32, #tpu.memory_space<vmem>>) target(%dma_start3A_977 : memref<128xf32, #tpu.memory_space<hbm>>) target_semaphore(%run_scoped3A : memref<!tpu.dma_semaphore, #tpu.memory_space<semaphore_mem>>)
      %dma_wait3A_978 = tpu.memref_slice %arg8[%multiple_of3A_657] : memref<16384xf32, #tpu.memory_space<hbm>> -> memref<128xf32, #tpu.memory_space<hbm>>
      %dma_wait3A_979 = tpu.memref_slice %arg8[%multiple_of3A_657] : memref<16384xf32, #tpu.memory_space<hbm>> -> memref<128xf32, #tpu.memory_space<hbm>>
      tpu.wait_dma2 semaphore(%run_scoped3A : memref<!tpu.dma_semaphore, #tpu.memory_space<semaphore_mem>>) src(%arg15 : memref<128xf32, #tpu.memory_space<vmem>>) dst(%dma_wait3A_979 : memref<128xf32, #tpu.memory_space<hbm>>)
      tpu.yield
    }) : () -> ()
    %dma_start3A_658 = arith.constant 3 : i32
    %dma_start3A_659 = arith.constant 1 : i32
    %dma_start3A_660 = arith.constant 0 : i32
    %dma_start3A_661 = arith.constant 0 : i32
    %dma_start3A_662 = tpu.memref_slice %arg11[%dma_start3A_659, %dma_start3A_660, %dma_start3A_661] : memref<2x128x128xf32, #tpu.memory_space<vmem>> -> memref<1x128x128xf32, #tpu.memory_space<vmem>>
    %dma_start3A_663 = tpu.memref_squeeze %dma_start3A_662 : memref<1x128x128xf32, #tpu.memory_space<vmem>> -> memref<128x128xf32, #tpu.memory_space<vmem>>
    %dma_start3A_664 = arith.constant 0 : i32
    %dma_start3A_665 = tpu.memref_slice %arg9[%dma_start3A_658, %dma_start3A_664] : memref<4x128xi32, #tpu.memory_space<vmem>> -> memref<1x128xi32, #tpu.memory_space<vmem>>
    %dma_start3A_666 = tpu.memref_squeeze %dma_start3A_665 : memref<1x128xi32, #tpu.memory_space<vmem>> -> memref<128xi32, #tpu.memory_space<vmem>>
    %dma_start3A_667 = arith.constant 0 : i32
    %dma_start3A_668 = arith.constant 0 : i32
    %dma_start3A_669 = tpu.memref_slice %arg4[%dma_start3A_667, %dma_start3A_668] : memref<100001x128xf32, #tpu.memory_space<hbm>> -> memref<100001x128xf32, #tpu.memory_space<hbm>>
    tpu.enqueue_indirect_dma source(%dma_start3A_669 : memref<100001x128xf32, #tpu.memory_space<hbm>>) target(%dma_start3A_663 : memref<128x128xf32, #tpu.memory_space<vmem>>) offsets(%dma_start3A_666 : memref<128xi32, #tpu.memory_space<vmem>>) semaphore(%arg17 : memref<!tpu.dma_semaphore, #tpu.memory_space<semaphore_mem>>)
    %dma_start3A_670 = arith.constant 3 : i32
    %dma_start3A_671 = arith.constant 1 : i32
    %dma_start3A_672 = arith.constant 0 : i32
    %dma_start3A_673 = arith.constant 0 : i32
    %dma_start3A_674 = tpu.memref_slice %arg12[%dma_start3A_671, %dma_start3A_672, %dma_start3A_673] : memref<2x128x128xf32, #tpu.memory_space<vmem>> -> memref<1x128x128xf32, #tpu.memory_space<vmem>>
    %dma_start3A_675 = tpu.memref_squeeze %dma_start3A_674 : memref<1x128x128xf32, #tpu.memory_space<vmem>> -> memref<128x128xf32, #tpu.memory_space<vmem>>
    %dma_start3A_676 = arith.constant 0 : i32
    %dma_start3A_677 = tpu.memref_slice %arg10[%dma_start3A_670, %dma_start3A_676] : memref<4x128xi32, #tpu.memory_space<vmem>> -> memref<1x128xi32, #tpu.memory_space<vmem>>
    %dma_start3A_678 = tpu.memref_squeeze %dma_start3A_677 : memref<1x128xi32, #tpu.memory_space<vmem>> -> memref<128xi32, #tpu.memory_space<vmem>>
    %dma_start3A_679 = arith.constant 0 : i32
    %dma_start3A_680 = arith.constant 0 : i32
    %dma_start3A_681 = tpu.memref_slice %arg5[%dma_start3A_679, %dma_start3A_680] : memref<100001x128xf32, #tpu.memory_space<hbm>> -> memref<100001x128xf32, #tpu.memory_space<hbm>>
    tpu.enqueue_indirect_dma source(%dma_start3A_681 : memref<100001x128xf32, #tpu.memory_space<hbm>>) target(%dma_start3A_675 : memref<128x128xf32, #tpu.memory_space<vmem>>) offsets(%dma_start3A_678 : memref<128xi32, #tpu.memory_space<vmem>>) semaphore(%arg17 : memref<!tpu.dma_semaphore, #tpu.memory_space<semaphore_mem>>)
    %dma_wait3A_682 = arith.constant 2 : i32
    %dma_wait3A_683 = arith.constant 0 : i32
    %dma_wait3A_684 = arith.constant 0 : i32
    %dma_wait3A_685 = arith.constant 0 : i32
    %dma_wait3A_686 = tpu.memref_slice %arg11[%dma_wait3A_683, %dma_wait3A_684, %dma_wait3A_685] : memref<2x128x128xf32, #tpu.memory_space<vmem>> -> memref<1x128x128xf32, #tpu.memory_space<vmem>>
    %dma_wait3A_687 = tpu.memref_squeeze %dma_wait3A_686 : memref<1x128x128xf32, #tpu.memory_space<vmem>> -> memref<128x128xf32, #tpu.memory_space<vmem>>
    %dma_wait3A_688 = arith.constant 0 : i32
    %dma_wait3A_689 = tpu.memref_slice %arg9[%dma_wait3A_682, %dma_wait3A_688] : memref<4x128xi32, #tpu.memory_space<vmem>> -> memref<1x128xi32, #tpu.memory_space<vmem>>
    %dma_wait3A_690 = tpu.memref_squeeze %dma_wait3A_689 : memref<1x128xi32, #tpu.memory_space<vmem>> -> memref<128xi32, #tpu.memory_space<vmem>>
    %dma_wait3A_691 = arith.constant 0 : i32
    %dma_wait3A_692 = arith.constant 0 : i32
    %dma_wait3A_693 = tpu.memref_slice %arg4[%dma_wait3A_691, %dma_wait3A_692] : memref<100001x128xf32, #tpu.memory_space<hbm>> -> memref<100001x128xf32, #tpu.memory_space<hbm>>
    tpu.wait_indirect_dma semaphore(%arg16 : memref<!tpu.dma_semaphore, #tpu.memory_space<semaphore_mem>>) src(%dma_wait3A_693 : memref<100001x128xf32, #tpu.memory_space<hbm>>) dst(%dma_wait3A_687 : memref<128x128xf32, #tpu.memory_space<vmem>>)
    %dma_wait3A_694 = arith.constant 2 : i32
    %dma_wait3A_695 = arith.constant 0 : i32
    %dma_wait3A_696 = arith.constant 0 : i32
    %dma_wait3A_697 = arith.constant 0 : i32
    %dma_wait3A_698 = tpu.memref_slice %arg12[%dma_wait3A_695, %dma_wait3A_696, %dma_wait3A_697] : memref<2x128x128xf32, #tpu.memory_space<vmem>> -> memref<1x128x128xf32, #tpu.memory_space<vmem>>
    %dma_wait3A_699 = tpu.memref_squeeze %dma_wait3A_698 : memref<1x128x128xf32, #tpu.memory_space<vmem>> -> memref<128x128xf32, #tpu.memory_space<vmem>>
    %dma_wait3A_700 = arith.constant 0 : i32
    %dma_wait3A_701 = tpu.memref_slice %arg10[%dma_wait3A_694, %dma_wait3A_700] : memref<4x128xi32, #tpu.memory_space<vmem>> -> memref<1x128xi32, #tpu.memory_space<vmem>>
    %dma_wait3A_702 = tpu.memref_squeeze %dma_wait3A_701 : memref<1x128xi32, #tpu.memory_space<vmem>> -> memref<128xi32, #tpu.memory_space<vmem>>
    %dma_wait3A_703 = arith.constant 0 : i32
    %dma_wait3A_704 = arith.constant 0 : i32
    %dma_wait3A_705 = tpu.memref_slice %arg5[%dma_wait3A_703, %dma_wait3A_704] : memref<100001x128xf32, #tpu.memory_space<hbm>> -> memref<100001x128xf32, #tpu.memory_space<hbm>>
    tpu.wait_indirect_dma semaphore(%arg16 : memref<!tpu.dma_semaphore, #tpu.memory_space<semaphore_mem>>) src(%dma_wait3A_705 : memref<100001x128xf32, #tpu.memory_space<hbm>>) dst(%dma_wait3A_699 : memref<128x128xf32, #tpu.memory_space<vmem>>)
    %broadcast_in_dim3A_706 = arith.constant 0.000000e+00 : f32
    %broadcast_in_dim3A_707 = vector.broadcast %broadcast_in_dim3A_706 : f32 to vector<16xf32>
    %broadcast_in_dim3A_708 = arith.constant 0.000000e+00 : f32
    %broadcast_in_dim3A_709 = vector.broadcast %broadcast_in_dim3A_708 : f32 to vector<16xf32>
    %broadcast_in_dim3A_710 = arith.constant 0.000000e+00 : f32
    %broadcast_in_dim3A_711 = vector.broadcast %broadcast_in_dim3A_710 : f32 to vector<16xf32>
    %broadcast_in_dim3A_712 = arith.constant 0.000000e+00 : f32
    %broadcast_in_dim3A_713 = vector.broadcast %broadcast_in_dim3A_712 : f32 to vector<16xf32>
    %broadcast_in_dim3A_714 = arith.constant 0.000000e+00 : f32
    %broadcast_in_dim3A_715 = vector.broadcast %broadcast_in_dim3A_714 : f32 to vector<16xf32>
    %broadcast_in_dim3A_716 = arith.constant 0.000000e+00 : f32
    %broadcast_in_dim3A_717 = vector.broadcast %broadcast_in_dim3A_716 : f32 to vector<16xf32>
    %broadcast_in_dim3A_718 = arith.constant 0.000000e+00 : f32
    %broadcast_in_dim3A_719 = vector.broadcast %broadcast_in_dim3A_718 : f32 to vector<16xf32>
    %broadcast_in_dim3A_720 = arith.constant 0.000000e+00 : f32
    %broadcast_in_dim3A_721 = vector.broadcast %broadcast_in_dim3A_720 : f32 to vector<16xf32>
    %scan3A_722 = arith.constant 0 : i32
    %scan3A_723 = arith.constant 0 : i32
    %scan3A_724 = arith.constant 0 : i32
    %scan3A_725 = arith.constant 128 : i32
    %scan3A_726 = arith.addi %scan3A_724, %scan3A_725 : i32
    %scan3A_727 = arith.constant 2 : i32
    %scan3A_728:8 = scf.for %scan3A_976 = %scan3A_724 to %scan3A_726 step %scan3A_727 iter_args(%scan3A_977 = %broadcast_in_dim3A_707, %scan3A_978 = %broadcast_in_dim3A_709, %scan3A_979 = %broadcast_in_dim3A_711, %scan3A_980 = %broadcast_in_dim3A_713, %scan3A_981 = %broadcast_in_dim3A_715, %scan3A_982 = %broadcast_in_dim3A_717, %scan3A_983 = %broadcast_in_dim3A_719, %scan3A_984 = %broadcast_in_dim3A_721) -> (vector<16xf32>, vector<16xf32>, vector<16xf32>, vector<16xf32>, vector<16xf32>, vector<16xf32>, vector<16xf32>, vector<16xf32>)  : i32 {
      %add3A_985 = vector.broadcast %scan3A_976 : i32 to vector<16xi32>
      %add3A_986 = arith.addi %iota3A, %add3A_985 : vector<16xi32>
      %and3A = arith.constant 127 : i32
      %and3A_987 = vector.broadcast %and3A : i32 to vector<16xi32>
      %and3A_988 = arith.andi %add3A_986, %and3A_987 : vector<16xi32>
      %gather3A = arith.constant 0 : i32
      %gather3A_989 = arith.constant 0 : i32
      %gather3A_990 = tpu.memref_slice %arg11[%scan3A_722, %gather3A, %gather3A_989] : memref<2x128x128xf32, #tpu.memory_space<vmem>> -> memref<1x128x128xf32, #tpu.memory_space<vmem>>
      %gather3A_991 = tpu.memref_squeeze %gather3A_990 : memref<1x128x128xf32, #tpu.memory_space<vmem>> -> memref<128x128xf32, #tpu.memory_space<vmem>>
      %gather3A_992 = tpu.vector_load_idx %gather3A_991[%add3A_243, %and3A_988] : memref<128x128xf32, #tpu.memory_space<vmem>>[vector<16xi32>, vector<16xi32>], vector<16xf32>,
      %gather3A_993 = arith.constant 0 : i32
      %gather3A_994 = arith.constant 0 : i32
      %gather3A_995 = tpu.memref_slice %arg12[%scan3A_723, %gather3A_993, %gather3A_994] : memref<2x128x128xf32, #tpu.memory_space<vmem>> -> memref<1x128x128xf32, #tpu.memory_space<vmem>>
      %gather3A_996 = tpu.memref_squeeze %gather3A_995 : memref<1x128x128xf32, #tpu.memory_space<vmem>> -> memref<128x128xf32, #tpu.memory_space<vmem>>
      %gather3A_997 = tpu.vector_load_idx %gather3A_996[%add3A_243, %and3A_988] : memref<128x128xf32, #tpu.memory_space<vmem>>[vector<16xi32>, vector<16xi32>], vector<16xf32>,
      %mul3A_998 = arith.mulf %gather3A_992, %gather3A_997 : vector<16xf32>
      %add3A_999 = arith.addf %scan3A_977, %mul3A_998 : vector<16xf32>
      %gather3A_1000 = arith.constant 0 : i32
      %gather3A_1001 = arith.constant 0 : i32
      %gather3A_1002 = tpu.memref_slice %arg11[%scan3A_722, %gather3A_1000, %gather3A_1001] : memref<2x128x128xf32, #tpu.memory_space<vmem>> -> memref<1x128x128xf32, #tpu.memory_space<vmem>>
      %gather3A_1003 = tpu.memref_squeeze %gather3A_1002 : memref<1x128x128xf32, #tpu.memory_space<vmem>> -> memref<128x128xf32, #tpu.memory_space<vmem>>
      %gather3A_1004 = tpu.vector_load_idx %gather3A_1003[%add3A_246, %and3A_988] : memref<128x128xf32, #tpu.memory_space<vmem>>[vector<16xi32>, vector<16xi32>], vector<16xf32>,
      %gather3A_1005 = arith.constant 0 : i32
      %gather3A_1006 = arith.constant 0 : i32
      %gather3A_1007 = tpu.memref_slice %arg12[%scan3A_723, %gather3A_1005, %gather3A_1006] : memref<2x128x128xf32, #tpu.memory_space<vmem>> -> memref<1x128x128xf32, #tpu.memory_space<vmem>>
      %gather3A_1008 = tpu.memref_squeeze %gather3A_1007 : memref<1x128x128xf32, #tpu.memory_space<vmem>> -> memref<128x128xf32, #tpu.memory_space<vmem>>
      %gather3A_1009 = tpu.vector_load_idx %gather3A_1008[%add3A_246, %and3A_988] : memref<128x128xf32, #tpu.memory_space<vmem>>[vector<16xi32>, vector<16xi32>], vector<16xf32>,
      %mul3A_1010 = arith.mulf %gather3A_1004, %gather3A_1009 : vector<16xf32>
      %add3A_1011 = arith.addf %scan3A_978, %mul3A_1010 : vector<16xf32>
      %gather3A_1012 = arith.constant 0 : i32
      %gather3A_1013 = arith.constant 0 : i32
      %gather3A_1014 = tpu.memref_slice %arg11[%scan3A_722, %gather3A_1012, %gather3A_1013] : memref<2x128x128xf32, #tpu.memory_space<vmem>> -> memref<1x128x128xf32, #tpu.memory_space<vmem>>
      %gather3A_1015 = tpu.memref_squeeze %gather3A_1014 : memref<1x128x128xf32, #tpu.memory_space<vmem>> -> memref<128x128xf32, #tpu.memory_space<vmem>>
      %gather3A_1016 = tpu.vector_load_idx %gather3A_1015[%add3A_249, %and3A_988] : memref<128x128xf32, #tpu.memory_space<vmem>>[vector<16xi32>, vector<16xi32>], vector<16xf32>,
      %gather3A_1017 = arith.constant 0 : i32
      %gather3A_1018 = arith.constant 0 : i32
      %gather3A_1019 = tpu.memref_slice %arg12[%scan3A_723, %gather3A_1017, %gather3A_1018] : memref<2x128x128xf32, #tpu.memory_space<vmem>> -> memref<1x128x128xf32, #tpu.memory_space<vmem>>
      %gather3A_1020 = tpu.memref_squeeze %gather3A_1019 : memref<1x128x128xf32, #tpu.memory_space<vmem>> -> memref<128x128xf32, #tpu.memory_space<vmem>>
      %gather3A_1021 = tpu.vector_load_idx %gather3A_1020[%add3A_249, %and3A_988] : memref<128x128xf32, #tpu.memory_space<vmem>>[vector<16xi32>, vector<16xi32>], vector<16xf32>,
      %mul3A_1022 = arith.mulf %gather3A_1016, %gather3A_1021 : vector<16xf32>
      %add3A_1023 = arith.addf %scan3A_979, %mul3A_1022 : vector<16xf32>
      %gather3A_1024 = arith.constant 0 : i32
      %gather3A_1025 = arith.constant 0 : i32
      %gather3A_1026 = tpu.memref_slice %arg11[%scan3A_722, %gather3A_1024, %gather3A_1025] : memref<2x128x128xf32, #tpu.memory_space<vmem>> -> memref<1x128x128xf32, #tpu.memory_space<vmem>>
      %gather3A_1027 = tpu.memref_squeeze %gather3A_1026 : memref<1x128x128xf32, #tpu.memory_space<vmem>> -> memref<128x128xf32, #tpu.memory_space<vmem>>
      %gather3A_1028 = tpu.vector_load_idx %gather3A_1027[%add3A_252, %and3A_988] : memref<128x128xf32, #tpu.memory_space<vmem>>[vector<16xi32>, vector<16xi32>], vector<16xf32>,
      %gather3A_1029 = arith.constant 0 : i32
      %gather3A_1030 = arith.constant 0 : i32
      %gather3A_1031 = tpu.memref_slice %arg12[%scan3A_723, %gather3A_1029, %gather3A_1030] : memref<2x128x128xf32, #tpu.memory_space<vmem>> -> memref<1x128x128xf32, #tpu.memory_space<vmem>>
      %gather3A_1032 = tpu.memref_squeeze %gather3A_1031 : memref<1x128x128xf32, #tpu.memory_space<vmem>> -> memref<128x128xf32, #tpu.memory_space<vmem>>
      %gather3A_1033 = tpu.vector_load_idx %gather3A_1032[%add3A_252, %and3A_988] : memref<128x128xf32, #tpu.memory_space<vmem>>[vector<16xi32>, vector<16xi32>], vector<16xf32>,
      %mul3A_1034 = arith.mulf %gather3A_1028, %gather3A_1033 : vector<16xf32>
      %add3A_1035 = arith.addf %scan3A_980, %mul3A_1034 : vector<16xf32>
      %gather3A_1036 = arith.constant 0 : i32
      %gather3A_1037 = arith.constant 0 : i32
      %gather3A_1038 = tpu.memref_slice %arg11[%scan3A_722, %gather3A_1036, %gather3A_1037] : memref<2x128x128xf32, #tpu.memory_space<vmem>> -> memref<1x128x128xf32, #tpu.memory_space<vmem>>
      %gather3A_1039 = tpu.memref_squeeze %gather3A_1038 : memref<1x128x128xf32, #tpu.memory_space<vmem>> -> memref<128x128xf32, #tpu.memory_space<vmem>>
      %gather3A_1040 = tpu.vector_load_idx %gather3A_1039[%add3A_255, %and3A_988] : memref<128x128xf32, #tpu.memory_space<vmem>>[vector<16xi32>, vector<16xi32>], vector<16xf32>,
      %gather3A_1041 = arith.constant 0 : i32
      %gather3A_1042 = arith.constant 0 : i32
      %gather3A_1043 = tpu.memref_slice %arg12[%scan3A_723, %gather3A_1041, %gather3A_1042] : memref<2x128x128xf32, #tpu.memory_space<vmem>> -> memref<1x128x128xf32, #tpu.memory_space<vmem>>
      %gather3A_1044 = tpu.memref_squeeze %gather3A_1043 : memref<1x128x128xf32, #tpu.memory_space<vmem>> -> memref<128x128xf32, #tpu.memory_space<vmem>>
      %gather3A_1045 = tpu.vector_load_idx %gather3A_1044[%add3A_255, %and3A_988] : memref<128x128xf32, #tpu.memory_space<vmem>>[vector<16xi32>, vector<16xi32>], vector<16xf32>,
      %mul3A_1046 = arith.mulf %gather3A_1040, %gather3A_1045 : vector<16xf32>
      %add3A_1047 = arith.addf %scan3A_981, %mul3A_1046 : vector<16xf32>
      %gather3A_1048 = arith.constant 0 : i32
      %gather3A_1049 = arith.constant 0 : i32
      %gather3A_1050 = tpu.memref_slice %arg11[%scan3A_722, %gather3A_1048, %gather3A_1049] : memref<2x128x128xf32, #tpu.memory_space<vmem>> -> memref<1x128x128xf32, #tpu.memory_space<vmem>>
      %gather3A_1051 = tpu.memref_squeeze %gather3A_1050 : memref<1x128x128xf32, #tpu.memory_space<vmem>> -> memref<128x128xf32, #tpu.memory_space<vmem>>
      %gather3A_1052 = tpu.vector_load_idx %gather3A_1051[%add3A_258, %and3A_988] : memref<128x128xf32, #tpu.memory_space<vmem>>[vector<16xi32>, vector<16xi32>], vector<16xf32>,
      %gather3A_1053 = arith.constant 0 : i32
      %gather3A_1054 = arith.constant 0 : i32
      %gather3A_1055 = tpu.memref_slice %arg12[%scan3A_723, %gather3A_1053, %gather3A_1054] : memref<2x128x128xf32, #tpu.memory_space<vmem>> -> memref<1x128x128xf32, #tpu.memory_space<vmem>>
      %gather3A_1056 = tpu.memref_squeeze %gather3A_1055 : memref<1x128x128xf32, #tpu.memory_space<vmem>> -> memref<128x128xf32, #tpu.memory_space<vmem>>
      %gather3A_1057 = tpu.vector_load_idx %gather3A_1056[%add3A_258, %and3A_988] : memref<128x128xf32, #tpu.memory_space<vmem>>[vector<16xi32>, vector<16xi32>], vector<16xf32>,
      %mul3A_1058 = arith.mulf %gather3A_1052, %gather3A_1057 : vector<16xf32>
      %add3A_1059 = arith.addf %scan3A_982, %mul3A_1058 : vector<16xf32>
      %gather3A_1060 = arith.constant 0 : i32
      %gather3A_1061 = arith.constant 0 : i32
      %gather3A_1062 = tpu.memref_slice %arg11[%scan3A_722, %gather3A_1060, %gather3A_1061] : memref<2x128x128xf32, #tpu.memory_space<vmem>> -> memref<1x128x128xf32, #tpu.memory_space<vmem>>
      %gather3A_1063 = tpu.memref_squeeze %gather3A_1062 : memref<1x128x128xf32, #tpu.memory_space<vmem>> -> memref<128x128xf32, #tpu.memory_space<vmem>>
      %gather3A_1064 = tpu.vector_load_idx %gather3A_1063[%add3A_261, %and3A_988] : memref<128x128xf32, #tpu.memory_space<vmem>>[vector<16xi32>, vector<16xi32>], vector<16xf32>,
      %gather3A_1065 = arith.constant 0 : i32
      %gather3A_1066 = arith.constant 0 : i32
      %gather3A_1067 = tpu.memref_slice %arg12[%scan3A_723, %gather3A_1065, %gather3A_1066] : memref<2x128x128xf32, #tpu.memory_space<vmem>> -> memref<1x128x128xf32, #tpu.memory_space<vmem>>
      %gather3A_1068 = tpu.memref_squeeze %gather3A_1067 : memref<1x128x128xf32, #tpu.memory_space<vmem>> -> memref<128x128xf32, #tpu.memory_space<vmem>>
      %gather3A_1069 = tpu.vector_load_idx %gather3A_1068[%add3A_261, %and3A_988] : memref<128x128xf32, #tpu.memory_space<vmem>>[vector<16xi32>, vector<16xi32>], vector<16xf32>,
      %mul3A_1070 = arith.mulf %gather3A_1064, %gather3A_1069 : vector<16xf32>
      %add3A_1071 = arith.addf %scan3A_983, %mul3A_1070 : vector<16xf32>
      %gather3A_1072 = arith.constant 0 : i32
      %gather3A_1073 = arith.constant 0 : i32
      %gather3A_1074 = tpu.memref_slice %arg11[%scan3A_722, %gather3A_1072, %gather3A_1073] : memref<2x128x128xf32, #tpu.memory_space<vmem>> -> memref<1x128x128xf32, #tpu.memory_space<vmem>>
      %gather3A_1075 = tpu.memref_squeeze %gather3A_1074 : memref<1x128x128xf32, #tpu.memory_space<vmem>> -> memref<128x128xf32, #tpu.memory_space<vmem>>
      %gather3A_1076 = tpu.vector_load_idx %gather3A_1075[%add3A_264, %and3A_988] : memref<128x128xf32, #tpu.memory_space<vmem>>[vector<16xi32>, vector<16xi32>], vector<16xf32>,
      %gather3A_1077 = arith.constant 0 : i32
      %gather3A_1078 = arith.constant 0 : i32
      %gather3A_1079 = tpu.memref_slice %arg12[%scan3A_723, %gather3A_1077, %gather3A_1078] : memref<2x128x128xf32, #tpu.memory_space<vmem>> -> memref<1x128x128xf32, #tpu.memory_space<vmem>>
      %gather3A_1080 = tpu.memref_squeeze %gather3A_1079 : memref<1x128x128xf32, #tpu.memory_space<vmem>> -> memref<128x128xf32, #tpu.memory_space<vmem>>
      %gather3A_1081 = tpu.vector_load_idx %gather3A_1080[%add3A_264, %and3A_988] : memref<128x128xf32, #tpu.memory_space<vmem>>[vector<16xi32>, vector<16xi32>], vector<16xf32>,
      %mul3A_1082 = arith.mulf %gather3A_1076, %gather3A_1081 : vector<16xf32>
      %add3A_1083 = arith.addf %scan3A_984, %mul3A_1082 : vector<16xf32>
      %scan3A_1084 = arith.constant 1 : i32
      %scan3A_1085 = arith.addi %scan3A_976, %scan3A_1084 : i32
      %add3A_1086 = vector.broadcast %scan3A_1085 : i32 to vector<16xi32>
      %add3A_1087 = arith.addi %iota3A, %add3A_1086 : vector<16xi32>
      %and3A_1088 = arith.constant 127 : i32
      %and3A_1089 = vector.broadcast %and3A_1088 : i32 to vector<16xi32>
      %and3A_1090 = arith.andi %add3A_1087, %and3A_1089 : vector<16xi32>
      %gather3A_1091 = arith.constant 0 : i32
      %gather3A_1092 = arith.constant 0 : i32
      %gather3A_1093 = tpu.memref_slice %arg11[%scan3A_722, %gather3A_1091, %gather3A_1092] : memref<2x128x128xf32, #tpu.memory_space<vmem>> -> memref<1x128x128xf32, #tpu.memory_space<vmem>>
      %gather3A_1094 = tpu.memref_squeeze %gather3A_1093 : memref<1x128x128xf32, #tpu.memory_space<vmem>> -> memref<128x128xf32, #tpu.memory_space<vmem>>
      %gather3A_1095 = tpu.vector_load_idx %gather3A_1094[%add3A_243, %and3A_1090] : memref<128x128xf32, #tpu.memory_space<vmem>>[vector<16xi32>, vector<16xi32>], vector<16xf32>,
      %gather3A_1096 = arith.constant 0 : i32
      %gather3A_1097 = arith.constant 0 : i32
      %gather3A_1098 = tpu.memref_slice %arg12[%scan3A_723, %gather3A_1096, %gather3A_1097] : memref<2x128x128xf32, #tpu.memory_space<vmem>> -> memref<1x128x128xf32, #tpu.memory_space<vmem>>
      %gather3A_1099 = tpu.memref_squeeze %gather3A_1098 : memref<1x128x128xf32, #tpu.memory_space<vmem>> -> memref<128x128xf32, #tpu.memory_space<vmem>>
      %gather3A_1100 = tpu.vector_load_idx %gather3A_1099[%add3A_243, %and3A_1090] : memref<128x128xf32, #tpu.memory_space<vmem>>[vector<16xi32>, vector<16xi32>], vector<16xf32>,
      %mul3A_1101 = arith.mulf %gather3A_1095, %gather3A_1100 : vector<16xf32>
      %add3A_1102 = arith.addf %add3A_999, %mul3A_1101 : vector<16xf32>
      %gather3A_1103 = arith.constant 0 : i32
      %gather3A_1104 = arith.constant 0 : i32
      %gather3A_1105 = tpu.memref_slice %arg11[%scan3A_722, %gather3A_1103, %gather3A_1104] : memref<2x128x128xf32, #tpu.memory_space<vmem>> -> memref<1x128x128xf32, #tpu.memory_space<vmem>>
      %gather3A_1106 = tpu.memref_squeeze %gather3A_1105 : memref<1x128x128xf32, #tpu.memory_space<vmem>> -> memref<128x128xf32, #tpu.memory_space<vmem>>
      %gather3A_1107 = tpu.vector_load_idx %gather3A_1106[%add3A_246, %and3A_1090] : memref<128x128xf32, #tpu.memory_space<vmem>>[vector<16xi32>, vector<16xi32>], vector<16xf32>,
      %gather3A_1108 = arith.constant 0 : i32
      %gather3A_1109 = arith.constant 0 : i32
      %gather3A_1110 = tpu.memref_slice %arg12[%scan3A_723, %gather3A_1108, %gather3A_1109] : memref<2x128x128xf32, #tpu.memory_space<vmem>> -> memref<1x128x128xf32, #tpu.memory_space<vmem>>
      %gather3A_1111 = tpu.memref_squeeze %gather3A_1110 : memref<1x128x128xf32, #tpu.memory_space<vmem>> -> memref<128x128xf32, #tpu.memory_space<vmem>>
      %gather3A_1112 = tpu.vector_load_idx %gather3A_1111[%add3A_246, %and3A_1090] : memref<128x128xf32, #tpu.memory_space<vmem>>[vector<16xi32>, vector<16xi32>], vector<16xf32>,
      %mul3A_1113 = arith.mulf %gather3A_1107, %gather3A_1112 : vector<16xf32>
      %add3A_1114 = arith.addf %add3A_1011, %mul3A_1113 : vector<16xf32>
      %gather3A_1115 = arith.constant 0 : i32
      %gather3A_1116 = arith.constant 0 : i32
      %gather3A_1117 = tpu.memref_slice %arg11[%scan3A_722, %gather3A_1115, %gather3A_1116] : memref<2x128x128xf32, #tpu.memory_space<vmem>> -> memref<1x128x128xf32, #tpu.memory_space<vmem>>
      %gather3A_1118 = tpu.memref_squeeze %gather3A_1117 : memref<1x128x128xf32, #tpu.memory_space<vmem>> -> memref<128x128xf32, #tpu.memory_space<vmem>>
      %gather3A_1119 = tpu.vector_load_idx %gather3A_1118[%add3A_249, %and3A_1090] : memref<128x128xf32, #tpu.memory_space<vmem>>[vector<16xi32>, vector<16xi32>], vector<16xf32>,
      %gather3A_1120 = arith.constant 0 : i32
      %gather3A_1121 = arith.constant 0 : i32
      %gather3A_1122 = tpu.memref_slice %arg12[%scan3A_723, %gather3A_1120, %gather3A_1121] : memref<2x128x128xf32, #tpu.memory_space<vmem>> -> memref<1x128x128xf32, #tpu.memory_space<vmem>>
      %gather3A_1123 = tpu.memref_squeeze %gather3A_1122 : memref<1x128x128xf32, #tpu.memory_space<vmem>> -> memref<128x128xf32, #tpu.memory_space<vmem>>
      %gather3A_1124 = tpu.vector_load_idx %gather3A_1123[%add3A_249, %and3A_1090] : memref<128x128xf32, #tpu.memory_space<vmem>>[vector<16xi32>, vector<16xi32>], vector<16xf32>,
      %mul3A_1125 = arith.mulf %gather3A_1119, %gather3A_1124 : vector<16xf32>
      %add3A_1126 = arith.addf %add3A_1023, %mul3A_1125 : vector<16xf32>
      %gather3A_1127 = arith.constant 0 : i32
      %gather3A_1128 = arith.constant 0 : i32
      %gather3A_1129 = tpu.memref_slice %arg11[%scan3A_722, %gather3A_1127, %gather3A_1128] : memref<2x128x128xf32, #tpu.memory_space<vmem>> -> memref<1x128x128xf32, #tpu.memory_space<vmem>>
      %gather3A_1130 = tpu.memref_squeeze %gather3A_1129 : memref<1x128x128xf32, #tpu.memory_space<vmem>> -> memref<128x128xf32, #tpu.memory_space<vmem>>
      %gather3A_1131 = tpu.vector_load_idx %gather3A_1130[%add3A_252, %and3A_1090] : memref<128x128xf32, #tpu.memory_space<vmem>>[vector<16xi32>, vector<16xi32>], vector<16xf32>,
      %gather3A_1132 = arith.constant 0 : i32
      %gather3A_1133 = arith.constant 0 : i32
      %gather3A_1134 = tpu.memref_slice %arg12[%scan3A_723, %gather3A_1132, %gather3A_1133] : memref<2x128x128xf32, #tpu.memory_space<vmem>> -> memref<1x128x128xf32, #tpu.memory_space<vmem>>
      %gather3A_1135 = tpu.memref_squeeze %gather3A_1134 : memref<1x128x128xf32, #tpu.memory_space<vmem>> -> memref<128x128xf32, #tpu.memory_space<vmem>>
      %gather3A_1136 = tpu.vector_load_idx %gather3A_1135[%add3A_252, %and3A_1090] : memref<128x128xf32, #tpu.memory_space<vmem>>[vector<16xi32>, vector<16xi32>], vector<16xf32>,
      %mul3A_1137 = arith.mulf %gather3A_1131, %gather3A_1136 : vector<16xf32>
      %add3A_1138 = arith.addf %add3A_1035, %mul3A_1137 : vector<16xf32>
      %gather3A_1139 = arith.constant 0 : i32
      %gather3A_1140 = arith.constant 0 : i32
      %gather3A_1141 = tpu.memref_slice %arg11[%scan3A_722, %gather3A_1139, %gather3A_1140] : memref<2x128x128xf32, #tpu.memory_space<vmem>> -> memref<1x128x128xf32, #tpu.memory_space<vmem>>
      %gather3A_1142 = tpu.memref_squeeze %gather3A_1141 : memref<1x128x128xf32, #tpu.memory_space<vmem>> -> memref<128x128xf32, #tpu.memory_space<vmem>>
      %gather3A_1143 = tpu.vector_load_idx %gather3A_1142[%add3A_255, %and3A_1090] : memref<128x128xf32, #tpu.memory_space<vmem>>[vector<16xi32>, vector<16xi32>], vector<16xf32>,
      %gather3A_1144 = arith.constant 0 : i32
      %gather3A_1145 = arith.constant 0 : i32
      %gather3A_1146 = tpu.memref_slice %arg12[%scan3A_723, %gather3A_1144, %gather3A_1145] : memref<2x128x128xf32, #tpu.memory_space<vmem>> -> memref<1x128x128xf32, #tpu.memory_space<vmem>>
      %gather3A_1147 = tpu.memref_squeeze %gather3A_1146 : memref<1x128x128xf32, #tpu.memory_space<vmem>> -> memref<128x128xf32, #tpu.memory_space<vmem>>
      %gather3A_1148 = tpu.vector_load_idx %gather3A_1147[%add3A_255, %and3A_1090] : memref<128x128xf32, #tpu.memory_space<vmem>>[vector<16xi32>, vector<16xi32>], vector<16xf32>,
      %mul3A_1149 = arith.mulf %gather3A_1143, %gather3A_1148 : vector<16xf32>
      %add3A_1150 = arith.addf %add3A_1047, %mul3A_1149 : vector<16xf32>
      %gather3A_1151 = arith.constant 0 : i32
      %gather3A_1152 = arith.constant 0 : i32
      %gather3A_1153 = tpu.memref_slice %arg11[%scan3A_722, %gather3A_1151, %gather3A_1152] : memref<2x128x128xf32, #tpu.memory_space<vmem>> -> memref<1x128x128xf32, #tpu.memory_space<vmem>>
      %gather3A_1154 = tpu.memref_squeeze %gather3A_1153 : memref<1x128x128xf32, #tpu.memory_space<vmem>> -> memref<128x128xf32, #tpu.memory_space<vmem>>
      %gather3A_1155 = tpu.vector_load_idx %gather3A_1154[%add3A_258, %and3A_1090] : memref<128x128xf32, #tpu.memory_space<vmem>>[vector<16xi32>, vector<16xi32>], vector<16xf32>,
      %gather3A_1156 = arith.constant 0 : i32
      %gather3A_1157 = arith.constant 0 : i32
      %gather3A_1158 = tpu.memref_slice %arg12[%scan3A_723, %gather3A_1156, %gather3A_1157] : memref<2x128x128xf32, #tpu.memory_space<vmem>> -> memref<1x128x128xf32, #tpu.memory_space<vmem>>
      %gather3A_1159 = tpu.memref_squeeze %gather3A_1158 : memref<1x128x128xf32, #tpu.memory_space<vmem>> -> memref<128x128xf32, #tpu.memory_space<vmem>>
      %gather3A_1160 = tpu.vector_load_idx %gather3A_1159[%add3A_258, %and3A_1090] : memref<128x128xf32, #tpu.memory_space<vmem>>[vector<16xi32>, vector<16xi32>], vector<16xf32>,
      %mul3A_1161 = arith.mulf %gather3A_1155, %gather3A_1160 : vector<16xf32>
      %add3A_1162 = arith.addf %add3A_1059, %mul3A_1161 : vector<16xf32>
      %gather3A_1163 = arith.constant 0 : i32
      %gather3A_1164 = arith.constant 0 : i32
      %gather3A_1165 = tpu.memref_slice %arg11[%scan3A_722, %gather3A_1163, %gather3A_1164] : memref<2x128x128xf32, #tpu.memory_space<vmem>> -> memref<1x128x128xf32, #tpu.memory_space<vmem>>
      %gather3A_1166 = tpu.memref_squeeze %gather3A_1165 : memref<1x128x128xf32, #tpu.memory_space<vmem>> -> memref<128x128xf32, #tpu.memory_space<vmem>>
      %gather3A_1167 = tpu.vector_load_idx %gather3A_1166[%add3A_261, %and3A_1090] : memref<128x128xf32, #tpu.memory_space<vmem>>[vector<16xi32>, vector<16xi32>], vector<16xf32>,
      %gather3A_1168 = arith.constant 0 : i32
      %gather3A_1169 = arith.constant 0 : i32
      %gather3A_1170 = tpu.memref_slice %arg12[%scan3A_723, %gather3A_1168, %gather3A_1169] : memref<2x128x128xf32, #tpu.memory_space<vmem>> -> memref<1x128x128xf32, #tpu.memory_space<vmem>>
      %gather3A_1171 = tpu.memref_squeeze %gather3A_1170 : memref<1x128x128xf32, #tpu.memory_space<vmem>> -> memref<128x128xf32, #tpu.memory_space<vmem>>
      %gather3A_1172 = tpu.vector_load_idx %gather3A_1171[%add3A_261, %and3A_1090] : memref<128x128xf32, #tpu.memory_space<vmem>>[vector<16xi32>, vector<16xi32>], vector<16xf32>,
      %mul3A_1173 = arith.mulf %gather3A_1167, %gather3A_1172 : vector<16xf32>
      %add3A_1174 = arith.addf %add3A_1071, %mul3A_1173 : vector<16xf32>
      %gather3A_1175 = arith.constant 0 : i32
      %gather3A_1176 = arith.constant 0 : i32
      %gather3A_1177 = tpu.memref_slice %arg11[%scan3A_722, %gather3A_1175, %gather3A_1176] : memref<2x128x128xf32, #tpu.memory_space<vmem>> -> memref<1x128x128xf32, #tpu.memory_space<vmem>>
      %gather3A_1178 = tpu.memref_squeeze %gather3A_1177 : memref<1x128x128xf32, #tpu.memory_space<vmem>> -> memref<128x128xf32, #tpu.memory_space<vmem>>
      %gather3A_1179 = tpu.vector_load_idx %gather3A_1178[%add3A_264, %and3A_1090] : memref<128x128xf32, #tpu.memory_space<vmem>>[vector<16xi32>, vector<16xi32>], vector<16xf32>,
      %gather3A_1180 = arith.constant 0 : i32
      %gather3A_1181 = arith.constant 0 : i32
      %gather3A_1182 = tpu.memref_slice %arg12[%scan3A_723, %gather3A_1180, %gather3A_1181] : memref<2x128x128xf32, #tpu.memory_space<vmem>> -> memref<1x128x128xf32, #tpu.memory_space<vmem>>
      %gather3A_1183 = tpu.memref_squeeze %gather3A_1182 : memref<1x128x128xf32, #tpu.memory_space<vmem>> -> memref<128x128xf32, #tpu.memory_space<vmem>>
      %gather3A_1184 = tpu.vector_load_idx %gather3A_1183[%add3A_264, %and3A_1090] : memref<128x128xf32, #tpu.memory_space<vmem>>[vector<16xi32>, vector<16xi32>], vector<16xf32>,
      %mul3A_1185 = arith.mulf %gather3A_1179, %gather3A_1184 : vector<16xf32>
      %add3A_1186 = arith.addf %add3A_1083, %mul3A_1185 : vector<16xf32>
      scf.yield %add3A_1102, %add3A_1114, %add3A_1126, %add3A_1138, %add3A_1150, %add3A_1162, %add3A_1174, %add3A_1186 : vector<16xf32>, vector<16xf32>, vector<16xf32>, vector<16xf32>, vector<16xf32>, vector<16xf32>, vector<16xf32>, vector<16xf32>
    }
    %scan3A_729 = arith.constant 128 : i32
    %get3A_730 = arith.constant 2 : i32
    %get3A_731 = arith.index_cast %get3A_730 : i32 to index
    %get3A_732 = arith.constant 0 : index
    %get3A_733 = tpu.vector_load %arg13[%get3A_731, %get3A_732] {strides = array<i32>} : memref<4x128xf32, #tpu.memory_space<vmem>>, vector<16xf32>,
    %add3A_734 = arith.addf %scan3A_728#0, %get3A_733 : vector<16xf32>
    %get3A_735 = arith.constant 2 : i32
    %get3A_736 = arith.index_cast %get3A_735 : i32 to index
    %get3A_737 = arith.constant 0 : index
    %get3A_738 = tpu.vector_load %arg14[%get3A_736, %get3A_737] {strides = array<i32>} : memref<4x128xf32, #tpu.memory_space<vmem>>, vector<16xf32>,
    %add3A_739 = arith.addf %add3A_734, %get3A_738 : vector<16xf32>
    %swap3A_740 = arith.constant 0 : index
    %swap3A_741 = tpu.vector_load %arg15[%swap3A_740] {strides = array<i32>} : memref<128xf32, #tpu.memory_space<vmem>>, vector<16xf32>,
    tpu.vector_store %arg15[%swap3A_740], %add3A_739 {strides = array<i32>} : memref<128xf32, #tpu.memory_space<vmem>>, vector<16xf32>,
    %get3A_742 = arith.constant 2 : i32
    %get3A_743 = arith.index_cast %get3A_742 : i32 to index
    %get3A_744 = arith.constant 16 : index
    %get3A_745 = tpu.vector_load %arg13[%get3A_743, %get3A_744] {strides = array<i32>} : memref<4x128xf32, #tpu.memory_space<vmem>>, vector<16xf32>,
    %add3A_746 = arith.addf %scan3A_728#1, %get3A_745 : vector<16xf32>
    %get3A_747 = arith.constant 2 : i32
    %get3A_748 = arith.index_cast %get3A_747 : i32 to index
    %get3A_749 = arith.constant 16 : index
    %get3A_750 = tpu.vector_load %arg14[%get3A_748, %get3A_749] {strides = array<i32>} : memref<4x128xf32, #tpu.memory_space<vmem>>, vector<16xf32>,
    %add3A_751 = arith.addf %add3A_746, %get3A_750 : vector<16xf32>
    %swap3A_752 = arith.constant 16 : index
    %swap3A_753 = tpu.vector_load %arg15[%swap3A_752] {strides = array<i32>} : memref<128xf32, #tpu.memory_space<vmem>>, vector<16xf32>,
    tpu.vector_store %arg15[%swap3A_752], %add3A_751 {strides = array<i32>} : memref<128xf32, #tpu.memory_space<vmem>>, vector<16xf32>,
    %get3A_754 = arith.constant 2 : i32
    %get3A_755 = arith.index_cast %get3A_754 : i32 to index
    %get3A_756 = arith.constant 32 : index
    %get3A_757 = tpu.vector_load %arg13[%get3A_755, %get3A_756] {strides = array<i32>} : memref<4x128xf32, #tpu.memory_space<vmem>>, vector<16xf32>,
    %add3A_758 = arith.addf %scan3A_728#2, %get3A_757 : vector<16xf32>
    %get3A_759 = arith.constant 2 : i32
    %get3A_760 = arith.index_cast %get3A_759 : i32 to index
    %get3A_761 = arith.constant 32 : index
    %get3A_762 = tpu.vector_load %arg14[%get3A_760, %get3A_761] {strides = array<i32>} : memref<4x128xf32, #tpu.memory_space<vmem>>, vector<16xf32>,
    %add3A_763 = arith.addf %add3A_758, %get3A_762 : vector<16xf32>
    %swap3A_764 = arith.constant 32 : index
    %swap3A_765 = tpu.vector_load %arg15[%swap3A_764] {strides = array<i32>} : memref<128xf32, #tpu.memory_space<vmem>>, vector<16xf32>,
    tpu.vector_store %arg15[%swap3A_764], %add3A_763 {strides = array<i32>} : memref<128xf32, #tpu.memory_space<vmem>>, vector<16xf32>,
    %get3A_766 = arith.constant 2 : i32
    %get3A_767 = arith.index_cast %get3A_766 : i32 to index
    %get3A_768 = arith.constant 48 : index
    %get3A_769 = tpu.vector_load %arg13[%get3A_767, %get3A_768] {strides = array<i32>} : memref<4x128xf32, #tpu.memory_space<vmem>>, vector<16xf32>,
    %add3A_770 = arith.addf %scan3A_728#3, %get3A_769 : vector<16xf32>
    %get3A_771 = arith.constant 2 : i32
    %get3A_772 = arith.index_cast %get3A_771 : i32 to index
    %get3A_773 = arith.constant 48 : index
    %get3A_774 = tpu.vector_load %arg14[%get3A_772, %get3A_773] {strides = array<i32>} : memref<4x128xf32, #tpu.memory_space<vmem>>, vector<16xf32>,
    %add3A_775 = arith.addf %add3A_770, %get3A_774 : vector<16xf32>
    %swap3A_776 = arith.constant 48 : index
    %swap3A_777 = tpu.vector_load %arg15[%swap3A_776] {strides = array<i32>} : memref<128xf32, #tpu.memory_space<vmem>>, vector<16xf32>,
    tpu.vector_store %arg15[%swap3A_776], %add3A_775 {strides = array<i32>} : memref<128xf32, #tpu.memory_space<vmem>>, vector<16xf32>,
    %get3A_778 = arith.constant 2 : i32
    %get3A_779 = arith.index_cast %get3A_778 : i32 to index
    %get3A_780 = arith.constant 64 : index
    %get3A_781 = tpu.vector_load %arg13[%get3A_779, %get3A_780] {strides = array<i32>} : memref<4x128xf32, #tpu.memory_space<vmem>>, vector<16xf32>,
    %add3A_782 = arith.addf %scan3A_728#4, %get3A_781 : vector<16xf32>
    %get3A_783 = arith.constant 2 : i32
    %get3A_784 = arith.index_cast %get3A_783 : i32 to index
    %get3A_785 = arith.constant 64 : index
    %get3A_786 = tpu.vector_load %arg14[%get3A_784, %get3A_785] {strides = array<i32>} : memref<4x128xf32, #tpu.memory_space<vmem>>, vector<16xf32>,
    %add3A_787 = arith.addf %add3A_782, %get3A_786 : vector<16xf32>
    %swap3A_788 = arith.constant 64 : index
    %swap3A_789 = tpu.vector_load %arg15[%swap3A_788] {strides = array<i32>} : memref<128xf32, #tpu.memory_space<vmem>>, vector<16xf32>,
    tpu.vector_store %arg15[%swap3A_788], %add3A_787 {strides = array<i32>} : memref<128xf32, #tpu.memory_space<vmem>>, vector<16xf32>,
    %get3A_790 = arith.constant 2 : i32
    %get3A_791 = arith.index_cast %get3A_790 : i32 to index
    %get3A_792 = arith.constant 80 : index
    %get3A_793 = tpu.vector_load %arg13[%get3A_791, %get3A_792] {strides = array<i32>} : memref<4x128xf32, #tpu.memory_space<vmem>>, vector<16xf32>,
    %add3A_794 = arith.addf %scan3A_728#5, %get3A_793 : vector<16xf32>
    %get3A_795 = arith.constant 2 : i32
    %get3A_796 = arith.index_cast %get3A_795 : i32 to index
    %get3A_797 = arith.constant 80 : index
    %get3A_798 = tpu.vector_load %arg14[%get3A_796, %get3A_797] {strides = array<i32>} : memref<4x128xf32, #tpu.memory_space<vmem>>, vector<16xf32>,
    %add3A_799 = arith.addf %add3A_794, %get3A_798 : vector<16xf32>
    %swap3A_800 = arith.constant 80 : index
    %swap3A_801 = tpu.vector_load %arg15[%swap3A_800] {strides = array<i32>} : memref<128xf32, #tpu.memory_space<vmem>>, vector<16xf32>,
    tpu.vector_store %arg15[%swap3A_800], %add3A_799 {strides = array<i32>} : memref<128xf32, #tpu.memory_space<vmem>>, vector<16xf32>,
    %get3A_802 = arith.constant 2 : i32
    %get3A_803 = arith.index_cast %get3A_802 : i32 to index
    %get3A_804 = arith.constant 96 : index
    %get3A_805 = tpu.vector_load %arg13[%get3A_803, %get3A_804] {strides = array<i32>} : memref<4x128xf32, #tpu.memory_space<vmem>>, vector<16xf32>,
    %add3A_806 = arith.addf %scan3A_728#6, %get3A_805 : vector<16xf32>
    %get3A_807 = arith.constant 2 : i32
    %get3A_808 = arith.index_cast %get3A_807 : i32 to index
    %get3A_809 = arith.constant 96 : index
    %get3A_810 = tpu.vector_load %arg14[%get3A_808, %get3A_809] {strides = array<i32>} : memref<4x128xf32, #tpu.memory_space<vmem>>, vector<16xf32>,
    %add3A_811 = arith.addf %add3A_806, %get3A_810 : vector<16xf32>
    %swap3A_812 = arith.constant 96 : index
    %swap3A_813 = tpu.vector_load %arg15[%swap3A_812] {strides = array<i32>} : memref<128xf32, #tpu.memory_space<vmem>>, vector<16xf32>,
    tpu.vector_store %arg15[%swap3A_812], %add3A_811 {strides = array<i32>} : memref<128xf32, #tpu.memory_space<vmem>>, vector<16xf32>,
    %get3A_814 = arith.constant 2 : i32
    %get3A_815 = arith.index_cast %get3A_814 : i32 to index
    %get3A_816 = arith.constant 112 : index
    %get3A_817 = tpu.vector_load %arg13[%get3A_815, %get3A_816] {strides = array<i32>} : memref<4x128xf32, #tpu.memory_space<vmem>>, vector<16xf32>,
    %add3A_818 = arith.addf %scan3A_728#7, %get3A_817 : vector<16xf32>
    %get3A_819 = arith.constant 2 : i32
    %get3A_820 = arith.index_cast %get3A_819 : i32 to index
    %get3A_821 = arith.constant 112 : index
    %get3A_822 = tpu.vector_load %arg14[%get3A_820, %get3A_821] {strides = array<i32>} : memref<4x128xf32, #tpu.memory_space<vmem>>, vector<16xf32>,
    %add3A_823 = arith.addf %add3A_818, %get3A_822 : vector<16xf32>
    %swap3A_824 = arith.constant 112 : index
    %swap3A_825 = tpu.vector_load %arg15[%swap3A_824] {strides = array<i32>} : memref<128xf32, #tpu.memory_space<vmem>>, vector<16xf32>,
    tpu.vector_store %arg15[%swap3A_824], %add3A_823 {strides = array<i32>} : memref<128xf32, #tpu.memory_space<vmem>>, vector<16xf32>,
    %add3A_826 = arith.constant 256 : i32
    %add3A_827 = arith.addi %mul3A_2, %add3A_826 : i32
    %multiple_of3A_828 = tpu.assume_multiple %add3A_827, 128 : i32
    "tpu.region"() ({
      %run_scoped3A = tpu.sem_alloc : memref<!tpu.dma_semaphore, #tpu.memory_space<semaphore_mem>>
      %dma_start3A_976 = tpu.memref_slice %arg8[%multiple_of3A_828] : memref<16384xf32, #tpu.memory_space<hbm>> -> memref<128xf32, #tpu.memory_space<hbm>>
      %dma_start3A_977 = tpu.memref_slice %arg8[%multiple_of3A_828] : memref<16384xf32, #tpu.memory_space<hbm>> -> memref<128xf32, #tpu.memory_space<hbm>>
      tpu.enqueue_dma source(%arg15 : memref<128xf32, #tpu.memory_space<vmem>>) target(%dma_start3A_977 : memref<128xf32, #tpu.memory_space<hbm>>) target_semaphore(%run_scoped3A : memref<!tpu.dma_semaphore, #tpu.memory_space<semaphore_mem>>)
      %dma_wait3A_978 = tpu.memref_slice %arg8[%multiple_of3A_828] : memref<16384xf32, #tpu.memory_space<hbm>> -> memref<128xf32, #tpu.memory_space<hbm>>
      %dma_wait3A_979 = tpu.memref_slice %arg8[%multiple_of3A_828] : memref<16384xf32, #tpu.memory_space<hbm>> -> memref<128xf32, #tpu.memory_space<hbm>>
      tpu.wait_dma2 semaphore(%run_scoped3A : memref<!tpu.dma_semaphore, #tpu.memory_space<semaphore_mem>>) src(%arg15 : memref<128xf32, #tpu.memory_space<vmem>>) dst(%dma_wait3A_979 : memref<128xf32, #tpu.memory_space<hbm>>)
      tpu.yield
    }) : () -> ()
    %dma_wait3A_829 = arith.constant 3 : i32
    %dma_wait3A_830 = arith.constant 1 : i32
    %dma_wait3A_831 = arith.constant 0 : i32
    %dma_wait3A_832 = arith.constant 0 : i32
    %dma_wait3A_833 = tpu.memref_slice %arg11[%dma_wait3A_830, %dma_wait3A_831, %dma_wait3A_832] : memref<2x128x128xf32, #tpu.memory_space<vmem>> -> memref<1x128x128xf32, #tpu.memory_space<vmem>>
    %dma_wait3A_834 = tpu.memref_squeeze %dma_wait3A_833 : memref<1x128x128xf32, #tpu.memory_space<vmem>> -> memref<128x128xf32, #tpu.memory_space<vmem>>
    %dma_wait3A_835 = arith.constant 0 : i32
    %dma_wait3A_836 = tpu.memref_slice %arg9[%dma_wait3A_829, %dma_wait3A_835] : memref<4x128xi32, #tpu.memory_space<vmem>> -> memref<1x128xi32, #tpu.memory_space<vmem>>
    %dma_wait3A_837 = tpu.memref_squeeze %dma_wait3A_836 : memref<1x128xi32, #tpu.memory_space<vmem>> -> memref<128xi32, #tpu.memory_space<vmem>>
    %dma_wait3A_838 = arith.constant 0 : i32
    %dma_wait3A_839 = arith.constant 0 : i32
    %dma_wait3A_840 = tpu.memref_slice %arg4[%dma_wait3A_838, %dma_wait3A_839] : memref<100001x128xf32, #tpu.memory_space<hbm>> -> memref<100001x128xf32, #tpu.memory_space<hbm>>
    tpu.wait_indirect_dma semaphore(%arg17 : memref<!tpu.dma_semaphore, #tpu.memory_space<semaphore_mem>>) src(%dma_wait3A_840 : memref<100001x128xf32, #tpu.memory_space<hbm>>) dst(%dma_wait3A_834 : memref<128x128xf32, #tpu.memory_space<vmem>>)
    %dma_wait3A_841 = arith.constant 3 : i32
    %dma_wait3A_842 = arith.constant 1 : i32
    %dma_wait3A_843 = arith.constant 0 : i32
    %dma_wait3A_844 = arith.constant 0 : i32
    %dma_wait3A_845 = tpu.memref_slice %arg12[%dma_wait3A_842, %dma_wait3A_843, %dma_wait3A_844] : memref<2x128x128xf32, #tpu.memory_space<vmem>> -> memref<1x128x128xf32, #tpu.memory_space<vmem>>
    %dma_wait3A_846 = tpu.memref_squeeze %dma_wait3A_845 : memref<1x128x128xf32, #tpu.memory_space<vmem>> -> memref<128x128xf32, #tpu.memory_space<vmem>>
    %dma_wait3A_847 = arith.constant 0 : i32
    %dma_wait3A_848 = tpu.memref_slice %arg10[%dma_wait3A_841, %dma_wait3A_847] : memref<4x128xi32, #tpu.memory_space<vmem>> -> memref<1x128xi32, #tpu.memory_space<vmem>>
    %dma_wait3A_849 = tpu.memref_squeeze %dma_wait3A_848 : memref<1x128xi32, #tpu.memory_space<vmem>> -> memref<128xi32, #tpu.memory_space<vmem>>
    %dma_wait3A_850 = arith.constant 0 : i32
    %dma_wait3A_851 = arith.constant 0 : i32
    %dma_wait3A_852 = tpu.memref_slice %arg5[%dma_wait3A_850, %dma_wait3A_851] : memref<100001x128xf32, #tpu.memory_space<hbm>> -> memref<100001x128xf32, #tpu.memory_space<hbm>>
    tpu.wait_indirect_dma semaphore(%arg17 : memref<!tpu.dma_semaphore, #tpu.memory_space<semaphore_mem>>) src(%dma_wait3A_852 : memref<100001x128xf32, #tpu.memory_space<hbm>>) dst(%dma_wait3A_846 : memref<128x128xf32, #tpu.memory_space<vmem>>)
    %broadcast_in_dim3A_853 = arith.constant 0.000000e+00 : f32
    %broadcast_in_dim3A_854 = vector.broadcast %broadcast_in_dim3A_853 : f32 to vector<16xf32>
    %broadcast_in_dim3A_855 = arith.constant 0.000000e+00 : f32
    %broadcast_in_dim3A_856 = vector.broadcast %broadcast_in_dim3A_855 : f32 to vector<16xf32>
    %broadcast_in_dim3A_857 = arith.constant 0.000000e+00 : f32
    %broadcast_in_dim3A_858 = vector.broadcast %broadcast_in_dim3A_857 : f32 to vector<16xf32>
    %broadcast_in_dim3A_859 = arith.constant 0.000000e+00 : f32
    %broadcast_in_dim3A_860 = vector.broadcast %broadcast_in_dim3A_859 : f32 to vector<16xf32>
    %broadcast_in_dim3A_861 = arith.constant 0.000000e+00 : f32
    %broadcast_in_dim3A_862 = vector.broadcast %broadcast_in_dim3A_861 : f32 to vector<16xf32>
    %broadcast_in_dim3A_863 = arith.constant 0.000000e+00 : f32
    %broadcast_in_dim3A_864 = vector.broadcast %broadcast_in_dim3A_863 : f32 to vector<16xf32>
    %broadcast_in_dim3A_865 = arith.constant 0.000000e+00 : f32
    %broadcast_in_dim3A_866 = vector.broadcast %broadcast_in_dim3A_865 : f32 to vector<16xf32>
    %broadcast_in_dim3A_867 = arith.constant 0.000000e+00 : f32
    %broadcast_in_dim3A_868 = vector.broadcast %broadcast_in_dim3A_867 : f32 to vector<16xf32>
    %scan3A_869 = arith.constant 1 : i32
    %scan3A_870 = arith.constant 1 : i32
    %scan3A_871 = arith.constant 0 : i32
    %scan3A_872 = arith.constant 128 : i32
    %scan3A_873 = arith.addi %scan3A_871, %scan3A_872 : i32
    %scan3A_874 = arith.constant 2 : i32
    %scan3A_875:8 = scf.for %scan3A_976 = %scan3A_871 to %scan3A_873 step %scan3A_874 iter_args(%scan3A_977 = %broadcast_in_dim3A_854, %scan3A_978 = %broadcast_in_dim3A_856, %scan3A_979 = %broadcast_in_dim3A_858, %scan3A_980 = %broadcast_in_dim3A_860, %scan3A_981 = %broadcast_in_dim3A_862, %scan3A_982 = %broadcast_in_dim3A_864, %scan3A_983 = %broadcast_in_dim3A_866, %scan3A_984 = %broadcast_in_dim3A_868) -> (vector<16xf32>, vector<16xf32>, vector<16xf32>, vector<16xf32>, vector<16xf32>, vector<16xf32>, vector<16xf32>, vector<16xf32>)  : i32 {
      %add3A_985 = vector.broadcast %scan3A_976 : i32 to vector<16xi32>
      %add3A_986 = arith.addi %iota3A, %add3A_985 : vector<16xi32>
      %and3A = arith.constant 127 : i32
      %and3A_987 = vector.broadcast %and3A : i32 to vector<16xi32>
      %and3A_988 = arith.andi %add3A_986, %and3A_987 : vector<16xi32>
      %gather3A = arith.constant 0 : i32
      %gather3A_989 = arith.constant 0 : i32
      %gather3A_990 = tpu.memref_slice %arg11[%scan3A_869, %gather3A, %gather3A_989] : memref<2x128x128xf32, #tpu.memory_space<vmem>> -> memref<1x128x128xf32, #tpu.memory_space<vmem>>
      %gather3A_991 = tpu.memref_squeeze %gather3A_990 : memref<1x128x128xf32, #tpu.memory_space<vmem>> -> memref<128x128xf32, #tpu.memory_space<vmem>>
      %gather3A_992 = tpu.vector_load_idx %gather3A_991[%add3A_243, %and3A_988] : memref<128x128xf32, #tpu.memory_space<vmem>>[vector<16xi32>, vector<16xi32>], vector<16xf32>,
      %gather3A_993 = arith.constant 0 : i32
      %gather3A_994 = arith.constant 0 : i32
      %gather3A_995 = tpu.memref_slice %arg12[%scan3A_870, %gather3A_993, %gather3A_994] : memref<2x128x128xf32, #tpu.memory_space<vmem>> -> memref<1x128x128xf32, #tpu.memory_space<vmem>>
      %gather3A_996 = tpu.memref_squeeze %gather3A_995 : memref<1x128x128xf32, #tpu.memory_space<vmem>> -> memref<128x128xf32, #tpu.memory_space<vmem>>
      %gather3A_997 = tpu.vector_load_idx %gather3A_996[%add3A_243, %and3A_988] : memref<128x128xf32, #tpu.memory_space<vmem>>[vector<16xi32>, vector<16xi32>], vector<16xf32>,
      %mul3A_998 = arith.mulf %gather3A_992, %gather3A_997 : vector<16xf32>
      %add3A_999 = arith.addf %scan3A_977, %mul3A_998 : vector<16xf32>
      %gather3A_1000 = arith.constant 0 : i32
      %gather3A_1001 = arith.constant 0 : i32
      %gather3A_1002 = tpu.memref_slice %arg11[%scan3A_869, %gather3A_1000, %gather3A_1001] : memref<2x128x128xf32, #tpu.memory_space<vmem>> -> memref<1x128x128xf32, #tpu.memory_space<vmem>>
      %gather3A_1003 = tpu.memref_squeeze %gather3A_1002 : memref<1x128x128xf32, #tpu.memory_space<vmem>> -> memref<128x128xf32, #tpu.memory_space<vmem>>
      %gather3A_1004 = tpu.vector_load_idx %gather3A_1003[%add3A_246, %and3A_988] : memref<128x128xf32, #tpu.memory_space<vmem>>[vector<16xi32>, vector<16xi32>], vector<16xf32>,
      %gather3A_1005 = arith.constant 0 : i32
      %gather3A_1006 = arith.constant 0 : i32
      %gather3A_1007 = tpu.memref_slice %arg12[%scan3A_870, %gather3A_1005, %gather3A_1006] : memref<2x128x128xf32, #tpu.memory_space<vmem>> -> memref<1x128x128xf32, #tpu.memory_space<vmem>>
      %gather3A_1008 = tpu.memref_squeeze %gather3A_1007 : memref<1x128x128xf32, #tpu.memory_space<vmem>> -> memref<128x128xf32, #tpu.memory_space<vmem>>
      %gather3A_1009 = tpu.vector_load_idx %gather3A_1008[%add3A_246, %and3A_988] : memref<128x128xf32, #tpu.memory_space<vmem>>[vector<16xi32>, vector<16xi32>], vector<16xf32>,
      %mul3A_1010 = arith.mulf %gather3A_1004, %gather3A_1009 : vector<16xf32>
      %add3A_1011 = arith.addf %scan3A_978, %mul3A_1010 : vector<16xf32>
      %gather3A_1012 = arith.constant 0 : i32
      %gather3A_1013 = arith.constant 0 : i32
      %gather3A_1014 = tpu.memref_slice %arg11[%scan3A_869, %gather3A_1012, %gather3A_1013] : memref<2x128x128xf32, #tpu.memory_space<vmem>> -> memref<1x128x128xf32, #tpu.memory_space<vmem>>
      %gather3A_1015 = tpu.memref_squeeze %gather3A_1014 : memref<1x128x128xf32, #tpu.memory_space<vmem>> -> memref<128x128xf32, #tpu.memory_space<vmem>>
      %gather3A_1016 = tpu.vector_load_idx %gather3A_1015[%add3A_249, %and3A_988] : memref<128x128xf32, #tpu.memory_space<vmem>>[vector<16xi32>, vector<16xi32>], vector<16xf32>,
      %gather3A_1017 = arith.constant 0 : i32
      %gather3A_1018 = arith.constant 0 : i32
      %gather3A_1019 = tpu.memref_slice %arg12[%scan3A_870, %gather3A_1017, %gather3A_1018] : memref<2x128x128xf32, #tpu.memory_space<vmem>> -> memref<1x128x128xf32, #tpu.memory_space<vmem>>
      %gather3A_1020 = tpu.memref_squeeze %gather3A_1019 : memref<1x128x128xf32, #tpu.memory_space<vmem>> -> memref<128x128xf32, #tpu.memory_space<vmem>>
      %gather3A_1021 = tpu.vector_load_idx %gather3A_1020[%add3A_249, %and3A_988] : memref<128x128xf32, #tpu.memory_space<vmem>>[vector<16xi32>, vector<16xi32>], vector<16xf32>,
      %mul3A_1022 = arith.mulf %gather3A_1016, %gather3A_1021 : vector<16xf32>
      %add3A_1023 = arith.addf %scan3A_979, %mul3A_1022 : vector<16xf32>
      %gather3A_1024 = arith.constant 0 : i32
      %gather3A_1025 = arith.constant 0 : i32
      %gather3A_1026 = tpu.memref_slice %arg11[%scan3A_869, %gather3A_1024, %gather3A_1025] : memref<2x128x128xf32, #tpu.memory_space<vmem>> -> memref<1x128x128xf32, #tpu.memory_space<vmem>>
      %gather3A_1027 = tpu.memref_squeeze %gather3A_1026 : memref<1x128x128xf32, #tpu.memory_space<vmem>> -> memref<128x128xf32, #tpu.memory_space<vmem>>
      %gather3A_1028 = tpu.vector_load_idx %gather3A_1027[%add3A_252, %and3A_988] : memref<128x128xf32, #tpu.memory_space<vmem>>[vector<16xi32>, vector<16xi32>], vector<16xf32>,
      %gather3A_1029 = arith.constant 0 : i32
      %gather3A_1030 = arith.constant 0 : i32
      %gather3A_1031 = tpu.memref_slice %arg12[%scan3A_870, %gather3A_1029, %gather3A_1030] : memref<2x128x128xf32, #tpu.memory_space<vmem>> -> memref<1x128x128xf32, #tpu.memory_space<vmem>>
      %gather3A_1032 = tpu.memref_squeeze %gather3A_1031 : memref<1x128x128xf32, #tpu.memory_space<vmem>> -> memref<128x128xf32, #tpu.memory_space<vmem>>
      %gather3A_1033 = tpu.vector_load_idx %gather3A_1032[%add3A_252, %and3A_988] : memref<128x128xf32, #tpu.memory_space<vmem>>[vector<16xi32>, vector<16xi32>], vector<16xf32>,
      %mul3A_1034 = arith.mulf %gather3A_1028, %gather3A_1033 : vector<16xf32>
      %add3A_1035 = arith.addf %scan3A_980, %mul3A_1034 : vector<16xf32>
      %gather3A_1036 = arith.constant 0 : i32
      %gather3A_1037 = arith.constant 0 : i32
      %gather3A_1038 = tpu.memref_slice %arg11[%scan3A_869, %gather3A_1036, %gather3A_1037] : memref<2x128x128xf32, #tpu.memory_space<vmem>> -> memref<1x128x128xf32, #tpu.memory_space<vmem>>
      %gather3A_1039 = tpu.memref_squeeze %gather3A_1038 : memref<1x128x128xf32, #tpu.memory_space<vmem>> -> memref<128x128xf32, #tpu.memory_space<vmem>>
      %gather3A_1040 = tpu.vector_load_idx %gather3A_1039[%add3A_255, %and3A_988] : memref<128x128xf32, #tpu.memory_space<vmem>>[vector<16xi32>, vector<16xi32>], vector<16xf32>,
      %gather3A_1041 = arith.constant 0 : i32
      %gather3A_1042 = arith.constant 0 : i32
      %gather3A_1043 = tpu.memref_slice %arg12[%scan3A_870, %gather3A_1041, %gather3A_1042] : memref<2x128x128xf32, #tpu.memory_space<vmem>> -> memref<1x128x128xf32, #tpu.memory_space<vmem>>
      %gather3A_1044 = tpu.memref_squeeze %gather3A_1043 : memref<1x128x128xf32, #tpu.memory_space<vmem>> -> memref<128x128xf32, #tpu.memory_space<vmem>>
      %gather3A_1045 = tpu.vector_load_idx %gather3A_1044[%add3A_255, %and3A_988] : memref<128x128xf32, #tpu.memory_space<vmem>>[vector<16xi32>, vector<16xi32>], vector<16xf32>,
      %mul3A_1046 = arith.mulf %gather3A_1040, %gather3A_1045 : vector<16xf32>
      %add3A_1047 = arith.addf %scan3A_981, %mul3A_1046 : vector<16xf32>
      %gather3A_1048 = arith.constant 0 : i32
      %gather3A_1049 = arith.constant 0 : i32
      %gather3A_1050 = tpu.memref_slice %arg11[%scan3A_869, %gather3A_1048, %gather3A_1049] : memref<2x128x128xf32, #tpu.memory_space<vmem>> -> memref<1x128x128xf32, #tpu.memory_space<vmem>>
      %gather3A_1051 = tpu.memref_squeeze %gather3A_1050 : memref<1x128x128xf32, #tpu.memory_space<vmem>> -> memref<128x128xf32, #tpu.memory_space<vmem>>
      %gather3A_1052 = tpu.vector_load_idx %gather3A_1051[%add3A_258, %and3A_988] : memref<128x128xf32, #tpu.memory_space<vmem>>[vector<16xi32>, vector<16xi32>], vector<16xf32>,
      %gather3A_1053 = arith.constant 0 : i32
      %gather3A_1054 = arith.constant 0 : i32
      %gather3A_1055 = tpu.memref_slice %arg12[%scan3A_870, %gather3A_1053, %gather3A_1054] : memref<2x128x128xf32, #tpu.memory_space<vmem>> -> memref<1x128x128xf32, #tpu.memory_space<vmem>>
      %gather3A_1056 = tpu.memref_squeeze %gather3A_1055 : memref<1x128x128xf32, #tpu.memory_space<vmem>> -> memref<128x128xf32, #tpu.memory_space<vmem>>
      %gather3A_1057 = tpu.vector_load_idx %gather3A_1056[%add3A_258, %and3A_988] : memref<128x128xf32, #tpu.memory_space<vmem>>[vector<16xi32>, vector<16xi32>], vector<16xf32>,
      %mul3A_1058 = arith.mulf %gather3A_1052, %gather3A_1057 : vector<16xf32>
      %add3A_1059 = arith.addf %scan3A_982, %mul3A_1058 : vector<16xf32>
      %gather3A_1060 = arith.constant 0 : i32
      %gather3A_1061 = arith.constant 0 : i32
      %gather3A_1062 = tpu.memref_slice %arg11[%scan3A_869, %gather3A_1060, %gather3A_1061] : memref<2x128x128xf32, #tpu.memory_space<vmem>> -> memref<1x128x128xf32, #tpu.memory_space<vmem>>
      %gather3A_1063 = tpu.memref_squeeze %gather3A_1062 : memref<1x128x128xf32, #tpu.memory_space<vmem>> -> memref<128x128xf32, #tpu.memory_space<vmem>>
      %gather3A_1064 = tpu.vector_load_idx %gather3A_1063[%add3A_261, %and3A_988] : memref<128x128xf32, #tpu.memory_space<vmem>>[vector<16xi32>, vector<16xi32>], vector<16xf32>,
      %gather3A_1065 = arith.constant 0 : i32
      %gather3A_1066 = arith.constant 0 : i32
      %gather3A_1067 = tpu.memref_slice %arg12[%scan3A_870, %gather3A_1065, %gather3A_1066] : memref<2x128x128xf32, #tpu.memory_space<vmem>> -> memref<1x128x128xf32, #tpu.memory_space<vmem>>
      %gather3A_1068 = tpu.memref_squeeze %gather3A_1067 : memref<1x128x128xf32, #tpu.memory_space<vmem>> -> memref<128x128xf32, #tpu.memory_space<vmem>>
      %gather3A_1069 = tpu.vector_load_idx %gather3A_1068[%add3A_261, %and3A_988] : memref<128x128xf32, #tpu.memory_space<vmem>>[vector<16xi32>, vector<16xi32>], vector<16xf32>,
      %mul3A_1070 = arith.mulf %gather3A_1064, %gather3A_1069 : vector<16xf32>
      %add3A_1071 = arith.addf %scan3A_983, %mul3A_1070 : vector<16xf32>
      %gather3A_1072 = arith.constant 0 : i32
      %gather3A_1073 = arith.constant 0 : i32
      %gather3A_1074 = tpu.memref_slice %arg11[%scan3A_869, %gather3A_1072, %gather3A_1073] : memref<2x128x128xf32, #tpu.memory_space<vmem>> -> memref<1x128x128xf32, #tpu.memory_space<vmem>>
      %gather3A_1075 = tpu.memref_squeeze %gather3A_1074 : memref<1x128x128xf32, #tpu.memory_space<vmem>> -> memref<128x128xf32, #tpu.memory_space<vmem>>
      %gather3A_1076 = tpu.vector_load_idx %gather3A_1075[%add3A_264, %and3A_988] : memref<128x128xf32, #tpu.memory_space<vmem>>[vector<16xi32>, vector<16xi32>], vector<16xf32>,
      %gather3A_1077 = arith.constant 0 : i32
      %gather3A_1078 = arith.constant 0 : i32
      %gather3A_1079 = tpu.memref_slice %arg12[%scan3A_870, %gather3A_1077, %gather3A_1078] : memref<2x128x128xf32, #tpu.memory_space<vmem>> -> memref<1x128x128xf32, #tpu.memory_space<vmem>>
      %gather3A_1080 = tpu.memref_squeeze %gather3A_1079 : memref<1x128x128xf32, #tpu.memory_space<vmem>> -> memref<128x128xf32, #tpu.memory_space<vmem>>
      %gather3A_1081 = tpu.vector_load_idx %gather3A_1080[%add3A_264, %and3A_988] : memref<128x128xf32, #tpu.memory_space<vmem>>[vector<16xi32>, vector<16xi32>], vector<16xf32>,
      %mul3A_1082 = arith.mulf %gather3A_1076, %gather3A_1081 : vector<16xf32>
      %add3A_1083 = arith.addf %scan3A_984, %mul3A_1082 : vector<16xf32>
      %scan3A_1084 = arith.constant 1 : i32
      %scan3A_1085 = arith.addi %scan3A_976, %scan3A_1084 : i32
      %add3A_1086 = vector.broadcast %scan3A_1085 : i32 to vector<16xi32>
      %add3A_1087 = arith.addi %iota3A, %add3A_1086 : vector<16xi32>
      %and3A_1088 = arith.constant 127 : i32
      %and3A_1089 = vector.broadcast %and3A_1088 : i32 to vector<16xi32>
      %and3A_1090 = arith.andi %add3A_1087, %and3A_1089 : vector<16xi32>
      %gather3A_1091 = arith.constant 0 : i32
      %gather3A_1092 = arith.constant 0 : i32
      %gather3A_1093 = tpu.memref_slice %arg11[%scan3A_869, %gather3A_1091, %gather3A_1092] : memref<2x128x128xf32, #tpu.memory_space<vmem>> -> memref<1x128x128xf32, #tpu.memory_space<vmem>>
      %gather3A_1094 = tpu.memref_squeeze %gather3A_1093 : memref<1x128x128xf32, #tpu.memory_space<vmem>> -> memref<128x128xf32, #tpu.memory_space<vmem>>
      %gather3A_1095 = tpu.vector_load_idx %gather3A_1094[%add3A_243, %and3A_1090] : memref<128x128xf32, #tpu.memory_space<vmem>>[vector<16xi32>, vector<16xi32>], vector<16xf32>,
      %gather3A_1096 = arith.constant 0 : i32
      %gather3A_1097 = arith.constant 0 : i32
      %gather3A_1098 = tpu.memref_slice %arg12[%scan3A_870, %gather3A_1096, %gather3A_1097] : memref<2x128x128xf32, #tpu.memory_space<vmem>> -> memref<1x128x128xf32, #tpu.memory_space<vmem>>
      %gather3A_1099 = tpu.memref_squeeze %gather3A_1098 : memref<1x128x128xf32, #tpu.memory_space<vmem>> -> memref<128x128xf32, #tpu.memory_space<vmem>>
      %gather3A_1100 = tpu.vector_load_idx %gather3A_1099[%add3A_243, %and3A_1090] : memref<128x128xf32, #tpu.memory_space<vmem>>[vector<16xi32>, vector<16xi32>], vector<16xf32>,
      %mul3A_1101 = arith.mulf %gather3A_1095, %gather3A_1100 : vector<16xf32>
      %add3A_1102 = arith.addf %add3A_999, %mul3A_1101 : vector<16xf32>
      %gather3A_1103 = arith.constant 0 : i32
      %gather3A_1104 = arith.constant 0 : i32
      %gather3A_1105 = tpu.memref_slice %arg11[%scan3A_869, %gather3A_1103, %gather3A_1104] : memref<2x128x128xf32, #tpu.memory_space<vmem>> -> memref<1x128x128xf32, #tpu.memory_space<vmem>>
      %gather3A_1106 = tpu.memref_squeeze %gather3A_1105 : memref<1x128x128xf32, #tpu.memory_space<vmem>> -> memref<128x128xf32, #tpu.memory_space<vmem>>
      %gather3A_1107 = tpu.vector_load_idx %gather3A_1106[%add3A_246, %and3A_1090] : memref<128x128xf32, #tpu.memory_space<vmem>>[vector<16xi32>, vector<16xi32>], vector<16xf32>,
      %gather3A_1108 = arith.constant 0 : i32
      %gather3A_1109 = arith.constant 0 : i32
      %gather3A_1110 = tpu.memref_slice %arg12[%scan3A_870, %gather3A_1108, %gather3A_1109] : memref<2x128x128xf32, #tpu.memory_space<vmem>> -> memref<1x128x128xf32, #tpu.memory_space<vmem>>
      %gather3A_1111 = tpu.memref_squeeze %gather3A_1110 : memref<1x128x128xf32, #tpu.memory_space<vmem>> -> memref<128x128xf32, #tpu.memory_space<vmem>>
      %gather3A_1112 = tpu.vector_load_idx %gather3A_1111[%add3A_246, %and3A_1090] : memref<128x128xf32, #tpu.memory_space<vmem>>[vector<16xi32>, vector<16xi32>], vector<16xf32>,
      %mul3A_1113 = arith.mulf %gather3A_1107, %gather3A_1112 : vector<16xf32>
      %add3A_1114 = arith.addf %add3A_1011, %mul3A_1113 : vector<16xf32>
      %gather3A_1115 = arith.constant 0 : i32
      %gather3A_1116 = arith.constant 0 : i32
      %gather3A_1117 = tpu.memref_slice %arg11[%scan3A_869, %gather3A_1115, %gather3A_1116] : memref<2x128x128xf32, #tpu.memory_space<vmem>> -> memref<1x128x128xf32, #tpu.memory_space<vmem>>
      %gather3A_1118 = tpu.memref_squeeze %gather3A_1117 : memref<1x128x128xf32, #tpu.memory_space<vmem>> -> memref<128x128xf32, #tpu.memory_space<vmem>>
      %gather3A_1119 = tpu.vector_load_idx %gather3A_1118[%add3A_249, %and3A_1090] : memref<128x128xf32, #tpu.memory_space<vmem>>[vector<16xi32>, vector<16xi32>], vector<16xf32>,
      %gather3A_1120 = arith.constant 0 : i32
      %gather3A_1121 = arith.constant 0 : i32
      %gather3A_1122 = tpu.memref_slice %arg12[%scan3A_870, %gather3A_1120, %gather3A_1121] : memref<2x128x128xf32, #tpu.memory_space<vmem>> -> memref<1x128x128xf32, #tpu.memory_space<vmem>>
      %gather3A_1123 = tpu.memref_squeeze %gather3A_1122 : memref<1x128x128xf32, #tpu.memory_space<vmem>> -> memref<128x128xf32, #tpu.memory_space<vmem>>
      %gather3A_1124 = tpu.vector_load_idx %gather3A_1123[%add3A_249, %and3A_1090] : memref<128x128xf32, #tpu.memory_space<vmem>>[vector<16xi32>, vector<16xi32>], vector<16xf32>,
      %mul3A_1125 = arith.mulf %gather3A_1119, %gather3A_1124 : vector<16xf32>
      %add3A_1126 = arith.addf %add3A_1023, %mul3A_1125 : vector<16xf32>
      %gather3A_1127 = arith.constant 0 : i32
      %gather3A_1128 = arith.constant 0 : i32
      %gather3A_1129 = tpu.memref_slice %arg11[%scan3A_869, %gather3A_1127, %gather3A_1128] : memref<2x128x128xf32, #tpu.memory_space<vmem>> -> memref<1x128x128xf32, #tpu.memory_space<vmem>>
      %gather3A_1130 = tpu.memref_squeeze %gather3A_1129 : memref<1x128x128xf32, #tpu.memory_space<vmem>> -> memref<128x128xf32, #tpu.memory_space<vmem>>
      %gather3A_1131 = tpu.vector_load_idx %gather3A_1130[%add3A_252, %and3A_1090] : memref<128x128xf32, #tpu.memory_space<vmem>>[vector<16xi32>, vector<16xi32>], vector<16xf32>,
      %gather3A_1132 = arith.constant 0 : i32
      %gather3A_1133 = arith.constant 0 : i32
      %gather3A_1134 = tpu.memref_slice %arg12[%scan3A_870, %gather3A_1132, %gather3A_1133] : memref<2x128x128xf32, #tpu.memory_space<vmem>> -> memref<1x128x128xf32, #tpu.memory_space<vmem>>
      %gather3A_1135 = tpu.memref_squeeze %gather3A_1134 : memref<1x128x128xf32, #tpu.memory_space<vmem>> -> memref<128x128xf32, #tpu.memory_space<vmem>>
      %gather3A_1136 = tpu.vector_load_idx %gather3A_1135[%add3A_252, %and3A_1090] : memref<128x128xf32, #tpu.memory_space<vmem>>[vector<16xi32>, vector<16xi32>], vector<16xf32>,
      %mul3A_1137 = arith.mulf %gather3A_1131, %gather3A_1136 : vector<16xf32>
      %add3A_1138 = arith.addf %add3A_1035, %mul3A_1137 : vector<16xf32>
      %gather3A_1139 = arith.constant 0 : i32
      %gather3A_1140 = arith.constant 0 : i32
      %gather3A_1141 = tpu.memref_slice %arg11[%scan3A_869, %gather3A_1139, %gather3A_1140] : memref<2x128x128xf32, #tpu.memory_space<vmem>> -> memref<1x128x128xf32, #tpu.memory_space<vmem>>
      %gather3A_1142 = tpu.memref_squeeze %gather3A_1141 : memref<1x128x128xf32, #tpu.memory_space<vmem>> -> memref<128x128xf32, #tpu.memory_space<vmem>>
      %gather3A_1143 = tpu.vector_load_idx %gather3A_1142[%add3A_255, %and3A_1090] : memref<128x128xf32, #tpu.memory_space<vmem>>[vector<16xi32>, vector<16xi32>], vector<16xf32>,
      %gather3A_1144 = arith.constant 0 : i32
      %gather3A_1145 = arith.constant 0 : i32
      %gather3A_1146 = tpu.memref_slice %arg12[%scan3A_870, %gather3A_1144, %gather3A_1145] : memref<2x128x128xf32, #tpu.memory_space<vmem>> -> memref<1x128x128xf32, #tpu.memory_space<vmem>>
      %gather3A_1147 = tpu.memref_squeeze %gather3A_1146 : memref<1x128x128xf32, #tpu.memory_space<vmem>> -> memref<128x128xf32, #tpu.memory_space<vmem>>
      %gather3A_1148 = tpu.vector_load_idx %gather3A_1147[%add3A_255, %and3A_1090] : memref<128x128xf32, #tpu.memory_space<vmem>>[vector<16xi32>, vector<16xi32>], vector<16xf32>,
      %mul3A_1149 = arith.mulf %gather3A_1143, %gather3A_1148 : vector<16xf32>
      %add3A_1150 = arith.addf %add3A_1047, %mul3A_1149 : vector<16xf32>
      %gather3A_1151 = arith.constant 0 : i32
      %gather3A_1152 = arith.constant 0 : i32
      %gather3A_1153 = tpu.memref_slice %arg11[%scan3A_869, %gather3A_1151, %gather3A_1152] : memref<2x128x128xf32, #tpu.memory_space<vmem>> -> memref<1x128x128xf32, #tpu.memory_space<vmem>>
      %gather3A_1154 = tpu.memref_squeeze %gather3A_1153 : memref<1x128x128xf32, #tpu.memory_space<vmem>> -> memref<128x128xf32, #tpu.memory_space<vmem>>
      %gather3A_1155 = tpu.vector_load_idx %gather3A_1154[%add3A_258, %and3A_1090] : memref<128x128xf32, #tpu.memory_space<vmem>>[vector<16xi32>, vector<16xi32>], vector<16xf32>,
      %gather3A_1156 = arith.constant 0 : i32
      %gather3A_1157 = arith.constant 0 : i32
      %gather3A_1158 = tpu.memref_slice %arg12[%scan3A_870, %gather3A_1156, %gather3A_1157] : memref<2x128x128xf32, #tpu.memory_space<vmem>> -> memref<1x128x128xf32, #tpu.memory_space<vmem>>
      %gather3A_1159 = tpu.memref_squeeze %gather3A_1158 : memref<1x128x128xf32, #tpu.memory_space<vmem>> -> memref<128x128xf32, #tpu.memory_space<vmem>>
      %gather3A_1160 = tpu.vector_load_idx %gather3A_1159[%add3A_258, %and3A_1090] : memref<128x128xf32, #tpu.memory_space<vmem>>[vector<16xi32>, vector<16xi32>], vector<16xf32>,
      %mul3A_1161 = arith.mulf %gather3A_1155, %gather3A_1160 : vector<16xf32>
      %add3A_1162 = arith.addf %add3A_1059, %mul3A_1161 : vector<16xf32>
      %gather3A_1163 = arith.constant 0 : i32
      %gather3A_1164 = arith.constant 0 : i32
      %gather3A_1165 = tpu.memref_slice %arg11[%scan3A_869, %gather3A_1163, %gather3A_1164] : memref<2x128x128xf32, #tpu.memory_space<vmem>> -> memref<1x128x128xf32, #tpu.memory_space<vmem>>
      %gather3A_1166 = tpu.memref_squeeze %gather3A_1165 : memref<1x128x128xf32, #tpu.memory_space<vmem>> -> memref<128x128xf32, #tpu.memory_space<vmem>>
      %gather3A_1167 = tpu.vector_load_idx %gather3A_1166[%add3A_261, %and3A_1090] : memref<128x128xf32, #tpu.memory_space<vmem>>[vector<16xi32>, vector<16xi32>], vector<16xf32>,
      %gather3A_1168 = arith.constant 0 : i32
      %gather3A_1169 = arith.constant 0 : i32
      %gather3A_1170 = tpu.memref_slice %arg12[%scan3A_870, %gather3A_1168, %gather3A_1169] : memref<2x128x128xf32, #tpu.memory_space<vmem>> -> memref<1x128x128xf32, #tpu.memory_space<vmem>>
      %gather3A_1171 = tpu.memref_squeeze %gather3A_1170 : memref<1x128x128xf32, #tpu.memory_space<vmem>> -> memref<128x128xf32, #tpu.memory_space<vmem>>
      %gather3A_1172 = tpu.vector_load_idx %gather3A_1171[%add3A_261, %and3A_1090] : memref<128x128xf32, #tpu.memory_space<vmem>>[vector<16xi32>, vector<16xi32>], vector<16xf32>,
      %mul3A_1173 = arith.mulf %gather3A_1167, %gather3A_1172 : vector<16xf32>
      %add3A_1174 = arith.addf %add3A_1071, %mul3A_1173 : vector<16xf32>
      %gather3A_1175 = arith.constant 0 : i32
      %gather3A_1176 = arith.constant 0 : i32
      %gather3A_1177 = tpu.memref_slice %arg11[%scan3A_869, %gather3A_1175, %gather3A_1176] : memref<2x128x128xf32, #tpu.memory_space<vmem>> -> memref<1x128x128xf32, #tpu.memory_space<vmem>>
      %gather3A_1178 = tpu.memref_squeeze %gather3A_1177 : memref<1x128x128xf32, #tpu.memory_space<vmem>> -> memref<128x128xf32, #tpu.memory_space<vmem>>
      %gather3A_1179 = tpu.vector_load_idx %gather3A_1178[%add3A_264, %and3A_1090] : memref<128x128xf32, #tpu.memory_space<vmem>>[vector<16xi32>, vector<16xi32>], vector<16xf32>,
      %gather3A_1180 = arith.constant 0 : i32
      %gather3A_1181 = arith.constant 0 : i32
      %gather3A_1182 = tpu.memref_slice %arg12[%scan3A_870, %gather3A_1180, %gather3A_1181] : memref<2x128x128xf32, #tpu.memory_space<vmem>> -> memref<1x128x128xf32, #tpu.memory_space<vmem>>
      %gather3A_1183 = tpu.memref_squeeze %gather3A_1182 : memref<1x128x128xf32, #tpu.memory_space<vmem>> -> memref<128x128xf32, #tpu.memory_space<vmem>>
      %gather3A_1184 = tpu.vector_load_idx %gather3A_1183[%add3A_264, %and3A_1090] : memref<128x128xf32, #tpu.memory_space<vmem>>[vector<16xi32>, vector<16xi32>], vector<16xf32>,
      %mul3A_1185 = arith.mulf %gather3A_1179, %gather3A_1184 : vector<16xf32>
      %add3A_1186 = arith.addf %add3A_1083, %mul3A_1185 : vector<16xf32>
      scf.yield %add3A_1102, %add3A_1114, %add3A_1126, %add3A_1138, %add3A_1150, %add3A_1162, %add3A_1174, %add3A_1186 : vector<16xf32>, vector<16xf32>, vector<16xf32>, vector<16xf32>, vector<16xf32>, vector<16xf32>, vector<16xf32>, vector<16xf32>
    }
    %scan3A_876 = arith.constant 128 : i32
    %get3A_877 = arith.constant 3 : i32
    %get3A_878 = arith.index_cast %get3A_877 : i32 to index
    %get3A_879 = arith.constant 0 : index
    %get3A_880 = tpu.vector_load %arg13[%get3A_878, %get3A_879] {strides = array<i32>} : memref<4x128xf32, #tpu.memory_space<vmem>>, vector<16xf32>,
    %add3A_881 = arith.addf %scan3A_875#0, %get3A_880 : vector<16xf32>
    %get3A_882 = arith.constant 3 : i32
    %get3A_883 = arith.index_cast %get3A_882 : i32 to index
    %get3A_884 = arith.constant 0 : index
    %get3A_885 = tpu.vector_load %arg14[%get3A_883, %get3A_884] {strides = array<i32>} : memref<4x128xf32, #tpu.memory_space<vmem>>, vector<16xf32>,
    %add3A_886 = arith.addf %add3A_881, %get3A_885 : vector<16xf32>
    %swap3A_887 = arith.constant 0 : index
    %swap3A_888 = tpu.vector_load %arg15[%swap3A_887] {strides = array<i32>} : memref<128xf32, #tpu.memory_space<vmem>>, vector<16xf32>,
    tpu.vector_store %arg15[%swap3A_887], %add3A_886 {strides = array<i32>} : memref<128xf32, #tpu.memory_space<vmem>>, vector<16xf32>,
    %get3A_889 = arith.constant 3 : i32
    %get3A_890 = arith.index_cast %get3A_889 : i32 to index
    %get3A_891 = arith.constant 16 : index
    %get3A_892 = tpu.vector_load %arg13[%get3A_890, %get3A_891] {strides = array<i32>} : memref<4x128xf32, #tpu.memory_space<vmem>>, vector<16xf32>,
    %add3A_893 = arith.addf %scan3A_875#1, %get3A_892 : vector<16xf32>
    %get3A_894 = arith.constant 3 : i32
    %get3A_895 = arith.index_cast %get3A_894 : i32 to index
    %get3A_896 = arith.constant 16 : index
    %get3A_897 = tpu.vector_load %arg14[%get3A_895, %get3A_896] {strides = array<i32>} : memref<4x128xf32, #tpu.memory_space<vmem>>, vector<16xf32>,
    %add3A_898 = arith.addf %add3A_893, %get3A_897 : vector<16xf32>
    %swap3A_899 = arith.constant 16 : index
    %swap3A_900 = tpu.vector_load %arg15[%swap3A_899] {strides = array<i32>} : memref<128xf32, #tpu.memory_space<vmem>>, vector<16xf32>,
    tpu.vector_store %arg15[%swap3A_899], %add3A_898 {strides = array<i32>} : memref<128xf32, #tpu.memory_space<vmem>>, vector<16xf32>,
    %get3A_901 = arith.constant 3 : i32
    %get3A_902 = arith.index_cast %get3A_901 : i32 to index
    %get3A_903 = arith.constant 32 : index
    %get3A_904 = tpu.vector_load %arg13[%get3A_902, %get3A_903] {strides = array<i32>} : memref<4x128xf32, #tpu.memory_space<vmem>>, vector<16xf32>,
    %add3A_905 = arith.addf %scan3A_875#2, %get3A_904 : vector<16xf32>
    %get3A_906 = arith.constant 3 : i32
    %get3A_907 = arith.index_cast %get3A_906 : i32 to index
    %get3A_908 = arith.constant 32 : index
    %get3A_909 = tpu.vector_load %arg14[%get3A_907, %get3A_908] {strides = array<i32>} : memref<4x128xf32, #tpu.memory_space<vmem>>, vector<16xf32>,
    %add3A_910 = arith.addf %add3A_905, %get3A_909 : vector<16xf32>
    %swap3A_911 = arith.constant 32 : index
    %swap3A_912 = tpu.vector_load %arg15[%swap3A_911] {strides = array<i32>} : memref<128xf32, #tpu.memory_space<vmem>>, vector<16xf32>,
    tpu.vector_store %arg15[%swap3A_911], %add3A_910 {strides = array<i32>} : memref<128xf32, #tpu.memory_space<vmem>>, vector<16xf32>,
    %get3A_913 = arith.constant 3 : i32
    %get3A_914 = arith.index_cast %get3A_913 : i32 to index
    %get3A_915 = arith.constant 48 : index
    %get3A_916 = tpu.vector_load %arg13[%get3A_914, %get3A_915] {strides = array<i32>} : memref<4x128xf32, #tpu.memory_space<vmem>>, vector<16xf32>,
    %add3A_917 = arith.addf %scan3A_875#3, %get3A_916 : vector<16xf32>
    %get3A_918 = arith.constant 3 : i32
    %get3A_919 = arith.index_cast %get3A_918 : i32 to index
    %get3A_920 = arith.constant 48 : index
    %get3A_921 = tpu.vector_load %arg14[%get3A_919, %get3A_920] {strides = array<i32>} : memref<4x128xf32, #tpu.memory_space<vmem>>, vector<16xf32>,
    %add3A_922 = arith.addf %add3A_917, %get3A_921 : vector<16xf32>
    %swap3A_923 = arith.constant 48 : index
    %swap3A_924 = tpu.vector_load %arg15[%swap3A_923] {strides = array<i32>} : memref<128xf32, #tpu.memory_space<vmem>>, vector<16xf32>,
    tpu.vector_store %arg15[%swap3A_923], %add3A_922 {strides = array<i32>} : memref<128xf32, #tpu.memory_space<vmem>>, vector<16xf32>,
    %get3A_925 = arith.constant 3 : i32
    %get3A_926 = arith.index_cast %get3A_925 : i32 to index
    %get3A_927 = arith.constant 64 : index
    %get3A_928 = tpu.vector_load %arg13[%get3A_926, %get3A_927] {strides = array<i32>} : memref<4x128xf32, #tpu.memory_space<vmem>>, vector<16xf32>,
    %add3A_929 = arith.addf %scan3A_875#4, %get3A_928 : vector<16xf32>
    %get3A_930 = arith.constant 3 : i32
    %get3A_931 = arith.index_cast %get3A_930 : i32 to index
    %get3A_932 = arith.constant 64 : index
    %get3A_933 = tpu.vector_load %arg14[%get3A_931, %get3A_932] {strides = array<i32>} : memref<4x128xf32, #tpu.memory_space<vmem>>, vector<16xf32>,
    %add3A_934 = arith.addf %add3A_929, %get3A_933 : vector<16xf32>
    %swap3A_935 = arith.constant 64 : index
    %swap3A_936 = tpu.vector_load %arg15[%swap3A_935] {strides = array<i32>} : memref<128xf32, #tpu.memory_space<vmem>>, vector<16xf32>,
    tpu.vector_store %arg15[%swap3A_935], %add3A_934 {strides = array<i32>} : memref<128xf32, #tpu.memory_space<vmem>>, vector<16xf32>,
    %get3A_937 = arith.constant 3 : i32
    %get3A_938 = arith.index_cast %get3A_937 : i32 to index
    %get3A_939 = arith.constant 80 : index
    %get3A_940 = tpu.vector_load %arg13[%get3A_938, %get3A_939] {strides = array<i32>} : memref<4x128xf32, #tpu.memory_space<vmem>>, vector<16xf32>,
    %add3A_941 = arith.addf %scan3A_875#5, %get3A_940 : vector<16xf32>
    %get3A_942 = arith.constant 3 : i32
    %get3A_943 = arith.index_cast %get3A_942 : i32 to index
    %get3A_944 = arith.constant 80 : index
    %get3A_945 = tpu.vector_load %arg14[%get3A_943, %get3A_944] {strides = array<i32>} : memref<4x128xf32, #tpu.memory_space<vmem>>, vector<16xf32>,
    %add3A_946 = arith.addf %add3A_941, %get3A_945 : vector<16xf32>
    %swap3A_947 = arith.constant 80 : index
    %swap3A_948 = tpu.vector_load %arg15[%swap3A_947] {strides = array<i32>} : memref<128xf32, #tpu.memory_space<vmem>>, vector<16xf32>,
    tpu.vector_store %arg15[%swap3A_947], %add3A_946 {strides = array<i32>} : memref<128xf32, #tpu.memory_space<vmem>>, vector<16xf32>,
    %get3A_949 = arith.constant 3 : i32
    %get3A_950 = arith.index_cast %get3A_949 : i32 to index
    %get3A_951 = arith.constant 96 : index
    %get3A_952 = tpu.vector_load %arg13[%get3A_950, %get3A_951] {strides = array<i32>} : memref<4x128xf32, #tpu.memory_space<vmem>>, vector<16xf32>,
    %add3A_953 = arith.addf %scan3A_875#6, %get3A_952 : vector<16xf32>
    %get3A_954 = arith.constant 3 : i32
    %get3A_955 = arith.index_cast %get3A_954 : i32 to index
    %get3A_956 = arith.constant 96 : index
    %get3A_957 = tpu.vector_load %arg14[%get3A_955, %get3A_956] {strides = array<i32>} : memref<4x128xf32, #tpu.memory_space<vmem>>, vector<16xf32>,
    %add3A_958 = arith.addf %add3A_953, %get3A_957 : vector<16xf32>
    %swap3A_959 = arith.constant 96 : index
    %swap3A_960 = tpu.vector_load %arg15[%swap3A_959] {strides = array<i32>} : memref<128xf32, #tpu.memory_space<vmem>>, vector<16xf32>,
    tpu.vector_store %arg15[%swap3A_959], %add3A_958 {strides = array<i32>} : memref<128xf32, #tpu.memory_space<vmem>>, vector<16xf32>,
    %get3A_961 = arith.constant 3 : i32
    %get3A_962 = arith.index_cast %get3A_961 : i32 to index
    %get3A_963 = arith.constant 112 : index
    %get3A_964 = tpu.vector_load %arg13[%get3A_962, %get3A_963] {strides = array<i32>} : memref<4x128xf32, #tpu.memory_space<vmem>>, vector<16xf32>,
    %add3A_965 = arith.addf %scan3A_875#7, %get3A_964 : vector<16xf32>
    %get3A_966 = arith.constant 3 : i32
    %get3A_967 = arith.index_cast %get3A_966 : i32 to index
    %get3A_968 = arith.constant 112 : index
    %get3A_969 = tpu.vector_load %arg14[%get3A_967, %get3A_968] {strides = array<i32>} : memref<4x128xf32, #tpu.memory_space<vmem>>, vector<16xf32>,
    %add3A_970 = arith.addf %add3A_965, %get3A_969 : vector<16xf32>
    %swap3A_971 = arith.constant 112 : index
    %swap3A_972 = tpu.vector_load %arg15[%swap3A_971] {strides = array<i32>} : memref<128xf32, #tpu.memory_space<vmem>>, vector<16xf32>,
    tpu.vector_store %arg15[%swap3A_971], %add3A_970 {strides = array<i32>} : memref<128xf32, #tpu.memory_space<vmem>>, vector<16xf32>,
    %add3A_973 = arith.constant 384 : i32
    %add3A_974 = arith.addi %mul3A_2, %add3A_973 : i32
    %multiple_of3A_975 = tpu.assume_multiple %add3A_974, 128 : i32
    "tpu.region"() ({
      %run_scoped3A = tpu.sem_alloc : memref<!tpu.dma_semaphore, #tpu.memory_space<semaphore_mem>>
      %dma_start3A_976 = tpu.memref_slice %arg8[%multiple_of3A_975] : memref<16384xf32, #tpu.memory_space<hbm>> -> memref<128xf32, #tpu.memory_space<hbm>>
      %dma_start3A_977 = tpu.memref_slice %arg8[%multiple_of3A_975] : memref<16384xf32, #tpu.memory_space<hbm>> -> memref<128xf32, #tpu.memory_space<hbm>>
      tpu.enqueue_dma source(%arg15 : memref<128xf32, #tpu.memory_space<vmem>>) target(%dma_start3A_977 : memref<128xf32, #tpu.memory_space<hbm>>) target_semaphore(%run_scoped3A : memref<!tpu.dma_semaphore, #tpu.memory_space<semaphore_mem>>)
      %dma_wait3A_978 = tpu.memref_slice %arg8[%multiple_of3A_975] : memref<16384xf32, #tpu.memory_space<hbm>> -> memref<128xf32, #tpu.memory_space<hbm>>
      %dma_wait3A_979 = tpu.memref_slice %arg8[%multiple_of3A_975] : memref<16384xf32, #tpu.memory_space<hbm>> -> memref<128xf32, #tpu.memory_space<hbm>>
      tpu.wait_dma2 semaphore(%run_scoped3A : memref<!tpu.dma_semaphore, #tpu.memory_space<semaphore_mem>>) src(%arg15 : memref<128xf32, #tpu.memory_space<vmem>>) dst(%dma_wait3A_979 : memref<128xf32, #tpu.memory_space<hbm>>)
      tpu.yield
    }) : () -> ()
    return
  }
}

</mosaic_0001>

<sc_bundles>
// kernel: kernel.3.cloned.1.call-start
scs
__scs_entry_jumppad:
0x0: {  	(pc) =	sbr.rel $0x88, $3  }
0x1: {  	(tag) =	ssettag $0x0;
	lr =	simm.s32 $0x1  }
0x2: {  	[smem:$0x3F9B] =	sst lr;
	_ =	strace $0xD0000000  }
0x3: {  	_ = 	snop  }
0x4: {  	_ = 	snop  }
0x5: {  	_ = 	snop  }
0x6: {  	_ = 	snop  }
0x7: {  	_ = 	snop  }
__scs_overlays_trampoline_lowered:
0x8: {  	[smem:$0x3FAA] =	sst s0  }
0x9: {  	[smem:$0x3FAB] =	sst s1  }
0xa: {  	[smem:$0x3FAC] =	sst s2  }
0xb: {  	[smem:$0x3FAD] =	sst s3  }
0xc: {  	[smem:$0x3FAE] =	sst s4  }
0xd: {  	[smem:$0x3FAF] =	sst s5  }
0xe: {  	[smem:$0x3FB0] =	sst s6  }
0xf: {  	[smem:$0x3FB1] =	sst s7  }
0x10: {  	[smem:$0x3FB2] =	sst s8  }
0x11: {  	[smem:$0x3FB3] =	sst s9;
	s0 =	simm.s32 @!p0 $0x0  }
0x12: {  	s1 =	sld [smem:$0x3F99];
	s0 =	simm.s32 @p0 $0x1  }
0x13: {  	[smem:$0x3FB4] =	sst s0;
	s0 =	simm.s32 @!p1 $0x0  }
0x14: {  	s2 =	sld [smem:$0x3F98];
	s0 =	simm.s32 @p1 $0x1  }
0x15: {  	[smem:$0x3FB5] =	sst s0;
	s0 =	simm.s32 @!p2 $0x0  }
0x16: {  	s3 =	sld [smem:$0x3FDB];
	s0 =	simm.s32 @p2 $0x1  }
0x17: {  	s4 =	simm.s32 $0x1BF5;
	[smem:$0x3FB7] =	sst s0  }
0x18: {  	s0 =	sld [smem:$0x3F9A];
	_ =	swait.ge [sflag:s4], $0x0  }
0x19: {  	s7 =	sld [smem:$0x3F9B]  }
0x1a: {  	s8 =	sadd.s32 $0xFFFFE003, lr  }
0x1b: {  	s9 =	sadd.s32 $0xFFFFFEF7, lr;
	s5 =	simm.s32 $0xFFFFFFFF;
	p2 =	slt.u32 s8, $0xFFFFF086  }
0x1c: {  	p1 =	slt.u32 s9, $0xF7A;
	s5 =	simm.s32 @!p2 $0x0  }
0x1d: {  	s5 =	simm.s32 @p1 $0x1;
	p0 =	seq.s32 s7, s2  }
0x1e: {  	s7 =	smul.u32 @!p0 $0xF7A, s2;
	p2 =	seq.s32 @!p0 s5, $0x0  }
0x1f: {  	s9 =	smul.u32 $0xF7A, s1;
	s8 =	simm.s32 @!p0 $0x1BF5;
	p2 =	por !p2, p0  }
0x20: {  	[sflag:s8] =	ssyncset.s32 @!p0 $0xFFFFF086;
	s6 =	sadd.s32 @!p0 s3, s7;
	s7 =	simm.s32 @!p0 $0x108  }
0x21: {  	s3 =	sadd.s32 s3, s9;
	s6 =	sadd.s32 @!p0 $0x88, s6;
	s7 =	simm.s32 @p2 $0x1082  }
0x22: {  	[simem:s7], [sflag:s8] =	dma.local @!p0 [hbm:s6], $0xF7A  }
0x23: {  	s9 =	sor.u32 $0xD0000000, s2;
	s6 =	simm.s32 $0x108;
	_ =	swait.ge @!p0 [sflag:s8], $0x0  }
0x24: {  	s3 =	sadd.s32 $0x88, s3;
	s6 =	simm.s32 @!p1 $0x1082;
	[sflag:s4] =	ssyncset.s32 $0xFFFFF086  }
0x25: {  	[simem:s6], [sflag:s4] =	dma.local [hbm:s3], $0xF7A  }
0x26: {  	[smem:$0x3F9B] =	sst s1;
	(tag) =	ssettag s2;
	_ =	strace s9  }
0x27: {  	s1 =	sld [smem:$0x3FAB]  }
0x28: {  	s2 =	sld [smem:$0x3FAC]  }
0x29: {  	s4 =	sld [smem:$0x3FAE]  }
0x2a: {  	p0 =	seq.s32 s5, $0x0;
	s5 =	sld [smem:$0x3FAF]  }
0x2b: {  	s6 =	sld [smem:$0x3FB0]  }
0x2c: {  	s7 =	sld [smem:$0x3FB1]  }
0x2d: {  	s3 =	simm.s32 $0x108;
	s8 =	sld [smem:$0x3FB2]  }
0x2e: {  	s3 =	simm.s32 @!p0 $0x1082;
	s9 =	sld [smem:$0x3FB3]  }
0x2f: {  	lr =	sadd.s32 s0, s3;
	s0 =	sld [smem:$0x3FAA]  }
0x30: {  	s3 =	sld [smem:$0x3FAD]  }
0x31: {  	[smem:$0x3FB6] =	sst s10  }
0x32: {  	s10 =	sld [smem:$0x3FB4];
	_ =	sdelay $0x3  }
0x33: {  	p0 =	seq.s32 s10, $0x1;
	s10 =	sld [smem:$0x3FB6];
	_ =	sdelay $0x3  }
0x34: {  	[smem:$0x3FB6] =	sst s10  }
0x35: {  	s10 =	sld [smem:$0x3FB5];
	_ =	sdelay $0x3  }
0x36: {  	p1 =	seq.s32 s10, $0x1;
	s10 =	sld [smem:$0x3FB6];
	_ =	sdelay $0x3  }
0x37: {  	[smem:$0x3FB6] =	sst s10  }
0x38: {  	s10 =	sld [smem:$0x3FB7]  }
0x39: {  	_ = 	snop;
	(pc) =	sbr.ind lr, $3  }
0x3a: {  	_ = 	snop  }
0x3b: {  	_ = 	snop  }
0x3c: {  	p2 =	seq.s32 s10, $0x1;
	s10 =	sld [smem:$0x3FB6]  }
0x3d: {  	_ =	shalt  }
0x3e: {  	_ =	shalt  }
0x3f: {  	_ =	shalt  }
0x40: {  	_ =	shalt  }
0x41: {  	_ =	shalt  }
0x42: {  	_ =	shalt  }
0x43: {  	_ =	shalt  }
0x44: {  	_ =	shalt  }
0x45: {  	_ =	shalt  }
0x46: {  	_ =	shalt  }
0x47: {  	_ =	shalt  }
0x48: {  	_ =	shalt  }
0x49: {  	_ =	shalt  }
0x4a: {  	_ =	shalt  }
0x4b: {  	_ =	shalt  }
0x4c: {  	_ =	shalt  }
0x4d: {  	_ =	shalt  }
0x4e: {  	_ =	shalt  }
0x4f: {  	_ =	shalt  }
0x50: {  	_ =	shalt  }
0x51: {  	_ =	shalt  }
0x52: {  	_ =	shalt  }
0x53: {  	_ =	shalt  }
0x54: {  	_ =	shalt  }
0x55: {  	_ =	shalt  }
0x56: {  	_ =	shalt  }
0x57: {  	_ =	shalt  }
0x58: {  	_ =	shalt  }
0x59: {  	_ =	shalt  }
0x5a: {  	_ =	shalt  }
0x5b: {  	_ =	shalt  }
0x5c: {  	_ =	shalt  }
0x5d: {  	_ =	shalt  }
0x5e: {  	_ =	shalt  }
0x5f: {  	_ =	shalt  }
0x60: {  	_ =	shalt  }
0x61: {  	_ =	shalt  }
0x62: {  	_ =	shalt  }
0x63: {  	_ =	shalt  }
0x64: {  	_ =	shalt  }
0x65: {  	_ =	shalt  }
0x66: {  	_ =	shalt  }
0x67: {  	_ =	shalt  }
0x68: {  	_ =	shalt  }
0x69: {  	_ =	shalt  }
0x6a: {  	_ =	shalt  }
0x6b: {  	_ =	shalt  }
0x6c: {  	_ =	shalt  }
0x6d: {  	_ =	shalt  }
0x6e: {  	_ =	shalt  }
0x6f: {  	_ =	shalt  }
0x70: {  	_ =	shalt  }
0x71: {  	_ =	shalt  }
0x72: {  	_ =	shalt  }
0x73: {  	_ =	shalt  }
0x74: {  	_ =	shalt  }
0x75: {  	_ =	shalt  }
0x76: {  	_ =	shalt  }
0x77: {  	_ =	shalt  }
0x78: {  	_ =	shalt  }
0x79: {  	_ =	shalt  }
0x7a: {  	_ =	shalt  }
0x7b: {  	_ =	shalt  }
0x7c: {  	_ =	shalt  }
0x7d: {  	_ =	shalt  }
0x7e: {  	_ =	shalt  }
0x7f: {  	_ =	shalt  }
0x80: {  	_ =	shalt  }
0x81: {  	_ =	shalt  }
0x82: {  	_ =	shalt  }
0x83: {  	_ =	shalt  }
0x84: {  	_ =	shalt  }
0x85: {  	_ =	shalt  }
0x86: {  	_ =	shalt  }
0x87: {  	_ =	shalt  }
.Lfunc_end0:
.L_simem_size_0:
called_computation_lowered:
.L_overlay_start_0:
0x88: {  	s2 =	sld [smem:$0x3FD9]  }
0x89: {  	s3 =	sld [smem:$0x3FFE];
	_ =	sdelay $0x1  }
0x8a: {  	s1 =	srdreg.scid  }
0x8b: {  	s0 =	sand.u32 $0x1, s1  }
0x8c: {  	s17 =	sshll.u32 s0, $0xA;
	s2 =	sadd.s32 s3, s2  }
0x8d: {  	s2 =	sadd.s32 s2, s17  }
0x8e: {  	[smem:$0x3FC2] =	sst s2  }
0x8f: {  	_ = 	snop  }
0x90: {  	s2 =	sld [smem:$0x3FC9]  }
0x91: {  	s18 =	sld [smem:$0x3FC8]  }
0x92: {  	s4 =	sld [smem:$0x3FC7]  }
0x93: {  	s5 =	sld [smem:$0x3FC6]  }
0x94: {  	s6 =	sld [smem:$0x3FD0];
	(tm) =	ssettm $0x1  }
0x95: {  	s7 =	sld [smem:$0x3FFB];
	_ =	sdelay $0x3  }
0x96: {  	_ =	strace s7  }
0x97: {  	s7 =	sld [smem:$0x3FFC];
	_ =	sdelay $0x3  }
0x98: {  	_ =	strace s7  }
0x99: {  	s7 =	sld [smem:$0x3FFD];
	_ =	sdelay $0x3  }
0x9a: {  	_ =	strace s7  }
0x9b: {  	_ =	strace $0x8FFFFFFF  }
0x9c: {  	s19 =	sld [smem:$0x3FDB];
	_ =	sdelay $0x1  }
0x9d: {  	s8 =	simm.s32 $_scs_section_size  }
0x9e: {  	s9 =	simm.s32 $_size__tile_overlayer_lowered;
	s10 =	simm.s32 $_tile_overlayer_lowered  }
0x9f: {  	s22 =	simm.s32 $0x1BFF;
	s21 =	sshll.u32 s10, $0x1;
	s7 =	sadd.s32 s8, s19  }
0xa0: {  	s11 =	simm.s32 $0x0;
	s20 =	sshll.u32 s9, $0x1;
	s9 =	sadd.s32 s21, s7  }
0xa1: {  	[timem:s11], [sflag:s22] =	dma.local [hbm:s9], s20  }
0xa2: {  	_ =	swait.ge [sflag:s22], s20  }
0xa3: {  	s8 =	ssub.s32 $0x0, s20;
	[sflag:s22] =	ssyncset.done $0x0  }
0xa4: {  	[sflag:s22] =	ssyncadd.s32 s8;
	_ =	sdelay $0x1  }
0xa5: {  	s23 =	simm.s32 $0x1B8B  }
0xa6: {  	_ =	swait.ge [sflag:s23], $0x1  }
0xa7: {  	[sflag:s23] =	ssyncset.done $0x0  }
0xa8: {  	s25 =	simm.s32 $0x1B8E;
	s24 =	sld [smem:$0x3FFE];
	[sflag:s23] =	ssyncadd.s32 $0xFFFFFFFF  }
0xa9: {  	s26 =	simm.s32 $execute0_lowered;
	[smem:$0x3FD2] =	sst s25  }
0xaa: {  	s9 =	sshll.u32 s26, $0x1;
	_ =	strace $0x80000046;
	[dreg:$0x1] =	wrdreg $0xFFFFFFFF  }
0xab: {  	s28 =	simm.s32 $_size_execute0_lowered;
	s7 =	sadd.s32 s7, s9;
	[dreg:$0x0] =	wrdreg $0x0  }
0xac: {  	s9 =	sshll.u32 s28, $0x1;
	[dreg:$0x2] =	wrdreg s7  }
0xad: {  	[dreg:$0x3] =	wrdreg s9  }
0xae: {  	[dreg:$0x4] =	wrdreg $0xC0  }
0xaf: {  	_ =	task [dreg:s11], $0x5FFFF  }
0xb0: {  	[dreg:$0x1] =	wrdreg $0xFFFFFFFF  }
0xb1: {  	[dreg:$0x0] =	wrdreg $0x60  }
0xb2: {  	[dreg:$0x2] =	wrdreg s2  }
0xb3: {  	[dreg:$0x3] =	wrdreg s18  }
0xb4: {  	[dreg:$0x4] =	wrdreg s4  }
0xb5: {  	[dreg:$0x5] =	wrdreg s5  }
0xb6: {  	[dreg:$0x6] =	wrdreg s24  }
0xb7: {  	[dreg:$0x7] =	wrdreg s6  }
0xb8: {  	[dreg:$0x8] =	wrdreg $0x9  }
0xb9: {  	_ =	task.clear_ibuf [dreg:s11], $0x9FFFF;
	_ =	strace $0x90000046  }
0xba: {  	s29 =	simm.s32 $0x9;
	_ =	strace $0x80000048  }
0xbb: {  	_ =	swait.ge [sflag:s29], $0x1  }
0xbc: {  	[sflag:s29] =	ssyncadd.s32 $0xFFFFFFFF  }
0xbd: {  	_ =	strace $0x90000048  }
0xbe: {  	_ =	sfence  }
0xbf: {  	s30 =	sld [smem:$0x0];
	_ =	sdelay $0x2  }
0xc0: {  	s31 =	sshll.u32 s1, $0xD;
	s1 =	sshrl.u32 s1, $0x2  }
0xc1: {  	s3 =	sand.u32 $0x4000, s31;
	s1 =	sadd.s32 s1, s30  }
0xc2: {  	s0 =	sor.u32 s3, s0;
	s1 =	sshll.u32 s1, $0x11  }
0xc3: {  	s0 =	sor.u32 s1, s0  }
0xc4: {  	s0 =	sadd.s32 $0x8F2B, s0  }
0xc5: {  	[sflag:s0] =	ssyncadd.remote.s32 $0x1  }
0xc6: {  	_ =	sfence.sel $0xFFFF  }
0xc7: {  	[dreg:$0x0] =	wrdreg $0xFFFFFFFF;
	(pc) =	sbr.abs _section_cstart, $3  }
0xc8: {  	[dreg:$0x1] =	wrdreg $0xFFFFFFFF  }
0xc9: {  	_ =	task.clear_ibuf [dreg:s11], $0x2FFFF;
	_ =	strace $0x9FFFFFFF  }
0xca: {  	(tm) =	ssettm $0x7FFFFFFF  }
0xcb: {  	_ =	shalt  }
tec
execute0_lowered:
.L_overlay_start_1:
0x0: {  	(tag) =	ssettag $0x1  }
0x1: {  	s0 =	rddreg [dreg:$0x0]  }
0x2: {  	s5 =	rddreg [dreg:$0x1]  }
0x3: {  	s1 =	rddreg [dreg:$0x2]  }
0x4: {  	s2 =	rddreg [dreg:$0x3]  }
0x5: {  	s3 =	rddreg [dreg:$0x4]  }
0x6: {  	s7 =	rddreg [dreg:$0x5];
	s4 =	simm.s32 $0x0;
	s6 =	srdreg.scid  }
0x7: {  	s10 =	stileid.u32;
	s16 =	simm.s32 $0x200;
	s17 =	simm.s32 $0x4  }
0x8: {  	s18 =	simm.s32 $0x80;
	s19 =	simm.s32 $0x400;
	s20 =	simm.s32 $0x8400  }
0x9: {  	s21 =	simm.s32 $0x280;
	s22 =	simm.s32 $0x4400;
	s23 =	simm.s32 $0xC400  }
0xa: {  	s29 =	simm.s32 $0x100;
	s31 =	simm.s32 $0x300;
	s28 =	simm.s32 $0x1  }
0xb: {  	s30 =	simm.s32 $0x3;
	s24 =	simm.s32 $0x5;
	s6 =	sand.u32 $0x1, s6  }
0xc: {  	[smem:$0x7FF] =	sst s4;
	s10 =	sshll.u32 s10, $0x7;
	s11 =	sshll.u32 s6, $0x6  }
0xd: {  	_ =	strace $0x80000047;
	s8 =	ssub.s32 $0x2, s6;
	s11 =	sor.u32 s11, s10  }
0xe: {  	s6 =	sadd.s32 $0x3200, s3;
	s9 =	sshrl.u32 s8, $0x1;
	s25 =	sadd.s32 s0, s11  }
0xf: {  	v0 =	vlaneseq.u32;
	s8 =	ssub.s32 s8, s9;
	s26 =	sadd.s32 s5, s11;
	[dreg:$0x7] =	wrdreg s25  }
0x10: {  	v1 =	vmul.u32 $0x80, v0;
	s12 =	sor.u32 $0x10, s11;
	s11 =	sadd.s32 s7, s11;
	[dreg:$0x8] =	wrdreg s26  }
0x11: {  	s0 =	sadd.s32 s0, s12;
	s10 =	sadd.s32 s5, s12;
	s12 =	sadd.s32 s7, s12  }
0x12: {  	v2 =	vor.u32 $0x800, v1;
	s13 =	sadd.s32 $0x20, s11;
	s14 =	sadd.s32 $0x30, s11;
	s15 =	smax.u32 s8, $0x1  }
0x13: {  	v3 =	vor.u32 $0x1000, v1;
	v4 =	vor.u32 $0x1800, v1;
	v5 =	vor.u32 $0x2000, v1;
	s5 =	simm.s32 $0x180;
	s25 =	simm.s32 $0x380;
	s26 =	simm.s32 $0x2  }
0x14: {  	v6 =	vor.u32 $0x2800, v1;
	v7 =	vor.u32 $0x3000, v1;
	v8 =	vor.u32 $0x3800, v1;
	s7 =	simm.s32 $0x0;
	[dreg:$0x9] =	wrdreg s0;
	s0 =	simm.s32 $0x10800  }
.LBB2_1:
0x15: {  	s8 =	rddreg [dreg:$0x7]  }
0x16: {  	[tilespmem:s4], [sflag:$0x4] =	stream.linear.gather [hbm4b:s8+s4], $0x80, $0x38;
	[tilespmem:$0x10880] =	vst v63  }
0x17: {  	s9 =	rddreg [dreg:$0x8]  }
0x18: {  	[tilespmem:s16], [sflag:$0x4] =	stream.linear.gather [hbm4b:s9+s4], $0x80, $0x38;
	[tilespmem:$0x10880] =	vst v63  }
0x19: {  	_ =	swait.ge [sflag:s17], $0x80  }
0x1a: {  	[sflag:s17] =	ssyncset.done $0x0  }
0x1b: {  	[sflag:s17] =	ssyncadd.s32 $0xFFFFFF80  }
0x1c: {  	_ =	swait.ge [sflag:s17], $0x80  }
0x1d: {  	[sflag:s17] =	ssyncset.done $0x0  }
0x1e: {  	[sflag:s17] =	ssyncadd.s32 $0xFFFFFF80  }
0x1f: {  	[tilespmem:s19], [sflag:$0x1] =	stream.indirect.gather [hbm4b:s1+s18], $0x80, s4, s18, $0xb8;
	[tilespmem:$0x10880] =	vst v63  }
0x20: {  	_ = 	snop  }
0x21: {  	[tilespmem:s20], [sflag:$0x1] =	stream.indirect.gather [hbm4b:s2+s18], $0x80, s16, s18, $0xb8;
	[tilespmem:$0x10880] =	vst v63  }
0x22: {  	s9 =	rddreg [dreg:$0x9]  }
0x23: {  	[tilespmem:s18], [sflag:$0x4] =	stream.linear.gather [hbm4b:s9+s4], $0x180, $0x38;
	[tilespmem:$0x10880] =	vst v63  }
0x24: {  	_ = 	snop  }
0x25: {  	[tilespmem:s21], [sflag:$0x4] =	stream.linear.gather [hbm4b:s10+s4], $0x180, $0x38;
	[tilespmem:$0x10880] =	vst v63  }
0x26: {  	_ =	swait.ge [sflag:s17], $0x180  }
0x27: {  	[sflag:s17] =	ssyncset.done $0x0  }
0x28: {  	[sflag:s17] =	ssyncadd.s32 $0xFFFFFE80  }
0x29: {  	_ =	swait.ge [sflag:s17], $0x180  }
0x2a: {  	[sflag:s17] =	ssyncset.done $0x0  }
0x2b: {  	[sflag:s17] =	ssyncadd.s32 $0xFFFFFE80  }
0x2c: {  	[tilespmem:s22], [sflag:$0x2] =	stream.indirect.gather [hbm4b:s1+s18], $0x80, s18, s18, $0xb8;
	[tilespmem:$0x10880] =	vst v63  }
0x2d: {  	_ = 	snop  }
0x2e: {  	[tilespmem:s23], [sflag:$0x2] =	stream.indirect.gather [hbm4b:s2+s18], $0x80, s21, s18, $0xb8;
	[tilespmem:$0x10880] =	vst v63  }
0x2f: {  	s9 =	simm.s32 $0x10400  }
0x30: {  	[tilespmem:s9], [sflag:$0x3] =	stream.indirect.gather [hbm4b:s3+s18], $0x1, s4, s18, $0xb8;
	[tilespmem:$0x10880] =	vst v63  }
0x31: {  	s9 =	simm.s32 $0x10600  }
0x32: {  	[tilespmem:s9], [sflag:$0x3] =	stream.indirect.gather [hbm4b:s6+s18], $0x1, s16, s18, $0xb8;
	[tilespmem:$0x10880] =	vst v63  }
0x33: {  	s9 =	simm.s32 $0x10480  }
0x34: {  	[tilespmem:s9], [sflag:$0x3] =	stream.indirect.gather [hbm4b:s3+s18], $0x1, s18, s18, $0xb8;
	[tilespmem:$0x10880] =	vst v63  }
0x35: {  	s9 =	simm.s32 $0x10680  }
0x36: {  	[tilespmem:s9], [sflag:$0x3] =	stream.indirect.gather [hbm4b:s6+s18], $0x1, s21, s18, $0xb8;
	[tilespmem:$0x10880] =	vst v63  }
0x37: {  	s9 =	simm.s32 $0x10500  }
0x38: {  	[tilespmem:s9], [sflag:$0x3] =	stream.indirect.gather [hbm4b:s3+s18], $0x1, s29, s18, $0xb8;
	[tilespmem:$0x10880] =	vst v63  }
0x39: {  	s9 =	simm.s32 $0x10700  }
0x3a: {  	[tilespmem:s9], [sflag:$0x3] =	stream.indirect.gather [hbm4b:s6+s18], $0x1, s31, s18, $0xb8;
	[tilespmem:$0x10880] =	vst v63  }
0x3b: {  	s9 =	simm.s32 $0x10580  }
0x3c: {  	[tilespmem:s9], [sflag:$0x3] =	stream.indirect.gather [hbm4b:s3+s18], $0x1, s5, s18, $0xb8;
	[tilespmem:$0x10880] =	vst v63  }
0x3d: {  	s9 =	simm.s32 $0x10780  }
0x3e: {  	v9 =	vadd.s32 s4, v0;
	[tilespmem:s9], [sflag:$0x3] =	stream.indirect.gather [hbm4b:s6+s18], $0x1, s25, s18, $0xb8;
	[tilespmem:$0x10880] =	vst v63  }
0x3f: {  	v9 =	vand.u32 $0x7F, v9;
	_ =	swait.ge [sflag:s28], $0x4000  }
0x40: {  	v10 =	vor.u32 v1, v9;
	[sflag:s28] =	ssyncset.done $0x0  }
0x41: {  	[sflag:s28] =	ssyncadd.s32 $0xFFFFC000  }
0x42: {  	v11 =	vor.u32 v2, v9;
	_ =	swait.ge [sflag:s28], $0x4000  }
0x43: {  	[sflag:s28] =	ssyncset.done $0x0  }
0x44: {  	v12 =	vor.u32 v3, v9;
	[sflag:s28] =	ssyncadd.s32 $0xFFFFC000  }
0x45: {  	v13 =	vld.idx.msk [tilespmem:v10+s19+$0x0], $0xffff  }
0x46: {  	v14 =	vor.u32 v4, v9;
	v17 =	vld.idx.msk [tilespmem:v10+s20+$0x0], $0xffff  }
0x47: {  	v19 =	vld.idx.msk [tilespmem:v11+s19+$0x0], $0xffff  }
0x48: {  	v10 =	vor.u32 v5, v9;
	v20 =	vld.idx.msk [tilespmem:v11+s20+$0x0], $0xffff  }
0x49: {  	v21 =	vld.idx.msk [tilespmem:v12+s19+$0x0], $0xffff  }
0x4a: {  	v11 =	vor.u32 v6, v9;
	v22 =	vld.idx.msk [tilespmem:v12+s20+$0x0], $0xffff  }
0x4b: {  	v23 =	vld.idx.msk [tilespmem:v14+s19+$0x0], $0xffff  }
0x4c: {  	v24 =	vld.idx.msk [tilespmem:v14+s20+$0x0], $0xffff;
	v12 =	vor.u32 v7, v9  }
0x4d: {  	s9 =	simm.s32 $0x1;
	v25 =	vld.idx.msk [tilespmem:v10+s19+$0x0], $0xffff  }
0x4e: {  	v9 =	vor.u32 v8, v9;
	v26 =	vld.idx.msk [tilespmem:v10+s20+$0x0], $0xffff;
	v10 =	vadd.s32 s9, v0  }
0x4f: {  	v28 =	vld.idx.msk [tilespmem:v11+s19+$0x0], $0xffff;
	v40 =	vand.u32 $0x7F, v10  }
0x50: {  	v30 =	vld.idx.msk [tilespmem:v11+s20+$0x0], $0xffff;
	v10 =	vor.u32 v1, v40  }
0x51: {  	v31 =	vld.idx.msk [tilespmem:v12+s19+$0x0], $0xffff  }
0x52: {  	v32 =	vld.idx.msk [tilespmem:v12+s20+$0x0], $0xffff;
	v11 =	vor.u32 v2, v40  }
0x53: {  	v27 =	vld.idx.msk [tilespmem:v9+s19+$0x0], $0xffff  }
0x54: {  	v29 =	vld.idx.msk [tilespmem:v9+s20+$0x0], $0xffff;
	v9 =	vor.u32 v3, v40  }
0x55: {  	v33 =	vld.idx.msk [tilespmem:v10+s19+$0x0], $0xffff  }
0x56: {  	v43 =	vor.u32 v4, v40;
	v34 =	vld.idx.msk [tilespmem:v10+s20+$0x0], $0xffff  }
0x57: {  	v36 =	vld.idx.msk [tilespmem:v11+s19+$0x0], $0xffff  }
0x58: {  	v42 =	vor.u32 v5, v40;
	v38 =	vld.idx.msk [tilespmem:v11+s20+$0x0], $0xffff  }
0x59: {  	v18 =	vimm.f32 $0.0e+00;
	v15 =	vimm.f32 $0.0e+00;
	v16 =	vimm.f32 $0.0e+00;
	v35 =	vld.idx.msk [tilespmem:v9+s19+$0x0], $0xffff  }
0x5a: {  	v14 =	vimm.f32 $0.0e+00;
	v12 =	vimm.f32 $0.0e+00;
	v41 =	vor.u32 v6, v40;
	v39 =	vld.idx.msk [tilespmem:v9+s20+$0x0], $0xffff  }
0x5b: {  	s8 =	simm.s32 $0x2;
	v9 =	vimm.f32 $0.0e+00;
	v37 =	vld.idx.msk [tilespmem:v43+s19+$0x0], $0xffff;
	v10 =	vimm.f32 $0.0e+00;
	v11 =	vimm.f32 $0.0e+00  }
.LBB2_2:
0x5c: {  	p0 =	slt.u32 s8, $0x7E;
	v43 =	vld.idx.msk [tilespmem:v43+s20+$0x0], $0xffff;
	v44 =	vor.u32 v7, v40  }
0x5d: {  	v45 =	vadd.s32 s8, v0;
	v46 =	vld.idx.msk [tilespmem:v42+s19+$0x0], $0xffff  }
0x5e: {  	v40 =	vor.u32 v8, v40;
	v45 =	vand.u32 $0x7F, v45;
	v42 =	vld.idx.msk [tilespmem:v42+s20+$0x0], $0xffff  }
0x5f: {  	v47 =	vor.u32 v1, v45;
	v48 =	vld.idx.msk [tilespmem:v41+s19+$0x0], $0xffff  }
0x60: {  	v17 =	vmul.f32 v17, v13;
	v19 =	vmul.f32 v20, v19;
	v49 =	vor.u32 v2, v45;
	v41 =	vld.idx.msk [tilespmem:v41+s20+$0x0], $0xffff  }
0x61: {  	v20 =	vmul.f32 v22, v21;
	v21 =	vmul.f32 v24, v23;
	v50 =	vor.u32 v3, v45;
	v22 =	vld.idx.msk [tilespmem:v44+s19+$0x0], $0xffff  }
0x62: {  	v23 =	vmul.f32 v26, v25;
	v25 =	vmul.f32 v30, v28;
	v24 =	vor.u32 v4, v45;
	v26 =	vld.idx.msk [tilespmem:v44+s20+$0x0], $0xffff  }
0x63: {  	v30 =	vmul.f32 v32, v31;
	v27 =	vmul.f32 v29, v27;
	v28 =	vor.u32 v5, v45;
	v29 =	vld.idx.msk [tilespmem:v40+s19+$0x0], $0xffff  }
0x64: {  	v32 =	vmul.f32 v34, v33;
	v33 =	vmul.f32 v38, v36;
	v31 =	vor.u32 v6, v45;
	v34 =	vld.idx.msk [tilespmem:v40+s20+$0x0], $0xffff  }
0x65: {  	v14 =	vadd.f32 v17, v14;
	v18 =	vadd.f32 v19, v18;
	v35 =	vmul.f32 v39, v35;
	v13 =	vld.idx.msk [tilespmem:v47+s19+$0x0], $0xffff  }
0x66: {  	v15 =	vadd.f32 v20, v15;
	v16 =	vadd.f32 v21, v16;
	v21 =	vmul.f32 v43, v37;
	v17 =	vld.idx.msk [tilespmem:v47+s20+$0x0], $0xffff  }
0x67: {  	v14 =	vadd.f32 v32, v14;
	v18 =	vadd.f32 v33, v18;
	v32 =	vmul.f32 v42, v46;
	v19 =	vld.idx.msk [tilespmem:v49+s19+$0x0], $0xffff  }
0x68: {  	v15 =	vadd.f32 v35, v15;
	v16 =	vadd.f32 v21, v16;
	v33 =	vmul.f32 v41, v48;
	v20 =	vld.idx.msk [tilespmem:v49+s20+$0x0], $0xffff  }
0x69: {  	v9 =	vadd.f32 v23, v9;
	v12 =	vadd.f32 v25, v12;
	v25 =	vmul.f32 v26, v22;
	v21 =	vld.idx.msk [tilespmem:v50+s19+$0x0], $0xffff  }
0x6a: {  	v10 =	vadd.f32 v30, v10;
	v11 =	vadd.f32 v27, v11;
	v26 =	vmul.f32 v34, v29;
	v22 =	vld.idx.msk [tilespmem:v50+s20+$0x0], $0xffff  }
0x6b: {  	v9 =	vadd.f32 v32, v9;
	v12 =	vadd.f32 v33, v12;
	v23 =	vld.idx.msk [tilespmem:v24+s19+$0x0], $0xffff  }
0x6c: {  	v27 =	vor.u32 v7, v45;
	v10 =	vadd.f32 v25, v10;
	v11 =	vadd.f32 v26, v11;
	v24 =	vld.idx.msk [tilespmem:v24+s20+$0x0], $0xffff  }
0x6d: {  	s9 =	sadd.s32 $0x1, s8;
	v25 =	vld.idx.msk [tilespmem:v28+s19+$0x0], $0xffff  }
0x6e: {  	v30 =	vadd.s32 s9, v0;
	v29 =	vor.u32 v8, v45;
	v26 =	vld.idx.msk [tilespmem:v28+s20+$0x0], $0xffff  }
0x6f: {  	v40 =	vand.u32 $0x7F, v30;
	v28 =	vld.idx.msk [tilespmem:v31+s19+$0x0], $0xffff  }
0x70: {  	v34 =	vor.u32 v1, v40;
	v30 =	vld.idx.msk [tilespmem:v31+s20+$0x0], $0xffff  }
0x71: {  	v31 =	vld.idx.msk [tilespmem:v27+s19+$0x0], $0xffff  }
0x72: {  	v35 =	vor.u32 v2, v40;
	v32 =	vld.idx.msk [tilespmem:v27+s20+$0x0], $0xffff  }
0x73: {  	v27 =	vld.idx.msk [tilespmem:v29+s19+$0x0], $0xffff  }
0x74: {  	v37 =	vor.u32 v3, v40;
	v29 =	vld.idx.msk [tilespmem:v29+s20+$0x0], $0xffff  }
0x75: {  	v33 =	vld.idx.msk [tilespmem:v34+s19+$0x0], $0xffff  }
0x76: {  	v43 =	vor.u32 v4, v40;
	v34 =	vld.idx.msk [tilespmem:v34+s20+$0x0], $0xffff  }
.Ltmp0:
0x77: {  	v36 =	vld.idx.msk [tilespmem:v35+s19+$0x0], $0xffff;
	(pc) =	sbr.rel @p0 .LBB2_2-.Ltmp0, $4  }
0x78: {  	v42 =	vor.u32 v5, v40;
	v38 =	vld.idx.msk [tilespmem:v35+s20+$0x0], $0xffff  }
0x79: {  	v35 =	vld.idx.msk [tilespmem:v37+s19+$0x0], $0xffff  }
0x7a: {  	v41 =	vor.u32 v6, v40;
	v39 =	vld.idx.msk [tilespmem:v37+s20+$0x0], $0xffff  }
0x7b: {  	s8 =	sadd.s32 $0x2, s8;
	v37 =	vld.idx.msk [tilespmem:v43+s19+$0x0], $0xffff  }
0x7c: {  	_ =	sdelay $0x3  }
0x7d: {  	v43 =	vld.idx.msk [tilespmem:v43+s20+$0x0], $0xffff;
	v44 =	vor.u32 v7, v40  }
0x7e: {  	v45 =	vld.idx.msk [tilespmem:v42+s19+$0x0], $0xffff  }
0x7f: {  	v61 =	vld.idx.msk [tilespmem:v42+s20+$0x0], $0xffff;
	v62 =	vor.u32 v8, v40  }
0x80: {  	v46 =	vld.idx.msk [tilespmem:v41+s19+$0x0], $0xffff  }
0x81: {  	v63 =	vld.idx.msk [tilespmem:v41+s20+$0x0], $0xffff  }
0x82: {  	v47 =	vld.idx.msk [tilespmem:v44+s19+$0x0], $0xffff  }
0x83: {  	v44 =	vld.idx.msk [tilespmem:v44+s20+$0x0], $0xffff  }
0x84: {  	v48 =	vld.idx.msk [tilespmem:v62+s19+$0x0], $0xffff  }
0x85: {  	v40 =	vld.idx.msk [tilespmem:v62+s20+$0x0], $0xffff;
	_ =	swait.ge [sflag:s30], $0x80  }
0x86: {  	[sflag:s30] =	ssyncset.done $0x0  }
0x87: {  	[sflag:s30] =	ssyncadd.s32 $0xFFFFFF80  }
0x88: {  	_ =	swait.ge [sflag:s30], $0x80  }
0x89: {  	[sflag:s30] =	ssyncset.done $0x0  }
0x8a: {  	[sflag:s30] =	ssyncadd.s32 $0xFFFFFF80  }
0x8b: {  	_ =	swait.ge [sflag:s30], $0x80  }
0x8c: {  	[sflag:s30] =	ssyncset.done $0x0  }
0x8d: {  	[sflag:s30] =	ssyncadd.s32 $0xFFFFFF80  }
0x8e: {  	_ =	swait.ge [sflag:s30], $0x80  }
0x8f: {  	[sflag:s30] =	ssyncset.done $0x0  }
0x90: {  	[sflag:s30] =	ssyncadd.s32 $0xFFFFFF80  }
0x91: {  	_ =	swait.ge [sflag:s30], $0x80  }
0x92: {  	[sflag:s30] =	ssyncset.done $0x0  }
0x93: {  	[sflag:s30] =	ssyncadd.s32 $0xFFFFFF80  }
0x94: {  	_ =	swait.ge [sflag:s30], $0x80  }
0x95: {  	[sflag:s30] =	ssyncset.done $0x0  }
0x96: {  	[sflag:s30] =	ssyncadd.s32 $0xFFFFFF80  }
0x97: {  	_ =	swait.ge [sflag:s30], $0x80  }
0x98: {  	[sflag:s30] =	ssyncset.done $0x0  }
0x99: {  	[sflag:s30] =	ssyncadd.s32 $0xFFFFFF80  }
0x9a: {  	_ =	swait.ge [sflag:s30], $0x80  }
0x9b: {  	[sflag:s30] =	ssyncset.done $0x0  }
0x9c: {  	[sflag:s30] =	ssyncadd.s32 $0xFFFFFF80  }
0x9d: {  	v13 =	vmul.f32 v17, v13;
	v17 =	vmul.f32 v20, v19;
	v20 =	vld [tilespmem:$0x10400]  }
0x9e: {  	v19 =	vmul.f32 v22, v21;
	v21 =	vmul.f32 v24, v23;
	v23 =	vld [tilespmem:$0x10600]  }
0x9f: {  	v22 =	vmul.f32 v26, v25;
	v24 =	vmul.f32 v30, v28;
	v26 =	vld [tilespmem:$0x10410]  }
0xa0: {  	v25 =	vmul.f32 v32, v31;
	v28 =	vmul.f32 v34, v33;
	v13 =	vadd.f32 v13, v14;
	v31 =	vld [tilespmem:$0x10610]  }
0xa1: {  	v27 =	vmul.f32 v29, v27;
	v14 =	vadd.f32 v17, v18;
	v15 =	vadd.f32 v19, v15;
	v18 =	vld [tilespmem:$0x10420]  }
0xa2: {  	v16 =	vadd.f32 v21, v16;
	v9 =	vadd.f32 v22, v9;
	v17 =	vmul.f32 v39, v35;
	v21 =	vld [tilespmem:$0x10620]  }
0xa3: {  	v12 =	vadd.f32 v24, v12;
	v13 =	vadd.f32 v28, v13;
	v19 =	vmul.f32 v43, v37;
	v28 =	vld [tilespmem:$0x10430]  }
0xa4: {  	v30 =	vmul.f32 v38, v36;
	v10 =	vadd.f32 v25, v10;
	v15 =	vadd.f32 v17, v15;
	v17 =	vld [tilespmem:$0x10630]  }
0xa5: {  	v29 =	vmul.f32 v61, v45;
	v16 =	vadd.f32 v19, v16;
	v19 =	vmul.f32 v63, v46;
	v22 =	vld [tilespmem:$0x10440]  }
0xa6: {  	v11 =	vadd.f32 v27, v11;
	v14 =	vadd.f32 v30, v14;
	v24 =	vmul.f32 v44, v47;
	v25 =	vld [tilespmem:$0x10640]  }
0xa7: {  	v9 =	vadd.f32 v29, v9;
	v12 =	vadd.f32 v19, v12;
	v19 =	vld [tilespmem:$0x10450]  }
0xa8: {  	v10 =	vadd.f32 v24, v10;
	v24 =	vld [tilespmem:$0x10460];
	v13 =	vadd.f32 v20, v13  }
0xa9: {  	v20 =	vld [tilespmem:$0x10650];
	v14 =	vadd.f32 v26, v14;
	v15 =	vadd.f32 v18, v15  }
0xaa: {  	v18 =	vld [tilespmem:$0x10470];
	v9 =	vadd.f32 v22, v9;
	v13 =	vadd.f32 v23, v13  }
0xab: {  	v27 =	vmul.f32 v40, v48;
	v16 =	vadd.f32 v28, v16;
	v14 =	vadd.f32 v31, v14;
	v23 =	vld [tilespmem:$0x10660]  }
0xac: {  	v9 =	vadd.f32 v25, v9;
	[tilespmem:$0x10800] =	vst v13;
	v13 =	vadd.f32 v21, v15;
	v15 =	vld [tilespmem:$0x10670]  }
0xad: {  	v11 =	vadd.f32 v27, v11;
	v12 =	vadd.f32 v19, v12;
	[tilespmem:$0x10810] =	vst v14  }
0xae: {  	v10 =	vadd.f32 v24, v10;
	v14 =	vadd.f32 v17, v16;
	[tilespmem:$0x10840] =	vst v9  }
0xaf: {  	v12 =	vadd.f32 v20, v12;
	v11 =	vadd.f32 v18, v11;
	[tilespmem:$0x10820] =	vst v13  }
0xb0: {  	[tilespmem:$0x10830] =	vst v14;
	v9 =	vadd.f32 v23, v10  }
0xb1: {  	[tilespmem:$0x10850] =	vst v12;
	v10 =	vadd.f32 v15, v11  }
0xb2: {  	[tilespmem:$0x10860] =	vst v9  }
0xb3: {  	s8 =	simm.s32 $0x0;
	[tilespmem:$0x10870] =	vst v10  }
0xb4: {  	[hbm4b:s11+s8] =	stream.linear.scatter [tilespmem:s0], [sflag:$0x5], $0x80, $0x38;
	[tilespmem:$0x10880] =	vst v63  }
0xb5: {  	_ =	swait.ge [sflag:s24], $0x80  }
0xb6: {  	[sflag:s24] =	ssyncset.done $0x0  }
0xb7: {  	[sflag:s24] =	ssyncadd.s32 $0xFFFFFF80  }
0xb8: {  	[tilespmem:s19], [sflag:$0x1] =	stream.indirect.gather [hbm4b:s1+s18], $0x80, s29, s18, $0xb8;
	[tilespmem:$0x10880] =	vst v63  }
0xb9: {  	_ = 	snop  }
0xba: {  	v9 =	vadd.s32 s8, v0;
	[tilespmem:s20], [sflag:$0x1] =	stream.indirect.gather [hbm4b:s2+s18], $0x80, s31, s18, $0xb8;
	[tilespmem:$0x10880] =	vst v63  }
0xbb: {  	v9 =	vand.u32 $0x7F, v9;
	_ =	swait.ge [sflag:s26], $0x4000  }
0xbc: {  	v10 =	vor.u32 v1, v9;
	[sflag:s26] =	ssyncset.done $0x0  }
0xbd: {  	[sflag:s26] =	ssyncadd.s32 $0xFFFFC000  }
0xbe: {  	v11 =	vor.u32 v2, v9;
	_ =	swait.ge [sflag:s26], $0x4000  }
0xbf: {  	[sflag:s26] =	ssyncset.done $0x0  }
0xc0: {  	v12 =	vor.u32 v3, v9;
	[sflag:s26] =	ssyncadd.s32 $0xFFFFC000  }
0xc1: {  	v13 =	vld.idx.msk [tilespmem:v10+s22+$0x0], $0xffff  }
0xc2: {  	v14 =	vor.u32 v4, v9;
	v17 =	vld.idx.msk [tilespmem:v10+s23+$0x0], $0xffff  }
0xc3: {  	v19 =	vld.idx.msk [tilespmem:v11+s22+$0x0], $0xffff  }
0xc4: {  	v10 =	vor.u32 v5, v9;
	v20 =	vld.idx.msk [tilespmem:v11+s23+$0x0], $0xffff  }
0xc5: {  	v21 =	vld.idx.msk [tilespmem:v12+s22+$0x0], $0xffff  }
0xc6: {  	v11 =	vor.u32 v6, v9;
	v22 =	vld.idx.msk [tilespmem:v12+s23+$0x0], $0xffff  }
0xc7: {  	v23 =	vld.idx.msk [tilespmem:v14+s22+$0x0], $0xffff  }
0xc8: {  	v24 =	vld.idx.msk [tilespmem:v14+s23+$0x0], $0xffff;
	v12 =	vor.u32 v7, v9  }
0xc9: {  	s9 =	simm.s32 $0x1;
	v25 =	vld.idx.msk [tilespmem:v10+s22+$0x0], $0xffff  }
0xca: {  	v9 =	vor.u32 v8, v9;
	v26 =	vld.idx.msk [tilespmem:v10+s23+$0x0], $0xffff;
	v10 =	vadd.s32 s9, v0  }
0xcb: {  	v28 =	vld.idx.msk [tilespmem:v11+s22+$0x0], $0xffff;
	v40 =	vand.u32 $0x7F, v10  }
0xcc: {  	v30 =	vld.idx.msk [tilespmem:v11+s23+$0x0], $0xffff;
	v10 =	vor.u32 v1, v40  }
0xcd: {  	v31 =	vld.idx.msk [tilespmem:v12+s22+$0x0], $0xffff  }
0xce: {  	v32 =	vld.idx.msk [tilespmem:v12+s23+$0x0], $0xffff;
	v11 =	vor.u32 v2, v40  }
0xcf: {  	v27 =	vld.idx.msk [tilespmem:v9+s22+$0x0], $0xffff  }
0xd0: {  	v29 =	vld.idx.msk [tilespmem:v9+s23+$0x0], $0xffff;
	v9 =	vor.u32 v3, v40  }
0xd1: {  	v33 =	vld.idx.msk [tilespmem:v10+s22+$0x0], $0xffff  }
0xd2: {  	v43 =	vor.u32 v4, v40;
	v34 =	vld.idx.msk [tilespmem:v10+s23+$0x0], $0xffff  }
0xd3: {  	v36 =	vld.idx.msk [tilespmem:v11+s22+$0x0], $0xffff  }
0xd4: {  	v42 =	vor.u32 v5, v40;
	v38 =	vld.idx.msk [tilespmem:v11+s23+$0x0], $0xffff  }
0xd5: {  	v16 =	vimm.f32 $0.0e+00;
	v18 =	vimm.f32 $0.0e+00;
	v15 =	vimm.f32 $0.0e+00;
	v35 =	vld.idx.msk [tilespmem:v9+s22+$0x0], $0xffff  }
0xd6: {  	v14 =	vimm.f32 $0.0e+00;
	v12 =	vimm.f32 $0.0e+00;
	v41 =	vor.u32 v6, v40;
	v39 =	vld.idx.msk [tilespmem:v9+s23+$0x0], $0xffff  }
0xd7: {  	s8 =	simm.s32 $0x2;
	v9 =	vimm.f32 $0.0e+00;
	v37 =	vld.idx.msk [tilespmem:v43+s22+$0x0], $0xffff;
	v10 =	vimm.f32 $0.0e+00;
	v11 =	vimm.f32 $0.0e+00  }
.LBB2_4:
0xd8: {  	p0 =	slt.u32 s8, $0x7E;
	v43 =	vld.idx.msk [tilespmem:v43+s23+$0x0], $0xffff;
	v44 =	vor.u32 v7, v40  }
0xd9: {  	v45 =	vadd.s32 s8, v0;
	v46 =	vld.idx.msk [tilespmem:v42+s22+$0x0], $0xffff  }
0xda: {  	v40 =	vor.u32 v8, v40;
	v45 =	vand.u32 $0x7F, v45;
	v42 =	vld.idx.msk [tilespmem:v42+s23+$0x0], $0xffff  }
0xdb: {  	v47 =	vor.u32 v1, v45;
	v48 =	vld.idx.msk [tilespmem:v41+s22+$0x0], $0xffff  }
0xdc: {  	v17 =	vmul.f32 v17, v13;
	v19 =	vmul.f32 v20, v19;
	v49 =	vor.u32 v2, v45;
	v41 =	vld.idx.msk [tilespmem:v41+s23+$0x0], $0xffff  }
0xdd: {  	v20 =	vmul.f32 v22, v21;
	v21 =	vmul.f32 v24, v23;
	v50 =	vor.u32 v3, v45;
	v22 =	vld.idx.msk [tilespmem:v44+s22+$0x0], $0xffff  }
0xde: {  	v23 =	vmul.f32 v26, v25;
	v25 =	vmul.f32 v30, v28;
	v24 =	vor.u32 v4, v45;
	v26 =	vld.idx.msk [tilespmem:v44+s23+$0x0], $0xffff  }
0xdf: {  	v30 =	vmul.f32 v32, v31;
	v27 =	vmul.f32 v29, v27;
	v28 =	vor.u32 v5, v45;
	v29 =	vld.idx.msk [tilespmem:v40+s22+$0x0], $0xffff  }
0xe0: {  	v32 =	vmul.f32 v34, v33;
	v33 =	vmul.f32 v38, v36;
	v31 =	vor.u32 v6, v45;
	v34 =	vld.idx.msk [tilespmem:v40+s23+$0x0], $0xffff  }
0xe1: {  	v14 =	vadd.f32 v17, v14;
	v18 =	vadd.f32 v19, v18;
	v35 =	vmul.f32 v39, v35;
	v13 =	vld.idx.msk [tilespmem:v47+s22+$0x0], $0xffff  }
0xe2: {  	v15 =	vadd.f32 v20, v15;
	v16 =	vadd.f32 v21, v16;
	v21 =	vmul.f32 v43, v37;
	v17 =	vld.idx.msk [tilespmem:v47+s23+$0x0], $0xffff  }
0xe3: {  	v14 =	vadd.f32 v32, v14;
	v18 =	vadd.f32 v33, v18;
	v32 =	vmul.f32 v42, v46;
	v19 =	vld.idx.msk [tilespmem:v49+s22+$0x0], $0xffff  }
0xe4: {  	v15 =	vadd.f32 v35, v15;
	v16 =	vadd.f32 v21, v16;
	v33 =	vmul.f32 v41, v48;
	v20 =	vld.idx.msk [tilespmem:v49+s23+$0x0], $0xffff  }
0xe5: {  	v9 =	vadd.f32 v23, v9;
	v12 =	vadd.f32 v25, v12;
	v25 =	vmul.f32 v26, v22;
	v21 =	vld.idx.msk [tilespmem:v50+s22+$0x0], $0xffff  }
0xe6: {  	v10 =	vadd.f32 v30, v10;
	v11 =	vadd.f32 v27, v11;
	v26 =	vmul.f32 v34, v29;
	v22 =	vld.idx.msk [tilespmem:v50+s23+$0x0], $0xffff  }
0xe7: {  	v9 =	vadd.f32 v32, v9;
	v12 =	vadd.f32 v33, v12;
	v23 =	vld.idx.msk [tilespmem:v24+s22+$0x0], $0xffff  }
0xe8: {  	v27 =	vor.u32 v7, v45;
	v10 =	vadd.f32 v25, v10;
	v11 =	vadd.f32 v26, v11;
	v24 =	vld.idx.msk [tilespmem:v24+s23+$0x0], $0xffff  }
0xe9: {  	s9 =	sadd.s32 $0x1, s8;
	v25 =	vld.idx.msk [tilespmem:v28+s22+$0x0], $0xffff  }
0xea: {  	v30 =	vadd.s32 s9, v0;
	v29 =	vor.u32 v8, v45;
	v26 =	vld.idx.msk [tilespmem:v28+s23+$0x0], $0xffff  }
0xeb: {  	v40 =	vand.u32 $0x7F, v30;
	v28 =	vld.idx.msk [tilespmem:v31+s22+$0x0], $0xffff  }
0xec: {  	v34 =	vor.u32 v1, v40;
	v30 =	vld.idx.msk [tilespmem:v31+s23+$0x0], $0xffff  }
0xed: {  	v31 =	vld.idx.msk [tilespmem:v27+s22+$0x0], $0xffff  }
0xee: {  	v35 =	vor.u32 v2, v40;
	v32 =	vld.idx.msk [tilespmem:v27+s23+$0x0], $0xffff  }
0xef: {  	v27 =	vld.idx.msk [tilespmem:v29+s22+$0x0], $0xffff  }
0xf0: {  	v37 =	vor.u32 v3, v40;
	v29 =	vld.idx.msk [tilespmem:v29+s23+$0x0], $0xffff  }
0xf1: {  	v33 =	vld.idx.msk [tilespmem:v34+s22+$0x0], $0xffff  }
0xf2: {  	v43 =	vor.u32 v4, v40;
	v34 =	vld.idx.msk [tilespmem:v34+s23+$0x0], $0xffff  }
.Ltmp1:
0xf3: {  	v36 =	vld.idx.msk [tilespmem:v35+s22+$0x0], $0xffff;
	(pc) =	sbr.rel @p0 .LBB2_4-.Ltmp1, $4  }
0xf4: {  	v42 =	vor.u32 v5, v40;
	v38 =	vld.idx.msk [tilespmem:v35+s23+$0x0], $0xffff  }
0xf5: {  	v35 =	vld.idx.msk [tilespmem:v37+s22+$0x0], $0xffff  }
0xf6: {  	v41 =	vor.u32 v6, v40;
	v39 =	vld.idx.msk [tilespmem:v37+s23+$0x0], $0xffff  }
0xf7: {  	s8 =	sadd.s32 $0x2, s8;
	v37 =	vld.idx.msk [tilespmem:v43+s22+$0x0], $0xffff  }
0xf8: {  	_ =	sdelay $0x3  }
0xf9: {  	v43 =	vld.idx.msk [tilespmem:v43+s23+$0x0], $0xffff  }
0xfa: {  	v45 =	vld.idx.msk [tilespmem:v42+s22+$0x0], $0xffff  }
0xfb: {  	v60 =	vld.idx.msk [tilespmem:v42+s23+$0x0], $0xffff  }
0xfc: {  	v46 =	vld.idx.msk [tilespmem:v41+s22+$0x0], $0xffff  }
0xfd: {  	v62 =	vld.idx.msk [tilespmem:v41+s23+$0x0], $0xffff  }
0xfe: {  	v19 =	vmul.f32 v20, v19;
	v20 =	vmul.f32 v22, v21;
	v21 =	vld [tilespmem:$0x10480]  }
0xff: {  	v22 =	vmul.f32 v24, v23;
	v24 =	vld [tilespmem:$0x10680]  }
0x100: {  	v23 =	vmul.f32 v26, v25;
	v25 =	vmul.f32 v30, v28;
	v28 =	vld [tilespmem:$0x10490]  }
0x101: {  	v61 =	vor.u32 v8, v40;
	v13 =	vmul.f32 v17, v13;
	v63 =	vld [tilespmem:$0x10690]  }
0x102: {  	v27 =	vmul.f32 v29, v27;
	v29 =	vld [tilespmem:$0x104B0]  }
0x103: {  	v13 =	vadd.f32 v13, v14;
	v14 =	vadd.f32 v19, v18;
	v19 =	vld [tilespmem:$0x104A0]  }
0x104: {  	v44 =	vor.u32 v7, v40;
	v16 =	vadd.f32 v22, v16;
	v22 =	vld [tilespmem:$0x106A0]  }
0x105: {  	v9 =	vadd.f32 v23, v9;
	v23 =	vld [tilespmem:$0x104C0]  }
0x106: {  	v26 =	vmul.f32 v32, v31;
	v48 =	vld.idx.msk [tilespmem:v61+s22+$0x0], $0xffff  }
0x107: {  	v30 =	vmul.f32 v34, v33;
	v15 =	vadd.f32 v20, v15;
	v17 =	vld.idx.msk [tilespmem:v61+s23+$0x0], $0xffff  }
0x108: {  	v31 =	vmul.f32 v38, v36;
	v12 =	vadd.f32 v25, v12;
	v10 =	vadd.f32 v26, v10;
	v26 =	vld [tilespmem:$0x106C0]  }
0x109: {  	v11 =	vadd.f32 v27, v11;
	v18 =	vmul.f32 v39, v35;
	v47 =	vld.idx.msk [tilespmem:v44+s22+$0x0], $0xffff;
	v20 =	vmul.f32 v43, v37  }
0x10a: {  	v13 =	vadd.f32 v30, v13;
	v14 =	vadd.f32 v31, v14;
	v44 =	vld.idx.msk [tilespmem:v44+s23+$0x0], $0xffff;
	v30 =	vmul.f32 v60, v45  }
0x10b: {  	v15 =	vadd.f32 v18, v15;
	v18 =	vld [tilespmem:$0x106B0];
	v16 =	vadd.f32 v20, v16;
	v20 =	vmul.f32 v62, v46  }
0x10c: {  	v13 =	vadd.f32 v21, v13;
	v21 =	vld [tilespmem:$0x106D0];
	v14 =	vadd.f32 v28, v14;
	v17 =	vmul.f32 v17, v48  }
0x10d: {  	v9 =	vadd.f32 v30, v9;
	v12 =	vadd.f32 v20, v12;
	v20 =	vld [tilespmem:$0x104D0]  }
0x10e: {  	v15 =	vadd.f32 v19, v15;
	v11 =	vadd.f32 v17, v11;
	v17 =	vld [tilespmem:$0x104E0]  }
0x10f: {  	v19 =	vld [tilespmem:$0x104F0];
	v13 =	vadd.f32 v24, v13;
	v14 =	vadd.f32 v63, v14;
	v25 =	vmul.f32 v44, v47  }
0x110: {  	v24 =	vld [tilespmem:$0x106E0];
	v16 =	vadd.f32 v29, v16;
	v9 =	vadd.f32 v23, v9  }
0x111: {  	[tilespmem:$0x10800] =	vst v13;
	v13 =	vadd.f32 v22, v15;
	v15 =	vld [tilespmem:$0x106F0];
	v10 =	vadd.f32 v25, v10  }
0x112: {  	[tilespmem:$0x10810] =	vst v14;
	v14 =	vadd.f32 v18, v16;
	v12 =	vadd.f32 v20, v12  }
0x113: {  	v9 =	vadd.f32 v26, v9;
	[tilespmem:$0x10820] =	vst v13;
	v10 =	vadd.f32 v17, v10  }
0x114: {  	[tilespmem:$0x10830] =	vst v14;
	v11 =	vadd.f32 v19, v11;
	v12 =	vadd.f32 v21, v12  }
0x115: {  	[tilespmem:$0x10840] =	vst v9;
	v9 =	vadd.f32 v24, v10  }
0x116: {  	[tilespmem:$0x10850] =	vst v12;
	v10 =	vadd.f32 v15, v11  }
0x117: {  	[tilespmem:$0x10860] =	vst v9  }
0x118: {  	s8 =	simm.s32 $0x0;
	[tilespmem:$0x10870] =	vst v10  }
0x119: {  	[hbm4b:s12+s8] =	stream.linear.scatter [tilespmem:s0], [sflag:$0x5], $0x80, $0x38;
	[tilespmem:$0x10880] =	vst v63  }
0x11a: {  	_ =	swait.ge [sflag:s24], $0x80  }
0x11b: {  	[sflag:s24] =	ssyncset.done $0x0  }
0x11c: {  	[sflag:s24] =	ssyncadd.s32 $0xFFFFFF80  }
0x11d: {  	[tilespmem:s22], [sflag:$0x2] =	stream.indirect.gather [hbm4b:s1+s18], $0x80, s5, s18, $0xb8;
	[tilespmem:$0x10880] =	vst v63  }
0x11e: {  	_ = 	snop  }
0x11f: {  	v9 =	vadd.s32 s8, v0;
	[tilespmem:s23], [sflag:$0x2] =	stream.indirect.gather [hbm4b:s2+s18], $0x80, s25, s18, $0xb8;
	[tilespmem:$0x10880] =	vst v63  }
0x120: {  	v9 =	vand.u32 $0x7F, v9;
	_ =	swait.ge [sflag:s28], $0x4000  }
0x121: {  	v10 =	vor.u32 v1, v9;
	[sflag:s28] =	ssyncset.done $0x0  }
0x122: {  	[sflag:s28] =	ssyncadd.s32 $0xFFFFC000  }
0x123: {  	v11 =	vor.u32 v2, v9;
	_ =	swait.ge [sflag:s28], $0x4000  }
0x124: {  	[sflag:s28] =	ssyncset.done $0x0  }
0x125: {  	v12 =	vor.u32 v3, v9;
	[sflag:s28] =	ssyncadd.s32 $0xFFFFC000  }
0x126: {  	v13 =	vld.idx.msk [tilespmem:v10+s19+$0x0], $0xffff  }
0x127: {  	v14 =	vor.u32 v4, v9;
	v17 =	vld.idx.msk [tilespmem:v10+s20+$0x0], $0xffff  }
0x128: {  	v19 =	vld.idx.msk [tilespmem:v11+s19+$0x0], $0xffff  }
0x129: {  	v10 =	vor.u32 v5, v9;
	v20 =	vld.idx.msk [tilespmem:v11+s20+$0x0], $0xffff  }
0x12a: {  	v21 =	vld.idx.msk [tilespmem:v12+s19+$0x0], $0xffff  }
0x12b: {  	v11 =	vor.u32 v6, v9;
	v22 =	vld.idx.msk [tilespmem:v12+s20+$0x0], $0xffff  }
0x12c: {  	v23 =	vld.idx.msk [tilespmem:v14+s19+$0x0], $0xffff  }
0x12d: {  	v24 =	vld.idx.msk [tilespmem:v14+s20+$0x0], $0xffff;
	v12 =	vor.u32 v7, v9  }
0x12e: {  	s9 =	simm.s32 $0x1;
	v25 =	vld.idx.msk [tilespmem:v10+s19+$0x0], $0xffff  }
0x12f: {  	v9 =	vor.u32 v8, v9;
	v26 =	vld.idx.msk [tilespmem:v10+s20+$0x0], $0xffff;
	v10 =	vadd.s32 s9, v0  }
0x130: {  	v28 =	vld.idx.msk [tilespmem:v11+s19+$0x0], $0xffff;
	v40 =	vand.u32 $0x7F, v10  }
0x131: {  	v30 =	vld.idx.msk [tilespmem:v11+s20+$0x0], $0xffff;
	v10 =	vor.u32 v1, v40  }
0x132: {  	v31 =	vld.idx.msk [tilespmem:v12+s19+$0x0], $0xffff  }
0x133: {  	v32 =	vld.idx.msk [tilespmem:v12+s20+$0x0], $0xffff;
	v11 =	vor.u32 v2, v40  }
0x134: {  	v27 =	vld.idx.msk [tilespmem:v9+s19+$0x0], $0xffff  }
0x135: {  	v29 =	vld.idx.msk [tilespmem:v9+s20+$0x0], $0xffff;
	v9 =	vor.u32 v3, v40  }
0x136: {  	v33 =	vld.idx.msk [tilespmem:v10+s19+$0x0], $0xffff  }
0x137: {  	v43 =	vor.u32 v4, v40;
	v34 =	vld.idx.msk [tilespmem:v10+s20+$0x0], $0xffff  }
0x138: {  	v36 =	vld.idx.msk [tilespmem:v11+s19+$0x0], $0xffff  }
0x139: {  	v42 =	vor.u32 v5, v40;
	v38 =	vld.idx.msk [tilespmem:v11+s20+$0x0], $0xffff  }
0x13a: {  	v18 =	vimm.f32 $0.0e+00;
	v16 =	vimm.f32 $0.0e+00;
	v15 =	vimm.f32 $0.0e+00;
	v35 =	vld.idx.msk [tilespmem:v9+s19+$0x0], $0xffff  }
0x13b: {  	v14 =	vimm.f32 $0.0e+00;
	v12 =	vimm.f32 $0.0e+00;
	v41 =	vor.u32 v6, v40;
	v39 =	vld.idx.msk [tilespmem:v9+s20+$0x0], $0xffff  }
0x13c: {  	s8 =	simm.s32 $0x2;
	v9 =	vimm.f32 $0.0e+00;
	v37 =	vld.idx.msk [tilespmem:v43+s19+$0x0], $0xffff;
	v10 =	vimm.f32 $0.0e+00;
	v11 =	vimm.f32 $0.0e+00  }
.LBB2_6:
0x13d: {  	p0 =	slt.u32 s8, $0x7E;
	v43 =	vld.idx.msk [tilespmem:v43+s20+$0x0], $0xffff;
	v44 =	vor.u32 v7, v40  }
0x13e: {  	v45 =	vadd.s32 s8, v0;
	v46 =	vld.idx.msk [tilespmem:v42+s19+$0x0], $0xffff  }
0x13f: {  	v40 =	vor.u32 v8, v40;
	v45 =	vand.u32 $0x7F, v45;
	v42 =	vld.idx.msk [tilespmem:v42+s20+$0x0], $0xffff  }
0x140: {  	v47 =	vor.u32 v1, v45;
	v48 =	vld.idx.msk [tilespmem:v41+s19+$0x0], $0xffff  }
0x141: {  	v17 =	vmul.f32 v17, v13;
	v19 =	vmul.f32 v20, v19;
	v49 =	vor.u32 v2, v45;
	v41 =	vld.idx.msk [tilespmem:v41+s20+$0x0], $0xffff  }
0x142: {  	v20 =	vmul.f32 v22, v21;
	v21 =	vmul.f32 v24, v23;
	v50 =	vor.u32 v3, v45;
	v22 =	vld.idx.msk [tilespmem:v44+s19+$0x0], $0xffff  }
0x143: {  	v23 =	vmul.f32 v26, v25;
	v25 =	vmul.f32 v30, v28;
	v24 =	vor.u32 v4, v45;
	v26 =	vld.idx.msk [tilespmem:v44+s20+$0x0], $0xffff  }
0x144: {  	v30 =	vmul.f32 v32, v31;
	v27 =	vmul.f32 v29, v27;
	v28 =	vor.u32 v5, v45;
	v29 =	vld.idx.msk [tilespmem:v40+s19+$0x0], $0xffff  }
0x145: {  	v32 =	vmul.f32 v34, v33;
	v33 =	vmul.f32 v38, v36;
	v31 =	vor.u32 v6, v45;
	v34 =	vld.idx.msk [tilespmem:v40+s20+$0x0], $0xffff  }
0x146: {  	v14 =	vadd.f32 v17, v14;
	v18 =	vadd.f32 v19, v18;
	v35 =	vmul.f32 v39, v35;
	v13 =	vld.idx.msk [tilespmem:v47+s19+$0x0], $0xffff  }
0x147: {  	v15 =	vadd.f32 v20, v15;
	v16 =	vadd.f32 v21, v16;
	v21 =	vmul.f32 v43, v37;
	v17 =	vld.idx.msk [tilespmem:v47+s20+$0x0], $0xffff  }
0x148: {  	v14 =	vadd.f32 v32, v14;
	v18 =	vadd.f32 v33, v18;
	v32 =	vmul.f32 v42, v46;
	v19 =	vld.idx.msk [tilespmem:v49+s19+$0x0], $0xffff  }
0x149: {  	v15 =	vadd.f32 v35, v15;
	v16 =	vadd.f32 v21, v16;
	v33 =	vmul.f32 v41, v48;
	v20 =	vld.idx.msk [tilespmem:v49+s20+$0x0], $0xffff  }
0x14a: {  	v9 =	vadd.f32 v23, v9;
	v12 =	vadd.f32 v25, v12;
	v25 =	vmul.f32 v26, v22;
	v21 =	vld.idx.msk [tilespmem:v50+s19+$0x0], $0xffff  }
0x14b: {  	v10 =	vadd.f32 v30, v10;
	v11 =	vadd.f32 v27, v11;
	v26 =	vmul.f32 v34, v29;
	v22 =	vld.idx.msk [tilespmem:v50+s20+$0x0], $0xffff  }
0x14c: {  	v9 =	vadd.f32 v32, v9;
	v12 =	vadd.f32 v33, v12;
	v23 =	vld.idx.msk [tilespmem:v24+s19+$0x0], $0xffff  }
0x14d: {  	v27 =	vor.u32 v7, v45;
	v10 =	vadd.f32 v25, v10;
	v11 =	vadd.f32 v26, v11;
	v24 =	vld.idx.msk [tilespmem:v24+s20+$0x0], $0xffff  }
0x14e: {  	s9 =	sadd.s32 $0x1, s8;
	v25 =	vld.idx.msk [tilespmem:v28+s19+$0x0], $0xffff  }
0x14f: {  	v30 =	vadd.s32 s9, v0;
	v29 =	vor.u32 v8, v45;
	v26 =	vld.idx.msk [tilespmem:v28+s20+$0x0], $0xffff  }
0x150: {  	v40 =	vand.u32 $0x7F, v30;
	v28 =	vld.idx.msk [tilespmem:v31+s19+$0x0], $0xffff  }
0x151: {  	v34 =	vor.u32 v1, v40;
	v30 =	vld.idx.msk [tilespmem:v31+s20+$0x0], $0xffff  }
0x152: {  	v31 =	vld.idx.msk [tilespmem:v27+s19+$0x0], $0xffff  }
0x153: {  	v35 =	vor.u32 v2, v40;
	v32 =	vld.idx.msk [tilespmem:v27+s20+$0x0], $0xffff  }
0x154: {  	v27 =	vld.idx.msk [tilespmem:v29+s19+$0x0], $0xffff  }
0x155: {  	v37 =	vor.u32 v3, v40;
	v29 =	vld.idx.msk [tilespmem:v29+s20+$0x0], $0xffff  }
0x156: {  	v33 =	vld.idx.msk [tilespmem:v34+s19+$0x0], $0xffff  }
0x157: {  	v43 =	vor.u32 v4, v40;
	v34 =	vld.idx.msk [tilespmem:v34+s20+$0x0], $0xffff  }
.Ltmp2:
0x158: {  	v36 =	vld.idx.msk [tilespmem:v35+s19+$0x0], $0xffff;
	(pc) =	sbr.rel @p0 .LBB2_6-.Ltmp2, $4  }
0x159: {  	v42 =	vor.u32 v5, v40;
	v38 =	vld.idx.msk [tilespmem:v35+s20+$0x0], $0xffff  }
0x15a: {  	v35 =	vld.idx.msk [tilespmem:v37+s19+$0x0], $0xffff  }
0x15b: {  	v41 =	vor.u32 v6, v40;
	v39 =	vld.idx.msk [tilespmem:v37+s20+$0x0], $0xffff  }
0x15c: {  	s8 =	sadd.s32 $0x2, s8;
	v37 =	vld.idx.msk [tilespmem:v43+s19+$0x0], $0xffff  }
0x15d: {  	_ =	sdelay $0x3  }
0x15e: {  	v43 =	vld.idx.msk [tilespmem:v43+s20+$0x0], $0xffff  }
0x15f: {  	v45 =	vld.idx.msk [tilespmem:v42+s19+$0x0], $0xffff  }
0x160: {  	v60 =	vld.idx.msk [tilespmem:v42+s20+$0x0], $0xffff  }
0x161: {  	v46 =	vld.idx.msk [tilespmem:v41+s19+$0x0], $0xffff  }
0x162: {  	v62 =	vld.idx.msk [tilespmem:v41+s20+$0x0], $0xffff  }
0x163: {  	v19 =	vmul.f32 v20, v19;
	v20 =	vmul.f32 v22, v21;
	v21 =	vld [tilespmem:$0x10500]  }
0x164: {  	v22 =	vmul.f32 v24, v23;
	v24 =	vld [tilespmem:$0x10700]  }
0x165: {  	v23 =	vmul.f32 v26, v25;
	v25 =	vmul.f32 v30, v28;
	v28 =	vld [tilespmem:$0x10510]  }
0x166: {  	v61 =	vor.u32 v8, v40;
	v13 =	vmul.f32 v17, v13;
	v63 =	vld [tilespmem:$0x10710]  }
0x167: {  	v27 =	vmul.f32 v29, v27;
	v29 =	vld [tilespmem:$0x10530]  }
0x168: {  	v13 =	vadd.f32 v13, v14;
	v14 =	vadd.f32 v19, v18;
	v19 =	vld [tilespmem:$0x10520]  }
0x169: {  	v44 =	vor.u32 v7, v40;
	v16 =	vadd.f32 v22, v16;
	v22 =	vld [tilespmem:$0x10720]  }
0x16a: {  	v9 =	vadd.f32 v23, v9;
	v23 =	vld [tilespmem:$0x10540]  }
0x16b: {  	v26 =	vmul.f32 v32, v31;
	v48 =	vld.idx.msk [tilespmem:v61+s19+$0x0], $0xffff  }
0x16c: {  	v30 =	vmul.f32 v34, v33;
	v15 =	vadd.f32 v20, v15;
	v17 =	vld.idx.msk [tilespmem:v61+s20+$0x0], $0xffff  }
0x16d: {  	v31 =	vmul.f32 v38, v36;
	v12 =	vadd.f32 v25, v12;
	v10 =	vadd.f32 v26, v10;
	v26 =	vld [tilespmem:$0x10740]  }
0x16e: {  	v11 =	vadd.f32 v27, v11;
	v18 =	vmul.f32 v39, v35;
	v47 =	vld.idx.msk [tilespmem:v44+s19+$0x0], $0xffff;
	v20 =	vmul.f32 v43, v37  }
0x16f: {  	v13 =	vadd.f32 v30, v13;
	v14 =	vadd.f32 v31, v14;
	v44 =	vld.idx.msk [tilespmem:v44+s20+$0x0], $0xffff;
	v30 =	vmul.f32 v60, v45  }
0x170: {  	v15 =	vadd.f32 v18, v15;
	v18 =	vld [tilespmem:$0x10730];
	v16 =	vadd.f32 v20, v16;
	v20 =	vmul.f32 v62, v46  }
0x171: {  	v13 =	vadd.f32 v21, v13;
	v21 =	vld [tilespmem:$0x10750];
	v14 =	vadd.f32 v28, v14;
	v17 =	vmul.f32 v17, v48  }
0x172: {  	v9 =	vadd.f32 v30, v9;
	v12 =	vadd.f32 v20, v12;
	v20 =	vld [tilespmem:$0x10550]  }
0x173: {  	v15 =	vadd.f32 v19, v15;
	v11 =	vadd.f32 v17, v11;
	v17 =	vld [tilespmem:$0x10560]  }
0x174: {  	v19 =	vld [tilespmem:$0x10570];
	v13 =	vadd.f32 v24, v13;
	v14 =	vadd.f32 v63, v14;
	v25 =	vmul.f32 v44, v47  }
0x175: {  	v24 =	vld [tilespmem:$0x10760];
	v16 =	vadd.f32 v29, v16;
	v9 =	vadd.f32 v23, v9  }
0x176: {  	[tilespmem:$0x10800] =	vst v13;
	v13 =	vadd.f32 v22, v15;
	v15 =	vld [tilespmem:$0x10770];
	v10 =	vadd.f32 v25, v10  }
0x177: {  	[tilespmem:$0x10810] =	vst v14;
	v14 =	vadd.f32 v18, v16;
	v12 =	vadd.f32 v20, v12  }
0x178: {  	v9 =	vadd.f32 v26, v9;
	[tilespmem:$0x10820] =	vst v13;
	v10 =	vadd.f32 v17, v10  }
0x179: {  	[tilespmem:$0x10830] =	vst v14;
	v11 =	vadd.f32 v19, v11;
	v12 =	vadd.f32 v21, v12  }
0x17a: {  	[tilespmem:$0x10840] =	vst v9;
	v9 =	vadd.f32 v24, v10  }
0x17b: {  	[tilespmem:$0x10850] =	vst v12;
	v10 =	vadd.f32 v15, v11  }
0x17c: {  	[tilespmem:$0x10860] =	vst v9  }
0x17d: {  	s8 =	simm.s32 $0x0;
	[tilespmem:$0x10870] =	vst v10  }
0x17e: {  	[hbm4b:s13+s8] =	stream.linear.scatter [tilespmem:s0], [sflag:$0x5], $0x80, $0x38;
	[tilespmem:$0x10880] =	vst v63  }
0x17f: {  	_ =	swait.ge [sflag:s24], $0x80  }
0x180: {  	[sflag:s24] =	ssyncset.done $0x0  }
0x181: {  	v9 =	vadd.s32 s8, v0;
	[sflag:s24] =	ssyncadd.s32 $0xFFFFFF80  }
0x182: {  	v9 =	vand.u32 $0x7F, v9;
	_ =	swait.ge [sflag:s26], $0x4000  }
0x183: {  	v10 =	vor.u32 v1, v9;
	[sflag:s26] =	ssyncset.done $0x0  }
0x184: {  	[sflag:s26] =	ssyncadd.s32 $0xFFFFC000  }
0x185: {  	v11 =	vor.u32 v2, v9;
	_ =	swait.ge [sflag:s26], $0x4000  }
0x186: {  	[sflag:s26] =	ssyncset.done $0x0  }
0x187: {  	v12 =	vor.u32 v3, v9;
	[sflag:s26] =	ssyncadd.s32 $0xFFFFC000  }
0x188: {  	v13 =	vld.idx.msk [tilespmem:v10+s22+$0x0], $0xffff  }
0x189: {  	v14 =	vor.u32 v4, v9;
	v17 =	vld.idx.msk [tilespmem:v10+s23+$0x0], $0xffff  }
0x18a: {  	v19 =	vld.idx.msk [tilespmem:v11+s22+$0x0], $0xffff  }
0x18b: {  	v10 =	vor.u32 v5, v9;
	v20 =	vld.idx.msk [tilespmem:v11+s23+$0x0], $0xffff  }
0x18c: {  	v21 =	vld.idx.msk [tilespmem:v12+s22+$0x0], $0xffff  }
0x18d: {  	v11 =	vor.u32 v6, v9;
	v22 =	vld.idx.msk [tilespmem:v12+s23+$0x0], $0xffff  }
0x18e: {  	v23 =	vld.idx.msk [tilespmem:v14+s22+$0x0], $0xffff  }
0x18f: {  	v24 =	vld.idx.msk [tilespmem:v14+s23+$0x0], $0xffff;
	v12 =	vor.u32 v7, v9  }
0x190: {  	s9 =	simm.s32 $0x1;
	v25 =	vld.idx.msk [tilespmem:v10+s22+$0x0], $0xffff  }
0x191: {  	v9 =	vor.u32 v8, v9;
	v26 =	vld.idx.msk [tilespmem:v10+s23+$0x0], $0xffff;
	v10 =	vadd.s32 s9, v0  }
0x192: {  	v28 =	vld.idx.msk [tilespmem:v11+s22+$0x0], $0xffff;
	v40 =	vand.u32 $0x7F, v10  }
0x193: {  	v30 =	vld.idx.msk [tilespmem:v11+s23+$0x0], $0xffff;
	v10 =	vor.u32 v1, v40  }
0x194: {  	v31 =	vld.idx.msk [tilespmem:v12+s22+$0x0], $0xffff  }
0x195: {  	v32 =	vld.idx.msk [tilespmem:v12+s23+$0x0], $0xffff;
	v11 =	vor.u32 v2, v40  }
0x196: {  	v27 =	vld.idx.msk [tilespmem:v9+s22+$0x0], $0xffff  }
0x197: {  	v29 =	vld.idx.msk [tilespmem:v9+s23+$0x0], $0xffff;
	v9 =	vor.u32 v3, v40  }
0x198: {  	v33 =	vld.idx.msk [tilespmem:v10+s22+$0x0], $0xffff  }
0x199: {  	v43 =	vor.u32 v4, v40;
	v34 =	vld.idx.msk [tilespmem:v10+s23+$0x0], $0xffff  }
0x19a: {  	v36 =	vld.idx.msk [tilespmem:v11+s22+$0x0], $0xffff  }
0x19b: {  	v42 =	vor.u32 v5, v40;
	v38 =	vld.idx.msk [tilespmem:v11+s23+$0x0], $0xffff  }
0x19c: {  	v18 =	vimm.f32 $0.0e+00;
	v16 =	vimm.f32 $0.0e+00;
	v15 =	vimm.f32 $0.0e+00;
	v35 =	vld.idx.msk [tilespmem:v9+s22+$0x0], $0xffff  }
0x19d: {  	v14 =	vimm.f32 $0.0e+00;
	v12 =	vimm.f32 $0.0e+00;
	v41 =	vor.u32 v6, v40;
	v39 =	vld.idx.msk [tilespmem:v9+s23+$0x0], $0xffff  }
0x19e: {  	s8 =	simm.s32 $0x2;
	v9 =	vimm.f32 $0.0e+00;
	v37 =	vld.idx.msk [tilespmem:v43+s22+$0x0], $0xffff;
	v10 =	vimm.f32 $0.0e+00;
	v11 =	vimm.f32 $0.0e+00  }
.LBB2_8:
0x19f: {  	p0 =	slt.u32 s8, $0x7E;
	v43 =	vld.idx.msk [tilespmem:v43+s23+$0x0], $0xffff;
	v44 =	vor.u32 v7, v40  }
0x1a0: {  	v45 =	vadd.s32 s8, v0;
	v46 =	vld.idx.msk [tilespmem:v42+s22+$0x0], $0xffff  }
0x1a1: {  	v40 =	vor.u32 v8, v40;
	v45 =	vand.u32 $0x7F, v45;
	v42 =	vld.idx.msk [tilespmem:v42+s23+$0x0], $0xffff  }
0x1a2: {  	v47 =	vor.u32 v1, v45;
	v48 =	vld.idx.msk [tilespmem:v41+s22+$0x0], $0xffff  }
0x1a3: {  	v17 =	vmul.f32 v17, v13;
	v19 =	vmul.f32 v20, v19;
	v49 =	vor.u32 v2, v45;
	v41 =	vld.idx.msk [tilespmem:v41+s23+$0x0], $0xffff  }
0x1a4: {  	v20 =	vmul.f32 v22, v21;
	v21 =	vmul.f32 v24, v23;
	v50 =	vor.u32 v3, v45;
	v22 =	vld.idx.msk [tilespmem:v44+s22+$0x0], $0xffff  }
0x1a5: {  	v23 =	vmul.f32 v26, v25;
	v25 =	vmul.f32 v30, v28;
	v24 =	vor.u32 v4, v45;
	v26 =	vld.idx.msk [tilespmem:v44+s23+$0x0], $0xffff  }
0x1a6: {  	v30 =	vmul.f32 v32, v31;
	v27 =	vmul.f32 v29, v27;
	v28 =	vor.u32 v5, v45;
	v29 =	vld.idx.msk [tilespmem:v40+s22+$0x0], $0xffff  }
0x1a7: {  	v32 =	vmul.f32 v34, v33;
	v33 =	vmul.f32 v38, v36;
	v31 =	vor.u32 v6, v45;
	v34 =	vld.idx.msk [tilespmem:v40+s23+$0x0], $0xffff  }
0x1a8: {  	v14 =	vadd.f32 v17, v14;
	v18 =	vadd.f32 v19, v18;
	v35 =	vmul.f32 v39, v35;
	v13 =	vld.idx.msk [tilespmem:v47+s22+$0x0], $0xffff  }
0x1a9: {  	v15 =	vadd.f32 v20, v15;
	v16 =	vadd.f32 v21, v16;
	v21 =	vmul.f32 v43, v37;
	v17 =	vld.idx.msk [tilespmem:v47+s23+$0x0], $0xffff  }
0x1aa: {  	v14 =	vadd.f32 v32, v14;
	v18 =	vadd.f32 v33, v18;
	v32 =	vmul.f32 v42, v46;
	v19 =	vld.idx.msk [tilespmem:v49+s22+$0x0], $0xffff  }
0x1ab: {  	v15 =	vadd.f32 v35, v15;
	v16 =	vadd.f32 v21, v16;
	v33 =	vmul.f32 v41, v48;
	v20 =	vld.idx.msk [tilespmem:v49+s23+$0x0], $0xffff  }
0x1ac: {  	v9 =	vadd.f32 v23, v9;
	v12 =	vadd.f32 v25, v12;
	v25 =	vmul.f32 v26, v22;
	v21 =	vld.idx.msk [tilespmem:v50+s22+$0x0], $0xffff  }
0x1ad: {  	v10 =	vadd.f32 v30, v10;
	v11 =	vadd.f32 v27, v11;
	v26 =	vmul.f32 v34, v29;
	v22 =	vld.idx.msk [tilespmem:v50+s23+$0x0], $0xffff  }
0x1ae: {  	v9 =	vadd.f32 v32, v9;
	v12 =	vadd.f32 v33, v12;
	v23 =	vld.idx.msk [tilespmem:v24+s22+$0x0], $0xffff  }
0x1af: {  	v27 =	vor.u32 v7, v45;
	v10 =	vadd.f32 v25, v10;
	v11 =	vadd.f32 v26, v11;
	v24 =	vld.idx.msk [tilespmem:v24+s23+$0x0], $0xffff  }
0x1b0: {  	s9 =	sadd.s32 $0x1, s8;
	v25 =	vld.idx.msk [tilespmem:v28+s22+$0x0], $0xffff  }
0x1b1: {  	v30 =	vadd.s32 s9, v0;
	v29 =	vor.u32 v8, v45;
	v26 =	vld.idx.msk [tilespmem:v28+s23+$0x0], $0xffff  }
0x1b2: {  	v40 =	vand.u32 $0x7F, v30;
	v28 =	vld.idx.msk [tilespmem:v31+s22+$0x0], $0xffff  }
0x1b3: {  	v34 =	vor.u32 v1, v40;
	v30 =	vld.idx.msk [tilespmem:v31+s23+$0x0], $0xffff  }
0x1b4: {  	v31 =	vld.idx.msk [tilespmem:v27+s22+$0x0], $0xffff  }
0x1b5: {  	v35 =	vor.u32 v2, v40;
	v32 =	vld.idx.msk [tilespmem:v27+s23+$0x0], $0xffff  }
0x1b6: {  	v27 =	vld.idx.msk [tilespmem:v29+s22+$0x0], $0xffff  }
0x1b7: {  	v37 =	vor.u32 v3, v40;
	v29 =	vld.idx.msk [tilespmem:v29+s23+$0x0], $0xffff  }
0x1b8: {  	v33 =	vld.idx.msk [tilespmem:v34+s22+$0x0], $0xffff  }
0x1b9: {  	v43 =	vor.u32 v4, v40;
	v34 =	vld.idx.msk [tilespmem:v34+s23+$0x0], $0xffff  }
.Ltmp3:
0x1ba: {  	v36 =	vld.idx.msk [tilespmem:v35+s22+$0x0], $0xffff;
	(pc) =	sbr.rel @p0 .LBB2_8-.Ltmp3, $4  }
0x1bb: {  	v42 =	vor.u32 v5, v40;
	v38 =	vld.idx.msk [tilespmem:v35+s23+$0x0], $0xffff  }
0x1bc: {  	v35 =	vld.idx.msk [tilespmem:v37+s22+$0x0], $0xffff  }
0x1bd: {  	v41 =	vor.u32 v6, v40;
	v39 =	vld.idx.msk [tilespmem:v37+s23+$0x0], $0xffff  }
0x1be: {  	s8 =	sadd.s32 $0x2, s8;
	v37 =	vld.idx.msk [tilespmem:v43+s22+$0x0], $0xffff  }
0x1bf: {  	_ =	sdelay $0x3  }
0x1c0: {  	v43 =	vld.idx.msk [tilespmem:v43+s23+$0x0], $0xffff  }
0x1c1: {  	v45 =	vld.idx.msk [tilespmem:v42+s22+$0x0], $0xffff  }
0x1c2: {  	v52 =	vld.idx.msk [tilespmem:v42+s23+$0x0], $0xffff  }
0x1c3: {  	v46 =	vld.idx.msk [tilespmem:v41+s22+$0x0], $0xffff  }
0x1c4: {  	v54 =	vld.idx.msk [tilespmem:v41+s23+$0x0], $0xffff  }
0x1c5: {  	v55 =	vmul.f32 v22, v21;
	v21 =	vld [tilespmem:$0x10580]  }
0x1c6: {  	v56 =	vmul.f32 v24, v23;
	v24 =	vld [tilespmem:$0x10780]  }
0x1c7: {  	v60 =	vld [tilespmem:$0x10590]  }
0x1c8: {  	v63 =	vld [tilespmem:$0x10790]  }
0x1c9: {  	v44 =	vor.u32 v7, v40;
	v49 =	vld [tilespmem:$0x105B0]  }
0x1ca: {  	v53 =	vor.u32 v8, v40;
	v13 =	vmul.f32 v17, v13;
	v19 =	vmul.f32 v20, v19;
	v51 =	vld [tilespmem:$0x107B0]  }
0x1cb: {  	v57 =	vmul.f32 v26, v25;
	v58 =	vmul.f32 v30, v28;
	v15 =	vadd.f32 v55, v15;
	v55 =	vld [tilespmem:$0x107C0]  }
0x1cc: {  	v59 =	vmul.f32 v32, v31;
	v61 =	vmul.f32 v34, v33;
	v16 =	vadd.f32 v56, v16;
	v56 =	vld [tilespmem:$0x105D0]  }
0x1cd: {  	v62 =	vmul.f32 v38, v36;
	v13 =	vadd.f32 v13, v14;
	v38 =	vmul.f32 v39, v35;
	v39 =	vld [tilespmem:$0x105A0]  }
0x1ce: {  	v27 =	vmul.f32 v29, v27;
	v36 =	vadd.f32 v19, v18;
	v9 =	vadd.f32 v57, v9;
	v47 =	vld.idx.msk [tilespmem:v44+s22+$0x0], $0xffff  }
0x1cf: {  	v12 =	vadd.f32 v58, v12;
	v10 =	vadd.f32 v59, v10;
	v44 =	vld.idx.msk [tilespmem:v44+s23+$0x0], $0xffff  }
0x1d0: {  	v11 =	vadd.f32 v27, v11;
	v13 =	vadd.f32 v61, v13;
	v48 =	vld.idx.msk [tilespmem:v53+s22+$0x0], $0xffff  }
0x1d1: {  	v14 =	vadd.f32 v62, v36;
	v17 =	vld.idx.msk [tilespmem:v53+s23+$0x0], $0xffff;
	v40 =	vmul.f32 v43, v37;
	v50 =	vmul.f32 v52, v45  }
0x1d2: {  	v43 =	vld [tilespmem:$0x107A0];
	v15 =	vadd.f32 v38, v15;
	v52 =	vmul.f32 v54, v46;
	v13 =	vadd.f32 v21, v13  }
0x1d3: {  	v53 =	vld [tilespmem:$0x105C0];
	v14 =	vadd.f32 v60, v14;
	v16 =	vadd.f32 v40, v16  }
0x1d4: {  	v57 =	vld [tilespmem:$0x107D0];
	v9 =	vadd.f32 v50, v9;
	v12 =	vadd.f32 v52, v12  }
0x1d5: {  	v58 =	vld [tilespmem:$0x105E0];
	v13 =	vadd.f32 v24, v13;
	v15 =	vadd.f32 v39, v15  }
0x1d6: {  	v59 =	vld [tilespmem:$0x105F0];
	v14 =	vadd.f32 v63, v14;
	v16 =	vadd.f32 v49, v16;
	v54 =	vmul.f32 v44, v47  }
0x1d7: {  	v60 =	vld [tilespmem:$0x107E0];
	v12 =	vadd.f32 v56, v12;
	v17 =	vmul.f32 v17, v48;
	v61 =	vadd.f32 v43, v15  }
0x1d8: {  	v62 =	vld [tilespmem:$0x107F0];
	[tilespmem:$0x10800] =	vst v13;
	v9 =	vadd.f32 v53, v9;
	v10 =	vadd.f32 v54, v10  }
0x1d9: {  	[tilespmem:$0x10810] =	vst v14;
	v63 =	vadd.f32 v51, v16;
	v11 =	vadd.f32 v17, v11  }
0x1da: {  	[tilespmem:$0x10820] =	vst v61;
	v9 =	vadd.f32 v55, v9;
	v10 =	vadd.f32 v58, v10  }
0x1db: {  	v12 =	vadd.f32 v57, v12;
	[tilespmem:$0x10830] =	vst v63;
	v11 =	vadd.f32 v59, v11  }
0x1dc: {  	[tilespmem:$0x10840] =	vst v9;
	v9 =	vadd.f32 v60, v10  }
0x1dd: {  	s7 =	sadd.s32 $0x1, s7;
	[tilespmem:$0x10850] =	vst v12;
	v10 =	vadd.f32 v62, v11  }
0x1de: {  	p0 =	sne.s32 s7, s15;
	[tilespmem:$0x10860] =	vst v9  }
.Ltmp4:
0x1df: {  	[tilespmem:$0x10870] =	vst v10;
	(pc) =	sbr.rel @p0 .LBB2_1-.Ltmp4, $4  }
0x1e0: {  	[hbm4b:s14+s4] =	stream.linear.scatter [tilespmem:s0], [sflag:$0x5], $0x80, $0x38;
	[tilespmem:$0x10880] =	vst v63  }
0x1e1: {  	_ =	swait.ge [sflag:s24], $0x80  }
0x1e2: {  	[sflag:s24] =	ssyncset.done $0x0  }
0x1e3: {  	[sflag:s24] =	ssyncadd.s32 $0xFFFFFF80  }
0x1e4: {  	_ =	sfence.sel $0x180000  }
0x1e5: {  	[bflag:$0x0] =	sbarrier.arrive $0xFFFF  }
0x1e6: {  	_ =	strace $0x90000047  }
0x1e7: {  	s0 =	stileid.u32;
	[bflag:$0x2] =	sbarrier.arrive $0xFFFF  }
0x1e8: {  	p0 =	sne.s32 s0, $0x0;
	s0 =	rddreg [dreg:$0x6]  }
0x1e9: {  	s0 =	sadd.s32 @!p0 $0x100000, s0  }
0x1ea: {  	[sflag:s0] =	ssyncadd.tile.s32 @!p0 $0x1;
	_ =	shalt  }
.Lfunc_end2:
_tile_overlayer_lowered:
.L_overlay_start_2:
0x1eb: {  	(tag) =	ssettag $0x2  }
0x1ec: {  	s0 =	rddreg [dreg:$0x0];
	s2 =	stileid.u32  }
0x1ed: {  	s1 =	rddreg [dreg:$0x1];
	p0 =	sne.s32 s2, $0x0  }
0x1ee: {  	s3 =	rddreg [dreg:$0x2];
	[bflag:$0x3] =	sbarrier.arrive $0xFFFF;
	s2 =	simm.s32 @!p0 $0x1C05  }
0x1ef: {  	[timem:s3], [sflag:s2] =	dma.local @!p0 [hbm:s0], s1  }
0x1f0: {  	s0 =	simm.s32 @!p0 $0x5  }
0x1f1: {  	_ =	swait.ge @!p0 [sflag:s0], s1  }
0x1f2: {  	s1 =	ssub.s32 @!p0 $0x0, s1;
	[sflag:s0] =	ssyncset.done @!p0 $0x0  }
0x1f3: {  	[sflag:s0] =	ssyncadd.s32 @!p0 s1  }
0x1f4: {  	[bflag:$0x3] =	sbarrier.arrive $0xFFFF  }
0x1f5: {  	_ =	shalt  }

</sc_bundles>
